<compile_context>
chip_gen: v7x
topology: tpu7x:2x2x1
jax: 0.10.2.dev20260603
libtpu: 0.0.44.dev20260713+nightly
codegen_flags: <defaults>
</compile_context>

<pallas_src>
import functools

import jax
import jax.numpy as jnp
from jax import lax
from jax.experimental import pallas as pl
from jax.experimental.pallas import tpu as pltpu
from jax.experimental.pallas import tpu_sc as plsc

B = 4096
NCAT = 26
VCAT = 100000
VSEQ = 1000000
L = 50
D = 32
NCONT = 13
HID = 128

NW = 32
BPW = B // NW
SEQ_PW = BPW * L
CCHUNK = 128
SCHUNK = 128
NSEQ_CHUNKS = SEQ_PW // SCHUNK

_sc_mesh = plsc.VectorSubcoreMesh(core_axis_name="c", subcore_axis_name="s")
_sc_params = pltpu.CompilerParams(use_tc_tiling_on_sc=False,
                                  needs_layout_passes=False)


@functools.partial(
    pl.kernel,
    mesh=_sc_mesh,
    compiler_params=_sc_params,
    out_type=jax.ShapeDtypeStruct((D, NCAT, B), jnp.float32),
    scratch_types=[
        pltpu.VMEM((NCAT, CCHUNK), jnp.int32),
        pltpu.VMEM((D, CCHUNK), jnp.float32),
        pltpu.SemaphoreType.DMA,
    ],
)
def _sc_gather_cat(cat_idx_hbm, cat_tab_hbm, cat_out_hbm, cidx_v, out_v, sem):
    sid = lax.axis_index("s")
    wid = sid * 2 + lax.axis_index("c")
    pltpu.sync_copy(cat_idx_hbm.at[wid], cidx_v)

    def cat_body(k, carry):
        copies = []
        for c in range(D):
            copies.append(
                pltpu.async_copy(cat_tab_hbm.at[k].at[c].at[cidx_v.at[k]],
                                 out_v.at[c], sem))
        for cp in copies:
            cp.wait()
        pltpu.sync_copy(out_v,
                        cat_out_hbm.at[:, k, pl.ds(wid * BPW, BPW)])
        return carry

    lax.fori_loop(0, NCAT, cat_body, 0)


@functools.partial(
    pl.kernel,
    mesh=_sc_mesh,
    compiler_params=_sc_params,
    out_type=jax.ShapeDtypeStruct((B, D), jnp.float32),
    scratch_types=[
        pltpu.VMEM((NSEQ_CHUNKS, SCHUNK), jnp.int32),
        pltpu.VMEM((NSEQ_CHUNKS, SCHUNK), jnp.int32),
        pltpu.VMEM((SCHUNK, D), jnp.float32),
        pltpu.VMEM_SHARED((16 * BPW, D), jnp.float32),
        pltpu.VMEM((BPW, D), jnp.float32),
        pltpu.SemaphoreType.DMA,
        pltpu.SemaphoreType.DMA,
    ],
)
def _sc_gather_seq(seq_idx_hbm, pat_hbm, zeros_hbm, seq_tab_hbm, seq_out_hbm,
                   sidx_v, pat_v, rows_v, acc_shared, tmp_v, sem_g, sem_s):
    sid = lax.axis_index("s")
    wid = sid * 2 + lax.axis_index("c")

    pltpu.sync_copy(seq_idx_hbm.at[wid], sidx_v)
    pltpu.sync_copy(pat_hbm.at[sid], pat_v)
    pltpu.sync_copy(zeros_hbm, tmp_v)
    pltpu.sync_copy(tmp_v, acc_shared.at[pl.ds(sid * BPW, BPW)])

    def seq_body(k, carry):
        pltpu.async_copy(seq_tab_hbm.at[sidx_v.at[k]], rows_v, sem_g).wait()
        pltpu.async_copy(rows_v, acc_shared.at[pat_v.at[k]], sem_s,
                         add=True).wait()
        return carry

    lax.fori_loop(0, NSEQ_CHUNKS, seq_body, 0)

    pltpu.sync_copy(acc_shared.at[pl.ds(sid * BPW, BPW)], tmp_v)
    pltpu.sync_copy(tmp_v, seq_out_hbm.at[pl.ds(wid * BPW, BPW)])


BLK = 512
CAT_F = NCAT * D


def _mlp_body(cat_ref, cont_ref, seq_ref, w1c_ref, w1x_ref, w1s_ref,
              b1_ref, w2_ref, b2_ref, out_ref):
    catm = cat_ref[...].reshape(D * NCAT, cat_ref.shape[2])
    hc = lax.dot_general(catm, w1c_ref[...], (((0,), (0,)), ((), ())),
                         preferred_element_type=jnp.float32)
    hs = jnp.dot(seq_ref[...] * (1.0 / L), w1s_ref[...],
                 preferred_element_type=jnp.float32)
    hx = jnp.dot(cont_ref[...], w1x_ref[...],
                 preferred_element_type=jnp.float32)
    h = jnp.maximum(hc + hs + hx + b1_ref[...], 0.0)
    logits = jnp.sum(h * w2_ref[...], axis=1) + b2_ref[0, 0]
    out_ref[...] = logits[None, :]


def kernel(x_cat, x_cont, hist_seq, cat_tables, seq_table, W1, b1, W2, b2):
    cat_tab = cat_tables.transpose(0, 2, 1)

    xc = x_cat.T.reshape(NCAT, NW, BPW).transpose(1, 0, 2)
    hs = hist_seq.reshape(NW, NSEQ_CHUNKS, SCHUNK)
    base_pat = jnp.arange(SEQ_PW, dtype=jnp.int32) // L
    pat = (base_pat[None, :] + jnp.arange(16, dtype=jnp.int32)[:, None] * BPW
           ).reshape(16, NSEQ_CHUNKS, SCHUNK)
    zeros = jnp.zeros((BPW, D), jnp.float32)

    seq_sum = _sc_gather_seq(hs, pat, zeros, seq_table)
    cat_t = _sc_gather_cat(xc, cat_tab)

    w1c = W1[:CAT_F].reshape(NCAT, D, HID).transpose(1, 0, 2).reshape(CAT_F, HID)
    w1x = W1[CAT_F:CAT_F + NCONT]
    w1s = W1[CAT_F + NCONT:]

    out = pl.pallas_call(
        _mlp_body,
        grid=(B // BLK,),
        in_specs=[
            pl.BlockSpec((D, NCAT, BLK), lambda i: (0, 0, i)),
            pl.BlockSpec((BLK, NCONT), lambda i: (i, 0)),
            pl.BlockSpec((BLK, D), lambda i: (i, 0)),
            pl.BlockSpec((CAT_F, HID), lambda i: (0, 0)),
            pl.BlockSpec((NCONT, HID), lambda i: (0, 0)),
            pl.BlockSpec((D, HID), lambda i: (0, 0)),
            pl.BlockSpec((1, HID), lambda i: (0, 0)),
            pl.BlockSpec((1, HID), lambda i: (0, 0)),
            pl.BlockSpec((1, 1), lambda i: (0, 0)),
        ],
        out_specs=pl.BlockSpec((1, BLK), lambda i: (0, i)),
        out_shape=jax.ShapeDtypeStruct((1, B), jnp.float32),
    )(cat_t, x_cont, seq_sum,
      w1c, w1x, w1s, b1[None, :], W2.T, b2[None, :])

    return out[0]

# --- scband reference (transcript-rebuilt; emitter-appended) ---
"""Pipeline reference for scband-hydra-model-7112465842550 (READ-ONLY COPY).

The authoritative reference and input builder live on the scoring server;
editing this copy changes nothing except your own understanding.
"""

import jax, jax.numpy as jnp
import numpy as np

B = 4096
NCAT = 26
VCAT = 100000
VSEQ = 1000000
L = 50
D = 32
NCONT = 13
TOTAL = NCAT * D + NCONT + D  # 877
HID = 128


def setup_inputs(seed: int = 0) -> dict:
    key = jax.random.key(seed)
    ks = jax.random.split(key, 9)
    x_cat = jax.random.randint(ks[0], (B, NCAT), 0, VCAT, dtype=jnp.int32)
    x_cont = jax.random.normal(ks[1], (B, NCONT), dtype=jnp.float32)
    hist_seq = jax.random.randint(ks[2], (B, L), 0, VSEQ, dtype=jnp.int32)
    cat_tables = jax.random.normal(ks[3], (NCAT, VCAT, D), dtype=jnp.float32) * 0.02
    cat_tables = cat_tables.at[:, 0, :].set(0.0)  # padding_idx=0
    seq_table = jax.random.normal(ks[4], (VSEQ, D), dtype=jnp.float32) * 0.02
    seq_table = seq_table.at[0, :].set(0.0)  # padding_idx=0
    W1 = jax.random.normal(ks[5], (TOTAL, HID), dtype=jnp.float32) * 0.02
    b1 = jnp.zeros((HID,), dtype=jnp.float32)
    W2 = jax.random.normal(ks[6], (HID, 1), dtype=jnp.float32) * 0.02
    b2 = jnp.zeros((1,), dtype=jnp.float32)
    return {"x_cat": x_cat, "x_cont": x_cont, "hist_seq": hist_seq,
            "cat_tables": cat_tables, "seq_table": seq_table,
            "W1": W1, "b1": b1, "W2": W2, "b2": b2}


def reference(x_cat, x_cont, hist_seq, cat_tables, seq_table, W1, b1, W2, b2):
    # per-field categorical embedding lookup: table[i][x_cat[:, i]] -> [B, NCAT, D]
    field_idx = jnp.arange(NCAT, dtype=x_cat.dtype)[None, :]
    cat_emb = cat_tables[field_idx, x_cat]            # [B, NCAT, D]
    cat_flat = cat_emb.reshape(cat_emb.shape[0], NCAT * D)
    # sequence embedding + mean pool over time
    seq_emb = jnp.take(seq_table, hist_seq, axis=0)   # [B, L, D]
    seq_pooled = jnp.mean(seq_emb, axis=1)            # [B, D]
    # concat order matches torch forward: cats, continuous, pooled seq
    feats = jnp.concatenate([cat_flat, x_cont, seq_pooled], axis=1)
    # MLP (dropout is identity in eval mode)
    h = jax.nn.relu(feats @ W1 + b1)
    logits = h @ W2 + b2
    return logits.squeeze(-1)

if __name__ == "__main__":
    import jax
    _d = setup_inputs()
    print(jax.jit(kernel)(*tuple(_d.values())))

</pallas_src>

<mosaic_0001>
#map = affine_map<(d0, d1) -> (0, 0, 0)>
#map1 = affine_map<(d0, d1) -> (0, 0)>
module attributes {stable_mosaic.version = 14 : i64} {
  func.func @_sc_gather_seq(%arg0: i32, %arg1: i32, %arg2: memref<32x50x128xi32, #tpu.memory_space<hbm>>, %arg3: memref<16x50x128xi32, #tpu.memory_space<hbm>>, %arg4: memref<128x32xf32, #tpu.memory_space<hbm>>, %arg5: memref<1000000x32xf32, #tpu.memory_space<hbm>>, %arg6: memref<4096x32xf32, #tpu.memory_space<hbm>>, %arg7: memref<50x128xi32, #tpu.memory_space<vmem>>, %arg8: memref<50x128xi32, #tpu.memory_space<vmem>>, %arg9: memref<128x32xf32, #tpu.memory_space<vmem>>, %arg10: memref<2048x32xf32, #tpu.memory_space<vmem_shared>>, %arg11: memref<128x32xf32, #tpu.memory_space<vmem>>, %arg12: memref<!tpu.dma_semaphore, #tpu.memory_space<semaphore_mem>>, %arg13: memref<!tpu.dma_semaphore, #tpu.memory_space<semaphore_mem>>) attributes {dimension_semantics = [#tpu.dimension_semantics<core_parallel>, #tpu.dimension_semantics<subcore_parallel>], iteration_bounds = array<i64: 2, 16>, scalar_prefetch = 0 : i64, scratch_operands = 7 : i64, tpu.core_type = #tpu.core_type<sc_vector_subcore>, window_params = [{transform_indices = #map}, {transform_indices = #map}, {transform_indices = #map1}, {transform_indices = #map1}, {transform_indices = #map1}]} {
    %mul3A = arith.constant 2 : i32
    %mul3A_0 = arith.muli %arg1, %mul3A : i32
    %add3A = arith.addi %mul3A_0, %arg0 : i32
    "tpu.region"() ({
      %run_scoped3A = tpu.sem_alloc : memref<!tpu.dma_semaphore, #tpu.memory_space<semaphore_mem>>
      %dma_start3A = arith.constant 0 : i32
      %dma_start3A_12 = arith.constant 0 : i32
      %dma_start3A_13 = tpu.memref_slice %arg2[%add3A, %dma_start3A, %dma_start3A_12] : memref<32x50x128xi32, #tpu.memory_space<hbm>> -> memref<1x50x128xi32, #tpu.memory_space<hbm>>
      %dma_start3A_14 = tpu.memref_squeeze %dma_start3A_13 : memref<1x50x128xi32, #tpu.memory_space<hbm>> -> memref<50x128xi32, #tpu.memory_space<hbm>>
      %dma_start3A_15 = arith.constant 0 : i32
      %dma_start3A_16 = arith.constant 0 : i32
      %dma_start3A_17 = tpu.memref_slice %arg2[%add3A, %dma_start3A_15, %dma_start3A_16] : memref<32x50x128xi32, #tpu.memory_space<hbm>> -> memref<1x50x128xi32, #tpu.memory_space<hbm>>
      %dma_start3A_18 = tpu.memref_squeeze %dma_start3A_17 : memref<1x50x128xi32, #tpu.memory_space<hbm>> -> memref<50x128xi32, #tpu.memory_space<hbm>>
      tpu.enqueue_dma source(%dma_start3A_18 : memref<50x128xi32, #tpu.memory_space<hbm>>) target(%arg7 : memref<50x128xi32, #tpu.memory_space<vmem>>) target_semaphore(%run_scoped3A : memref<!tpu.dma_semaphore, #tpu.memory_space<semaphore_mem>>)
      %dma_wait3A = arith.constant 0 : i32
      %dma_wait3A_19 = arith.constant 0 : i32
      %dma_wait3A_20 = tpu.memref_slice %arg2[%add3A, %dma_wait3A, %dma_wait3A_19] : memref<32x50x128xi32, #tpu.memory_space<hbm>> -> memref<1x50x128xi32, #tpu.memory_space<hbm>>
      %dma_wait3A_21 = tpu.memref_squeeze %dma_wait3A_20 : memref<1x50x128xi32, #tpu.memory_space<hbm>> -> memref<50x128xi32, #tpu.memory_space<hbm>>
      %dma_wait3A_22 = arith.constant 0 : i32
      %dma_wait3A_23 = arith.constant 0 : i32
      %dma_wait3A_24 = tpu.memref_slice %arg2[%add3A, %dma_wait3A_22, %dma_wait3A_23] : memref<32x50x128xi32, #tpu.memory_space<hbm>> -> memref<1x50x128xi32, #tpu.memory_space<hbm>>
      %dma_wait3A_25 = tpu.memref_squeeze %dma_wait3A_24 : memref<1x50x128xi32, #tpu.memory_space<hbm>> -> memref<50x128xi32, #tpu.memory_space<hbm>>
      tpu.wait_dma2 semaphore(%run_scoped3A : memref<!tpu.dma_semaphore, #tpu.memory_space<semaphore_mem>>) src(%dma_wait3A_25 : memref<50x128xi32, #tpu.memory_space<hbm>>) dst(%arg7 : memref<50x128xi32, #tpu.memory_space<vmem>>)
      tpu.yield
    }) : () -> ()
    "tpu.region"() ({
      %run_scoped3A = tpu.sem_alloc : memref<!tpu.dma_semaphore, #tpu.memory_space<semaphore_mem>>
      %dma_start3A = arith.constant 0 : i32
      %dma_start3A_12 = arith.constant 0 : i32
      %dma_start3A_13 = tpu.memref_slice %arg3[%arg1, %dma_start3A, %dma_start3A_12] : memref<16x50x128xi32, #tpu.memory_space<hbm>> -> memref<1x50x128xi32, #tpu.memory_space<hbm>>
      %dma_start3A_14 = tpu.memref_squeeze %dma_start3A_13 : memref<1x50x128xi32, #tpu.memory_space<hbm>> -> memref<50x128xi32, #tpu.memory_space<hbm>>
      %dma_start3A_15 = arith.constant 0 : i32
      %dma_start3A_16 = arith.constant 0 : i32
      %dma_start3A_17 = tpu.memref_slice %arg3[%arg1, %dma_start3A_15, %dma_start3A_16] : memref<16x50x128xi32, #tpu.memory_space<hbm>> -> memref<1x50x128xi32, #tpu.memory_space<hbm>>
      %dma_start3A_18 = tpu.memref_squeeze %dma_start3A_17 : memref<1x50x128xi32, #tpu.memory_space<hbm>> -> memref<50x128xi32, #tpu.memory_space<hbm>>
      tpu.enqueue_dma source(%dma_start3A_18 : memref<50x128xi32, #tpu.memory_space<hbm>>) target(%arg8 : memref<50x128xi32, #tpu.memory_space<vmem>>) target_semaphore(%run_scoped3A : memref<!tpu.dma_semaphore, #tpu.memory_space<semaphore_mem>>)
      %dma_wait3A = arith.constant 0 : i32
      %dma_wait3A_19 = arith.constant 0 : i32
      %dma_wait3A_20 = tpu.memref_slice %arg3[%arg1, %dma_wait3A, %dma_wait3A_19] : memref<16x50x128xi32, #tpu.memory_space<hbm>> -> memref<1x50x128xi32, #tpu.memory_space<hbm>>
      %dma_wait3A_21 = tpu.memref_squeeze %dma_wait3A_20 : memref<1x50x128xi32, #tpu.memory_space<hbm>> -> memref<50x128xi32, #tpu.memory_space<hbm>>
      %dma_wait3A_22 = arith.constant 0 : i32
      %dma_wait3A_23 = arith.constant 0 : i32
      %dma_wait3A_24 = tpu.memref_slice %arg3[%arg1, %dma_wait3A_22, %dma_wait3A_23] : memref<16x50x128xi32, #tpu.memory_space<hbm>> -> memref<1x50x128xi32, #tpu.memory_space<hbm>>
      %dma_wait3A_25 = tpu.memref_squeeze %dma_wait3A_24 : memref<1x50x128xi32, #tpu.memory_space<hbm>> -> memref<50x128xi32, #tpu.memory_space<hbm>>
      tpu.wait_dma2 semaphore(%run_scoped3A : memref<!tpu.dma_semaphore, #tpu.memory_space<semaphore_mem>>) src(%dma_wait3A_25 : memref<50x128xi32, #tpu.memory_space<hbm>>) dst(%arg8 : memref<50x128xi32, #tpu.memory_space<vmem>>)
      tpu.yield
    }) : () -> ()
    "tpu.region"() ({
      %run_scoped3A = tpu.sem_alloc : memref<!tpu.dma_semaphore, #tpu.memory_space<semaphore_mem>>
      tpu.enqueue_dma source(%arg4 : memref<128x32xf32, #tpu.memory_space<hbm>>) target(%arg11 : memref<128x32xf32, #tpu.memory_space<vmem>>) target_semaphore(%run_scoped3A : memref<!tpu.dma_semaphore, #tpu.memory_space<semaphore_mem>>)
      tpu.wait_dma2 semaphore(%run_scoped3A : memref<!tpu.dma_semaphore, #tpu.memory_space<semaphore_mem>>) src(%arg4 : memref<128x32xf32, #tpu.memory_space<hbm>>) dst(%arg11 : memref<128x32xf32, #tpu.memory_space<vmem>>)
      tpu.yield
    }) : () -> ()
    %mul3A_1 = arith.constant 128 : i32
    %mul3A_2 = arith.muli %arg1, %mul3A_1 : i32
    "tpu.region"() ({
      %run_scoped3A = tpu.sem_alloc : memref<!tpu.dma_semaphore, #tpu.memory_space<semaphore_mem>>
      %dma_start3A = arith.constant 0 : i32
      %dma_start3A_12 = tpu.memref_slice %arg10[%mul3A_2, %dma_start3A] : memref<2048x32xf32, #tpu.memory_space<vmem_shared>> -> memref<128x32xf32, #tpu.memory_space<vmem_shared>>
      %dma_start3A_13 = arith.constant 0 : i32
      %dma_start3A_14 = tpu.memref_slice %arg10[%mul3A_2, %dma_start3A_13] : memref<2048x32xf32, #tpu.memory_space<vmem_shared>> -> memref<128x32xf32, #tpu.memory_space<vmem_shared>>
      tpu.enqueue_dma source(%arg11 : memref<128x32xf32, #tpu.memory_space<vmem>>) target(%dma_start3A_14 : memref<128x32xf32, #tpu.memory_space<vmem_shared>>) target_semaphore(%run_scoped3A : memref<!tpu.dma_semaphore, #tpu.memory_space<semaphore_mem>>)
      %dma_wait3A = arith.constant 0 : i32
      %dma_wait3A_15 = tpu.memref_slice %arg10[%mul3A_2, %dma_wait3A] : memref<2048x32xf32, #tpu.memory_space<vmem_shared>> -> memref<128x32xf32, #tpu.memory_space<vmem_shared>>
      %dma_wait3A_16 = arith.constant 0 : i32
      %dma_wait3A_17 = tpu.memref_slice %arg10[%mul3A_2, %dma_wait3A_16] : memref<2048x32xf32, #tpu.memory_space<vmem_shared>> -> memref<128x32xf32, #tpu.memory_space<vmem_shared>>
      tpu.wait_dma2 semaphore(%run_scoped3A : memref<!tpu.dma_semaphore, #tpu.memory_space<semaphore_mem>>) src(%arg11 : memref<128x32xf32, #tpu.memory_space<vmem>>) dst(%dma_wait3A_17 : memref<128x32xf32, #tpu.memory_space<vmem_shared>>)
      tpu.yield
    }) : () -> ()
    %scan3A = arith.constant 0 : i32
    %scan3A_3 = arith.constant 0 : i32
    %scan3A_4 = arith.constant 50 : i32
    %scan3A_5 = arith.addi %scan3A_3, %scan3A_4 : i32
    %scan3A_6 = arith.constant 1 : i32
    scf.for %scan3A_12 = %scan3A_3 to %scan3A_5 step %scan3A_6  : i32 {
      %dma_start3A = arith.constant 0 : i32
      %dma_start3A_13 = tpu.memref_slice %arg7[%scan3A_12, %dma_start3A] : memref<50x128xi32, #tpu.memory_space<vmem>> -> memref<1x128xi32, #tpu.memory_space<vmem>>
      %dma_start3A_14 = tpu.memref_squeeze %dma_start3A_13 : memref<1x128xi32, #tpu.memory_space<vmem>> -> memref<128xi32, #tpu.memory_space<vmem>>
      %dma_start3A_15 = arith.constant 0 : i32
      %dma_start3A_16 = arith.constant 0 : i32
      %dma_start3A_17 = tpu.memref_slice %arg5[%dma_start3A_15, %dma_start3A_16] : memref<1000000x32xf32, #tpu.memory_space<hbm>> -> memref<1000000x32xf32, #tpu.memory_space<hbm>>
      tpu.enqueue_indirect_dma source(%dma_start3A_17 : memref<1000000x32xf32, #tpu.memory_space<hbm>>) target(%arg9 : memref<128x32xf32, #tpu.memory_space<vmem>>) offsets(%dma_start3A_14 : memref<128xi32, #tpu.memory_space<vmem>>) semaphore(%arg12 : memref<!tpu.dma_semaphore, #tpu.memory_space<semaphore_mem>>)
      %dma_wait3A = arith.constant 0 : i32
      %dma_wait3A_18 = tpu.memref_slice %arg7[%scan3A_12, %dma_wait3A] : memref<50x128xi32, #tpu.memory_space<vmem>> -> memref<1x128xi32, #tpu.memory_space<vmem>>
      %dma_wait3A_19 = tpu.memref_squeeze %dma_wait3A_18 : memref<1x128xi32, #tpu.memory_space<vmem>> -> memref<128xi32, #tpu.memory_space<vmem>>
      %dma_wait3A_20 = arith.constant 0 : i32
      %dma_wait3A_21 = arith.constant 0 : i32
      %dma_wait3A_22 = tpu.memref_slice %arg5[%dma_wait3A_20, %dma_wait3A_21] : memref<1000000x32xf32, #tpu.memory_space<hbm>> -> memref<1000000x32xf32, #tpu.memory_space<hbm>>
      tpu.wait_indirect_dma semaphore(%arg12 : memref<!tpu.dma_semaphore, #tpu.memory_space<semaphore_mem>>) src(%dma_wait3A_22 : memref<1000000x32xf32, #tpu.memory_space<hbm>>) dst(%arg9 : memref<128x32xf32, #tpu.memory_space<vmem>>)
      %dma_start3A_23 = arith.constant 0 : i32
      %dma_start3A_24 = tpu.memref_slice %arg8[%scan3A_12, %dma_start3A_23] : memref<50x128xi32, #tpu.memory_space<vmem>> -> memref<1x128xi32, #tpu.memory_space<vmem>>
      %dma_start3A_25 = tpu.memref_squeeze %dma_start3A_24 : memref<1x128xi32, #tpu.memory_space<vmem>> -> memref<128xi32, #tpu.memory_space<vmem>>
      %dma_start3A_26 = arith.constant 0 : i32
      %dma_start3A_27 = arith.constant 0 : i32
      %dma_start3A_28 = tpu.memref_slice %arg10[%dma_start3A_26, %dma_start3A_27] : memref<2048x32xf32, #tpu.memory_space<vmem_shared>> -> memref<2048x32xf32, #tpu.memory_space<vmem_shared>>
      tpu.enqueue_indirect_dma source(%arg9 : memref<128x32xf32, #tpu.memory_space<vmem>>) target(%dma_start3A_28 : memref<2048x32xf32, #tpu.memory_space<vmem_shared>>) offsets(%dma_start3A_25 : memref<128xi32, #tpu.memory_space<vmem>>) semaphore(%arg13 : memref<!tpu.dma_semaphore, #tpu.memory_space<semaphore_mem>>) {add = true}
      %dma_wait3A_29 = arith.constant 0 : i32
      %dma_wait3A_30 = tpu.memref_slice %arg8[%scan3A_12, %dma_wait3A_29] : memref<50x128xi32, #tpu.memory_space<vmem>> -> memref<1x128xi32, #tpu.memory_space<vmem>>
      %dma_wait3A_31 = tpu.memref_squeeze %dma_wait3A_30 : memref<1x128xi32, #tpu.memory_space<vmem>> -> memref<128xi32, #tpu.memory_space<vmem>>
      %dma_wait3A_32 = arith.constant 0 : i32
      %dma_wait3A_33 = arith.constant 0 : i32
      %dma_wait3A_34 = tpu.memref_slice %arg10[%dma_wait3A_32, %dma_wait3A_33] : memref<2048x32xf32, #tpu.memory_space<vmem_shared>> -> memref<2048x32xf32, #tpu.memory_space<vmem_shared>>
      tpu.wait_indirect_dma semaphore(%arg13 : memref<!tpu.dma_semaphore, #tpu.memory_space<semaphore_mem>>) src(%arg9 : memref<128x32xf32, #tpu.memory_space<vmem>>) dst(%dma_wait3A_34 : memref<2048x32xf32, #tpu.memory_space<vmem_shared>>)
    }
    %scan3A_7 = arith.constant 50 : i32
    %mul3A_8 = arith.constant 128 : i32
    %mul3A_9 = arith.muli %arg1, %mul3A_8 : i32
    "tpu.region"() ({
      %run_scoped3A = tpu.sem_alloc : memref<!tpu.dma_semaphore, #tpu.memory_space<semaphore_mem>>
      %dma_start3A = arith.constant 0 : i32
      %dma_start3A_12 = tpu.memref_slice %arg10[%mul3A_9, %dma_start3A] : memref<2048x32xf32, #tpu.memory_space<vmem_shared>> -> memref<128x32xf32, #tpu.memory_space<vmem_shared>>
      %dma_start3A_13 = arith.constant 0 : i32
      %dma_start3A_14 = tpu.memref_slice %arg10[%mul3A_9, %dma_start3A_13] : memref<2048x32xf32, #tpu.memory_space<vmem_shared>> -> memref<128x32xf32, #tpu.memory_space<vmem_shared>>
      tpu.enqueue_dma source(%dma_start3A_14 : memref<128x32xf32, #tpu.memory_space<vmem_shared>>) target(%arg11 : memref<128x32xf32, #tpu.memory_space<vmem>>) target_semaphore(%run_scoped3A : memref<!tpu.dma_semaphore, #tpu.memory_space<semaphore_mem>>)
      %dma_wait3A = arith.constant 0 : i32
      %dma_wait3A_15 = tpu.memref_slice %arg10[%mul3A_9, %dma_wait3A] : memref<2048x32xf32, #tpu.memory_space<vmem_shared>> -> memref<128x32xf32, #tpu.memory_space<vmem_shared>>
      %dma_wait3A_16 = arith.constant 0 : i32
      %dma_wait3A_17 = tpu.memref_slice %arg10[%mul3A_9, %dma_wait3A_16] : memref<2048x32xf32, #tpu.memory_space<vmem_shared>> -> memref<128x32xf32, #tpu.memory_space<vmem_shared>>
      tpu.wait_dma2 semaphore(%run_scoped3A : memref<!tpu.dma_semaphore, #tpu.memory_space<semaphore_mem>>) src(%dma_wait3A_17 : memref<128x32xf32, #tpu.memory_space<vmem_shared>>) dst(%arg11 : memref<128x32xf32, #tpu.memory_space<vmem>>)
      tpu.yield
    }) : () -> ()
    %mul3A_10 = arith.constant 128 : i32
    %mul3A_11 = arith.muli %add3A, %mul3A_10 : i32
    "tpu.region"() ({
      %run_scoped3A = tpu.sem_alloc : memref<!tpu.dma_semaphore, #tpu.memory_space<semaphore_mem>>
      %dma_start3A = arith.constant 0 : i32
      %dma_start3A_12 = tpu.memref_slice %arg6[%mul3A_11, %dma_start3A] : memref<4096x32xf32, #tpu.memory_space<hbm>> -> memref<128x32xf32, #tpu.memory_space<hbm>>
      %dma_start3A_13 = arith.constant 0 : i32
      %dma_start3A_14 = tpu.memref_slice %arg6[%mul3A_11, %dma_start3A_13] : memref<4096x32xf32, #tpu.memory_space<hbm>> -> memref<128x32xf32, #tpu.memory_space<hbm>>
      tpu.enqueue_dma source(%arg11 : memref<128x32xf32, #tpu.memory_space<vmem>>) target(%dma_start3A_14 : memref<128x32xf32, #tpu.memory_space<hbm>>) target_semaphore(%run_scoped3A : memref<!tpu.dma_semaphore, #tpu.memory_space<semaphore_mem>>)
      %dma_wait3A = arith.constant 0 : i32
      %dma_wait3A_15 = tpu.memref_slice %arg6[%mul3A_11, %dma_wait3A] : memref<4096x32xf32, #tpu.memory_space<hbm>> -> memref<128x32xf32, #tpu.memory_space<hbm>>
      %dma_wait3A_16 = arith.constant 0 : i32
      %dma_wait3A_17 = tpu.memref_slice %arg6[%mul3A_11, %dma_wait3A_16] : memref<4096x32xf32, #tpu.memory_space<hbm>> -> memref<128x32xf32, #tpu.memory_space<hbm>>
      tpu.wait_dma2 semaphore(%run_scoped3A : memref<!tpu.dma_semaphore, #tpu.memory_space<semaphore_mem>>) src(%arg11 : memref<128x32xf32, #tpu.memory_space<vmem>>) dst(%dma_wait3A_17 : memref<128x32xf32, #tpu.memory_space<hbm>>)
      tpu.yield
    }) : () -> ()
    return
  }
}

#map = affine_map<(d0, d1) -> (0, 0, 0)>
module attributes {stable_mosaic.version = 14 : i64} {
  func.func @_sc_gather_cat(%arg0: i32, %arg1: i32, %arg2: memref<32x26x128xi32, #tpu.memory_space<hbm>>, %arg3: memref<26x32x100000xf32, #tpu.memory_space<hbm>>, %arg4: memref<32x26x4096xf32, #tpu.memory_space<hbm>>, %arg5: memref<26x128xi32, #tpu.memory_space<vmem>>, %arg6: memref<32x128xf32, #tpu.memory_space<vmem>>, %arg7: memref<!tpu.dma_semaphore, #tpu.memory_space<semaphore_mem>>) attributes {dimension_semantics = [#tpu.dimension_semantics<core_parallel>, #tpu.dimension_semantics<subcore_parallel>], iteration_bounds = array<i64: 2, 16>, scalar_prefetch = 0 : i64, scratch_operands = 3 : i64, tpu.core_type = #tpu.core_type<sc_vector_subcore>, window_params = [{transform_indices = #map}, {transform_indices = #map}, {transform_indices = #map}]} {
    %mul3A = arith.constant 2 : i32
    %mul3A_0 = arith.muli %arg1, %mul3A : i32
    %add3A = arith.addi %mul3A_0, %arg0 : i32
    "tpu.region"() ({
      %run_scoped3A = tpu.sem_alloc : memref<!tpu.dma_semaphore, #tpu.memory_space<semaphore_mem>>
      %dma_start3A = arith.constant 0 : i32
      %dma_start3A_6 = arith.constant 0 : i32
      %dma_start3A_7 = tpu.memref_slice %arg2[%add3A, %dma_start3A, %dma_start3A_6] : memref<32x26x128xi32, #tpu.memory_space<hbm>> -> memref<1x26x128xi32, #tpu.memory_space<hbm>>
      %dma_start3A_8 = tpu.memref_squeeze %dma_start3A_7 : memref<1x26x128xi32, #tpu.memory_space<hbm>> -> memref<26x128xi32, #tpu.memory_space<hbm>>
      %dma_start3A_9 = arith.constant 0 : i32
      %dma_start3A_10 = arith.constant 0 : i32
      %dma_start3A_11 = tpu.memref_slice %arg2[%add3A, %dma_start3A_9, %dma_start3A_10] : memref<32x26x128xi32, #tpu.memory_space<hbm>> -> memref<1x26x128xi32, #tpu.memory_space<hbm>>
      %dma_start3A_12 = tpu.memref_squeeze %dma_start3A_11 : memref<1x26x128xi32, #tpu.memory_space<hbm>> -> memref<26x128xi32, #tpu.memory_space<hbm>>
      tpu.enqueue_dma source(%dma_start3A_12 : memref<26x128xi32, #tpu.memory_space<hbm>>) target(%arg5 : memref<26x128xi32, #tpu.memory_space<vmem>>) target_semaphore(%run_scoped3A : memref<!tpu.dma_semaphore, #tpu.memory_space<semaphore_mem>>)
      %dma_wait3A = arith.constant 0 : i32
      %dma_wait3A_13 = arith.constant 0 : i32
      %dma_wait3A_14 = tpu.memref_slice %arg2[%add3A, %dma_wait3A, %dma_wait3A_13] : memref<32x26x128xi32, #tpu.memory_space<hbm>> -> memref<1x26x128xi32, #tpu.memory_space<hbm>>
      %dma_wait3A_15 = tpu.memref_squeeze %dma_wait3A_14 : memref<1x26x128xi32, #tpu.memory_space<hbm>> -> memref<26x128xi32, #tpu.memory_space<hbm>>
      %dma_wait3A_16 = arith.constant 0 : i32
      %dma_wait3A_17 = arith.constant 0 : i32
      %dma_wait3A_18 = tpu.memref_slice %arg2[%add3A, %dma_wait3A_16, %dma_wait3A_17] : memref<32x26x128xi32, #tpu.memory_space<hbm>> -> memref<1x26x128xi32, #tpu.memory_space<hbm>>
      %dma_wait3A_19 = tpu.memref_squeeze %dma_wait3A_18 : memref<1x26x128xi32, #tpu.memory_space<hbm>> -> memref<26x128xi32, #tpu.memory_space<hbm>>
      tpu.wait_dma2 semaphore(%run_scoped3A : memref<!tpu.dma_semaphore, #tpu.memory_space<semaphore_mem>>) src(%dma_wait3A_19 : memref<26x128xi32, #tpu.memory_space<hbm>>) dst(%arg5 : memref<26x128xi32, #tpu.memory_space<vmem>>)
      tpu.yield
    }) : () -> ()
    %scan3A = arith.constant 0 : i32
    %scan3A_1 = arith.constant 0 : i32
    %scan3A_2 = arith.constant 26 : i32
    %scan3A_3 = arith.addi %scan3A_1, %scan3A_2 : i32
    %scan3A_4 = arith.constant 1 : i32
    scf.for %scan3A_6 = %scan3A_1 to %scan3A_3 step %scan3A_4  : i32 {
      %dma_start3A = arith.constant 0 : i32
      %dma_start3A_7 = arith.constant 0 : i32
      %dma_start3A_8 = arith.constant 0 : i32
      %dma_start3A_9 = tpu.memref_slice %arg6[%dma_start3A_7, %dma_start3A_8] : memref<32x128xf32, #tpu.memory_space<vmem>> -> memref<1x128xf32, #tpu.memory_space<vmem>>
      %dma_start3A_10 = tpu.memref_squeeze %dma_start3A_9 : memref<1x128xf32, #tpu.memory_space<vmem>> -> memref<128xf32, #tpu.memory_space<vmem>>
      %dma_start3A_11 = arith.constant 0 : i32
      %dma_start3A_12 = tpu.memref_slice %arg5[%scan3A_6, %dma_start3A_11] : memref<26x128xi32, #tpu.memory_space<vmem>> -> memref<1x128xi32, #tpu.memory_space<vmem>>
      %dma_start3A_13 = tpu.memref_squeeze %dma_start3A_12 : memref<1x128xi32, #tpu.memory_space<vmem>> -> memref<128xi32, #tpu.memory_space<vmem>>
      %dma_start3A_14 = arith.constant 0 : i32
      %dma_start3A_15 = arith.constant 0 : i32
      %dma_start3A_16 = tpu.memref_slice %arg3[%scan3A_6, %dma_start3A_14, %dma_start3A_15] : memref<26x32x100000xf32, #tpu.memory_space<hbm>> -> memref<1x32x100000xf32, #tpu.memory_space<hbm>>
      %dma_start3A_17 = tpu.memref_squeeze %dma_start3A_16 : memref<1x32x100000xf32, #tpu.memory_space<hbm>> -> memref<32x100000xf32, #tpu.memory_space<hbm>>
      %dma_start3A_18 = arith.constant 0 : i32
      %dma_start3A_19 = tpu.memref_slice %dma_start3A_17[%dma_start3A, %dma_start3A_18] : memref<32x100000xf32, #tpu.memory_space<hbm>> -> memref<1x100000xf32, #tpu.memory_space<hbm>>
      %dma_start3A_20 = tpu.memref_squeeze %dma_start3A_19 : memref<1x100000xf32, #tpu.memory_space<hbm>> -> memref<100000xf32, #tpu.memory_space<hbm>>
      %dma_start3A_21 = arith.constant 0 : i32
      %dma_start3A_22 = tpu.memref_slice %dma_start3A_20[%dma_start3A_21] : memref<100000xf32, #tpu.memory_space<hbm>> -> memref<100000xf32, #tpu.memory_space<hbm>>
      tpu.enqueue_indirect_dma source(%dma_start3A_22 : memref<100000xf32, #tpu.memory_space<hbm>>) target(%dma_start3A_10 : memref<128xf32, #tpu.memory_space<vmem>>) offsets(%dma_start3A_13 : memref<128xi32, #tpu.memory_space<vmem>>) semaphore(%arg7 : memref<!tpu.dma_semaphore, #tpu.memory_space<semaphore_mem>>)
      %dma_start3A_23 = arith.constant 1 : i32
      %dma_start3A_24 = arith.constant 1 : i32
      %dma_start3A_25 = arith.constant 0 : i32
      %dma_start3A_26 = tpu.memref_slice %arg6[%dma_start3A_24, %dma_start3A_25] : memref<32x128xf32, #tpu.memory_space<vmem>> -> memref<1x128xf32, #tpu.memory_space<vmem>>
      %dma_start3A_27 = tpu.memref_squeeze %dma_start3A_26 : memref<1x128xf32, #tpu.memory_space<vmem>> -> memref<128xf32, #tpu.memory_space<vmem>>
      %dma_start3A_28 = arith.constant 0 : i32
      %dma_start3A_29 = tpu.memref_slice %arg5[%scan3A_6, %dma_start3A_28] : memref<26x128xi32, #tpu.memory_space<vmem>> -> memref<1x128xi32, #tpu.memory_space<vmem>>
      %dma_start3A_30 = tpu.memref_squeeze %dma_start3A_29 : memref<1x128xi32, #tpu.memory_space<vmem>> -> memref<128xi32, #tpu.memory_space<vmem>>
      %dma_start3A_31 = arith.constant 0 : i32
      %dma_start3A_32 = arith.constant 0 : i32
      %dma_start3A_33 = tpu.memref_slice %arg3[%scan3A_6, %dma_start3A_31, %dma_start3A_32] : memref<26x32x100000xf32, #tpu.memory_space<hbm>> -> memref<1x32x100000xf32, #tpu.memory_space<hbm>>
      %dma_start3A_34 = tpu.memref_squeeze %dma_start3A_33 : memref<1x32x100000xf32, #tpu.memory_space<hbm>> -> memref<32x100000xf32, #tpu.memory_space<hbm>>
      %dma_start3A_35 = arith.constant 0 : i32
      %dma_start3A_36 = tpu.memref_slice %dma_start3A_34[%dma_start3A_23, %dma_start3A_35] : memref<32x100000xf32, #tpu.memory_space<hbm>> -> memref<1x100000xf32, #tpu.memory_space<hbm>>
      %dma_start3A_37 = tpu.memref_squeeze %dma_start3A_36 : memref<1x100000xf32, #tpu.memory_space<hbm>> -> memref<100000xf32, #tpu.memory_space<hbm>>
      %dma_start3A_38 = arith.constant 0 : i32
      %dma_start3A_39 = tpu.memref_slice %dma_start3A_37[%dma_start3A_38] : memref<100000xf32, #tpu.memory_space<hbm>> -> memref<100000xf32, #tpu.memory_space<hbm>>
      tpu.enqueue_indirect_dma source(%dma_start3A_39 : memref<100000xf32, #tpu.memory_space<hbm>>) target(%dma_start3A_27 : memref<128xf32, #tpu.memory_space<vmem>>) offsets(%dma_start3A_30 : memref<128xi32, #tpu.memory_space<vmem>>) semaphore(%arg7 : memref<!tpu.dma_semaphore, #tpu.memory_space<semaphore_mem>>)
      %dma_start3A_40 = arith.constant 2 : i32
      %dma_start3A_41 = arith.constant 2 : i32
      %dma_start3A_42 = arith.constant 0 : i32
      %dma_start3A_43 = tpu.memref_slice %arg6[%dma_start3A_41, %dma_start3A_42] : memref<32x128xf32, #tpu.memory_space<vmem>> -> memref<1x128xf32, #tpu.memory_space<vmem>>
      %dma_start3A_44 = tpu.memref_squeeze %dma_start3A_43 : memref<1x128xf32, #tpu.memory_space<vmem>> -> memref<128xf32, #tpu.memory_space<vmem>>
      %dma_start3A_45 = arith.constant 0 : i32
      %dma_start3A_46 = tpu.memref_slice %arg5[%scan3A_6, %dma_start3A_45] : memref<26x128xi32, #tpu.memory_space<vmem>> -> memref<1x128xi32, #tpu.memory_space<vmem>>
      %dma_start3A_47 = tpu.memref_squeeze %dma_start3A_46 : memref<1x128xi32, #tpu.memory_space<vmem>> -> memref<128xi32, #tpu.memory_space<vmem>>
      %dma_start3A_48 = arith.constant 0 : i32
      %dma_start3A_49 = arith.constant 0 : i32
      %dma_start3A_50 = tpu.memref_slice %arg3[%scan3A_6, %dma_start3A_48, %dma_start3A_49] : memref<26x32x100000xf32, #tpu.memory_space<hbm>> -> memref<1x32x100000xf32, #tpu.memory_space<hbm>>
      %dma_start3A_51 = tpu.memref_squeeze %dma_start3A_50 : memref<1x32x100000xf32, #tpu.memory_space<hbm>> -> memref<32x100000xf32, #tpu.memory_space<hbm>>
      %dma_start3A_52 = arith.constant 0 : i32
      %dma_start3A_53 = tpu.memref_slice %dma_start3A_51[%dma_start3A_40, %dma_start3A_52] : memref<32x100000xf32, #tpu.memory_space<hbm>> -> memref<1x100000xf32, #tpu.memory_space<hbm>>
      %dma_start3A_54 = tpu.memref_squeeze %dma_start3A_53 : memref<1x100000xf32, #tpu.memory_space<hbm>> -> memref<100000xf32, #tpu.memory_space<hbm>>
      %dma_start3A_55 = arith.constant 0 : i32
      %dma_start3A_56 = tpu.memref_slice %dma_start3A_54[%dma_start3A_55] : memref<100000xf32, #tpu.memory_space<hbm>> -> memref<100000xf32, #tpu.memory_space<hbm>>
      tpu.enqueue_indirect_dma source(%dma_start3A_56 : memref<100000xf32, #tpu.memory_space<hbm>>) target(%dma_start3A_44 : memref<128xf32, #tpu.memory_space<vmem>>) offsets(%dma_start3A_47 : memref<128xi32, #tpu.memory_space<vmem>>) semaphore(%arg7 : memref<!tpu.dma_semaphore, #tpu.memory_space<semaphore_mem>>)
      %dma_start3A_57 = arith.constant 3 : i32
      %dma_start3A_58 = arith.constant 3 : i32
      %dma_start3A_59 = arith.constant 0 : i32
      %dma_start3A_60 = tpu.memref_slice %arg6[%dma_start3A_58, %dma_start3A_59] : memref<32x128xf32, #tpu.memory_space<vmem>> -> memref<1x128xf32, #tpu.memory_space<vmem>>
      %dma_start3A_61 = tpu.memref_squeeze %dma_start3A_60 : memref<1x128xf32, #tpu.memory_space<vmem>> -> memref<128xf32, #tpu.memory_space<vmem>>
      %dma_start3A_62 = arith.constant 0 : i32
      %dma_start3A_63 = tpu.memref_slice %arg5[%scan3A_6, %dma_start3A_62] : memref<26x128xi32, #tpu.memory_space<vmem>> -> memref<1x128xi32, #tpu.memory_space<vmem>>
      %dma_start3A_64 = tpu.memref_squeeze %dma_start3A_63 : memref<1x128xi32, #tpu.memory_space<vmem>> -> memref<128xi32, #tpu.memory_space<vmem>>
      %dma_start3A_65 = arith.constant 0 : i32
      %dma_start3A_66 = arith.constant 0 : i32
      %dma_start3A_67 = tpu.memref_slice %arg3[%scan3A_6, %dma_start3A_65, %dma_start3A_66] : memref<26x32x100000xf32, #tpu.memory_space<hbm>> -> memref<1x32x100000xf32, #tpu.memory_space<hbm>>
      %dma_start3A_68 = tpu.memref_squeeze %dma_start3A_67 : memref<1x32x100000xf32, #tpu.memory_space<hbm>> -> memref<32x100000xf32, #tpu.memory_space<hbm>>
      %dma_start3A_69 = arith.constant 0 : i32
      %dma_start3A_70 = tpu.memref_slice %dma_start3A_68[%dma_start3A_57, %dma_start3A_69] : memref<32x100000xf32, #tpu.memory_space<hbm>> -> memref<1x100000xf32, #tpu.memory_space<hbm>>
      %dma_start3A_71 = tpu.memref_squeeze %dma_start3A_70 : memref<1x100000xf32, #tpu.memory_space<hbm>> -> memref<100000xf32, #tpu.memory_space<hbm>>
      %dma_start3A_72 = arith.constant 0 : i32
      %dma_start3A_73 = tpu.memref_slice %dma_start3A_71[%dma_start3A_72] : memref<100000xf32, #tpu.memory_space<hbm>> -> memref<100000xf32, #tpu.memory_space<hbm>>
      tpu.enqueue_indirect_dma source(%dma_start3A_73 : memref<100000xf32, #tpu.memory_space<hbm>>) target(%dma_start3A_61 : memref<128xf32, #tpu.memory_space<vmem>>) offsets(%dma_start3A_64 : memref<128xi32, #tpu.memory_space<vmem>>) semaphore(%arg7 : memref<!tpu.dma_semaphore, #tpu.memory_space<semaphore_mem>>)
      %dma_start3A_74 = arith.constant 4 : i32
      %dma_start3A_75 = arith.constant 4 : i32
      %dma_start3A_76 = arith.constant 0 : i32
      %dma_start3A_77 = tpu.memref_slice %arg6[%dma_start3A_75, %dma_start3A_76] : memref<32x128xf32, #tpu.memory_space<vmem>> -> memref<1x128xf32, #tpu.memory_space<vmem>>
      %dma_start3A_78 = tpu.memref_squeeze %dma_start3A_77 : memref<1x128xf32, #tpu.memory_space<vmem>> -> memref<128xf32, #tpu.memory_space<vmem>>
      %dma_start3A_79 = arith.constant 0 : i32
      %dma_start3A_80 = tpu.memref_slice %arg5[%scan3A_6, %dma_start3A_79] : memref<26x128xi32, #tpu.memory_space<vmem>> -> memref<1x128xi32, #tpu.memory_space<vmem>>
      %dma_start3A_81 = tpu.memref_squeeze %dma_start3A_80 : memref<1x128xi32, #tpu.memory_space<vmem>> -> memref<128xi32, #tpu.memory_space<vmem>>
      %dma_start3A_82 = arith.constant 0 : i32
      %dma_start3A_83 = arith.constant 0 : i32
      %dma_start3A_84 = tpu.memref_slice %arg3[%scan3A_6, %dma_start3A_82, %dma_start3A_83] : memref<26x32x100000xf32, #tpu.memory_space<hbm>> -> memref<1x32x100000xf32, #tpu.memory_space<hbm>>
      %dma_start3A_85 = tpu.memref_squeeze %dma_start3A_84 : memref<1x32x100000xf32, #tpu.memory_space<hbm>> -> memref<32x100000xf32, #tpu.memory_space<hbm>>
      %dma_start3A_86 = arith.constant 0 : i32
      %dma_start3A_87 = tpu.memref_slice %dma_start3A_85[%dma_start3A_74, %dma_start3A_86] : memref<32x100000xf32, #tpu.memory_space<hbm>> -> memref<1x100000xf32, #tpu.memory_space<hbm>>
      %dma_start3A_88 = tpu.memref_squeeze %dma_start3A_87 : memref<1x100000xf32, #tpu.memory_space<hbm>> -> memref<100000xf32, #tpu.memory_space<hbm>>
      %dma_start3A_89 = arith.constant 0 : i32
      %dma_start3A_90 = tpu.memref_slice %dma_start3A_88[%dma_start3A_89] : memref<100000xf32, #tpu.memory_space<hbm>> -> memref<100000xf32, #tpu.memory_space<hbm>>
      tpu.enqueue_indirect_dma source(%dma_start3A_90 : memref<100000xf32, #tpu.memory_space<hbm>>) target(%dma_start3A_78 : memref<128xf32, #tpu.memory_space<vmem>>) offsets(%dma_start3A_81 : memref<128xi32, #tpu.memory_space<vmem>>) semaphore(%arg7 : memref<!tpu.dma_semaphore, #tpu.memory_space<semaphore_mem>>)
      %dma_start3A_91 = arith.constant 5 : i32
      %dma_start3A_92 = arith.constant 5 : i32
      %dma_start3A_93 = arith.constant 0 : i32
      %dma_start3A_94 = tpu.memref_slice %arg6[%dma_start3A_92, %dma_start3A_93] : memref<32x128xf32, #tpu.memory_space<vmem>> -> memref<1x128xf32, #tpu.memory_space<vmem>>
      %dma_start3A_95 = tpu.memref_squeeze %dma_start3A_94 : memref<1x128xf32, #tpu.memory_space<vmem>> -> memref<128xf32, #tpu.memory_space<vmem>>
      %dma_start3A_96 = arith.constant 0 : i32
      %dma_start3A_97 = tpu.memref_slice %arg5[%scan3A_6, %dma_start3A_96] : memref<26x128xi32, #tpu.memory_space<vmem>> -> memref<1x128xi32, #tpu.memory_space<vmem>>
      %dma_start3A_98 = tpu.memref_squeeze %dma_start3A_97 : memref<1x128xi32, #tpu.memory_space<vmem>> -> memref<128xi32, #tpu.memory_space<vmem>>
      %dma_start3A_99 = arith.constant 0 : i32
      %dma_start3A_100 = arith.constant 0 : i32
      %dma_start3A_101 = tpu.memref_slice %arg3[%scan3A_6, %dma_start3A_99, %dma_start3A_100] : memref<26x32x100000xf32, #tpu.memory_space<hbm>> -> memref<1x32x100000xf32, #tpu.memory_space<hbm>>
      %dma_start3A_102 = tpu.memref_squeeze %dma_start3A_101 : memref<1x32x100000xf32, #tpu.memory_space<hbm>> -> memref<32x100000xf32, #tpu.memory_space<hbm>>
      %dma_start3A_103 = arith.constant 0 : i32
      %dma_start3A_104 = tpu.memref_slice %dma_start3A_102[%dma_start3A_91, %dma_start3A_103] : memref<32x100000xf32, #tpu.memory_space<hbm>> -> memref<1x100000xf32, #tpu.memory_space<hbm>>
      %dma_start3A_105 = tpu.memref_squeeze %dma_start3A_104 : memref<1x100000xf32, #tpu.memory_space<hbm>> -> memref<100000xf32, #tpu.memory_space<hbm>>
      %dma_start3A_106 = arith.constant 0 : i32
      %dma_start3A_107 = tpu.memref_slice %dma_start3A_105[%dma_start3A_106] : memref<100000xf32, #tpu.memory_space<hbm>> -> memref<100000xf32, #tpu.memory_space<hbm>>
      tpu.enqueue_indirect_dma source(%dma_start3A_107 : memref<100000xf32, #tpu.memory_space<hbm>>) target(%dma_start3A_95 : memref<128xf32, #tpu.memory_space<vmem>>) offsets(%dma_start3A_98 : memref<128xi32, #tpu.memory_space<vmem>>) semaphore(%arg7 : memref<!tpu.dma_semaphore, #tpu.memory_space<semaphore_mem>>)
      %dma_start3A_108 = arith.constant 6 : i32
      %dma_start3A_109 = arith.constant 6 : i32
      %dma_start3A_110 = arith.constant 0 : i32
      %dma_start3A_111 = tpu.memref_slice %arg6[%dma_start3A_109, %dma_start3A_110] : memref<32x128xf32, #tpu.memory_space<vmem>> -> memref<1x128xf32, #tpu.memory_space<vmem>>
      %dma_start3A_112 = tpu.memref_squeeze %dma_start3A_111 : memref<1x128xf32, #tpu.memory_space<vmem>> -> memref<128xf32, #tpu.memory_space<vmem>>
      %dma_start3A_113 = arith.constant 0 : i32
      %dma_start3A_114 = tpu.memref_slice %arg5[%scan3A_6, %dma_start3A_113] : memref<26x128xi32, #tpu.memory_space<vmem>> -> memref<1x128xi32, #tpu.memory_space<vmem>>
      %dma_start3A_115 = tpu.memref_squeeze %dma_start3A_114 : memref<1x128xi32, #tpu.memory_space<vmem>> -> memref<128xi32, #tpu.memory_space<vmem>>
      %dma_start3A_116 = arith.constant 0 : i32
      %dma_start3A_117 = arith.constant 0 : i32
      %dma_start3A_118 = tpu.memref_slice %arg3[%scan3A_6, %dma_start3A_116, %dma_start3A_117] : memref<26x32x100000xf32, #tpu.memory_space<hbm>> -> memref<1x32x100000xf32, #tpu.memory_space<hbm>>
      %dma_start3A_119 = tpu.memref_squeeze %dma_start3A_118 : memref<1x32x100000xf32, #tpu.memory_space<hbm>> -> memref<32x100000xf32, #tpu.memory_space<hbm>>
      %dma_start3A_120 = arith.constant 0 : i32
      %dma_start3A_121 = tpu.memref_slice %dma_start3A_119[%dma_start3A_108, %dma_start3A_120] : memref<32x100000xf32, #tpu.memory_space<hbm>> -> memref<1x100000xf32, #tpu.memory_space<hbm>>
      %dma_start3A_122 = tpu.memref_squeeze %dma_start3A_121 : memref<1x100000xf32, #tpu.memory_space<hbm>> -> memref<100000xf32, #tpu.memory_space<hbm>>
      %dma_start3A_123 = arith.constant 0 : i32
      %dma_start3A_124 = tpu.memref_slice %dma_start3A_122[%dma_start3A_123] : memref<100000xf32, #tpu.memory_space<hbm>> -> memref<100000xf32, #tpu.memory_space<hbm>>
      tpu.enqueue_indirect_dma source(%dma_start3A_124 : memref<100000xf32, #tpu.memory_space<hbm>>) target(%dma_start3A_112 : memref<128xf32, #tpu.memory_space<vmem>>) offsets(%dma_start3A_115 : memref<128xi32, #tpu.memory_space<vmem>>) semaphore(%arg7 : memref<!tpu.dma_semaphore, #tpu.memory_space<semaphore_mem>>)
      %dma_start3A_125 = arith.constant 7 : i32
      %dma_start3A_126 = arith.constant 7 : i32
      %dma_start3A_127 = arith.constant 0 : i32
      %dma_start3A_128 = tpu.memref_slice %arg6[%dma_start3A_126, %dma_start3A_127] : memref<32x128xf32, #tpu.memory_space<vmem>> -> memref<1x128xf32, #tpu.memory_space<vmem>>
      %dma_start3A_129 = tpu.memref_squeeze %dma_start3A_128 : memref<1x128xf32, #tpu.memory_space<vmem>> -> memref<128xf32, #tpu.memory_space<vmem>>
      %dma_start3A_130 = arith.constant 0 : i32
      %dma_start3A_131 = tpu.memref_slice %arg5[%scan3A_6, %dma_start3A_130] : memref<26x128xi32, #tpu.memory_space<vmem>> -> memref<1x128xi32, #tpu.memory_space<vmem>>
      %dma_start3A_132 = tpu.memref_squeeze %dma_start3A_131 : memref<1x128xi32, #tpu.memory_space<vmem>> -> memref<128xi32, #tpu.memory_space<vmem>>
      %dma_start3A_133 = arith.constant 0 : i32
      %dma_start3A_134 = arith.constant 0 : i32
      %dma_start3A_135 = tpu.memref_slice %arg3[%scan3A_6, %dma_start3A_133, %dma_start3A_134] : memref<26x32x100000xf32, #tpu.memory_space<hbm>> -> memref<1x32x100000xf32, #tpu.memory_space<hbm>>
      %dma_start3A_136 = tpu.memref_squeeze %dma_start3A_135 : memref<1x32x100000xf32, #tpu.memory_space<hbm>> -> memref<32x100000xf32, #tpu.memory_space<hbm>>
      %dma_start3A_137 = arith.constant 0 : i32
      %dma_start3A_138 = tpu.memref_slice %dma_start3A_136[%dma_start3A_125, %dma_start3A_137] : memref<32x100000xf32, #tpu.memory_space<hbm>> -> memref<1x100000xf32, #tpu.memory_space<hbm>>
      %dma_start3A_139 = tpu.memref_squeeze %dma_start3A_138 : memref<1x100000xf32, #tpu.memory_space<hbm>> -> memref<100000xf32, #tpu.memory_space<hbm>>
      %dma_start3A_140 = arith.constant 0 : i32
      %dma_start3A_141 = tpu.memref_slice %dma_start3A_139[%dma_start3A_140] : memref<100000xf32, #tpu.memory_space<hbm>> -> memref<100000xf32, #tpu.memory_space<hbm>>
      tpu.enqueue_indirect_dma source(%dma_start3A_141 : memref<100000xf32, #tpu.memory_space<hbm>>) target(%dma_start3A_129 : memref<128xf32, #tpu.memory_space<vmem>>) offsets(%dma_start3A_132 : memref<128xi32, #tpu.memory_space<vmem>>) semaphore(%arg7 : memref<!tpu.dma_semaphore, #tpu.memory_space<semaphore_mem>>)
      %dma_start3A_142 = arith.constant 8 : i32
      %dma_start3A_143 = arith.constant 8 : i32
      %dma_start3A_144 = arith.constant 0 : i32
      %dma_start3A_145 = tpu.memref_slice %arg6[%dma_start3A_143, %dma_start3A_144] : memref<32x128xf32, #tpu.memory_space<vmem>> -> memref<1x128xf32, #tpu.memory_space<vmem>>
      %dma_start3A_146 = tpu.memref_squeeze %dma_start3A_145 : memref<1x128xf32, #tpu.memory_space<vmem>> -> memref<128xf32, #tpu.memory_space<vmem>>
      %dma_start3A_147 = arith.constant 0 : i32
      %dma_start3A_148 = tpu.memref_slice %arg5[%scan3A_6, %dma_start3A_147] : memref<26x128xi32, #tpu.memory_space<vmem>> -> memref<1x128xi32, #tpu.memory_space<vmem>>
      %dma_start3A_149 = tpu.memref_squeeze %dma_start3A_148 : memref<1x128xi32, #tpu.memory_space<vmem>> -> memref<128xi32, #tpu.memory_space<vmem>>
      %dma_start3A_150 = arith.constant 0 : i32
      %dma_start3A_151 = arith.constant 0 : i32
      %dma_start3A_152 = tpu.memref_slice %arg3[%scan3A_6, %dma_start3A_150, %dma_start3A_151] : memref<26x32x100000xf32, #tpu.memory_space<hbm>> -> memref<1x32x100000xf32, #tpu.memory_space<hbm>>
      %dma_start3A_153 = tpu.memref_squeeze %dma_start3A_152 : memref<1x32x100000xf32, #tpu.memory_space<hbm>> -> memref<32x100000xf32, #tpu.memory_space<hbm>>
      %dma_start3A_154 = arith.constant 0 : i32
      %dma_start3A_155 = tpu.memref_slice %dma_start3A_153[%dma_start3A_142, %dma_start3A_154] : memref<32x100000xf32, #tpu.memory_space<hbm>> -> memref<1x100000xf32, #tpu.memory_space<hbm>>
      %dma_start3A_156 = tpu.memref_squeeze %dma_start3A_155 : memref<1x100000xf32, #tpu.memory_space<hbm>> -> memref<100000xf32, #tpu.memory_space<hbm>>
      %dma_start3A_157 = arith.constant 0 : i32
      %dma_start3A_158 = tpu.memref_slice %dma_start3A_156[%dma_start3A_157] : memref<100000xf32, #tpu.memory_space<hbm>> -> memref<100000xf32, #tpu.memory_space<hbm>>
      tpu.enqueue_indirect_dma source(%dma_start3A_158 : memref<100000xf32, #tpu.memory_space<hbm>>) target(%dma_start3A_146 : memref<128xf32, #tpu.memory_space<vmem>>) offsets(%dma_start3A_149 : memref<128xi32, #tpu.memory_space<vmem>>) semaphore(%arg7 : memref<!tpu.dma_semaphore, #tpu.memory_space<semaphore_mem>>)
      %dma_start3A_159 = arith.constant 9 : i32
      %dma_start3A_160 = arith.constant 9 : i32
      %dma_start3A_161 = arith.constant 0 : i32
      %dma_start3A_162 = tpu.memref_slice %arg6[%dma_start3A_160, %dma_start3A_161] : memref<32x128xf32, #tpu.memory_space<vmem>> -> memref<1x128xf32, #tpu.memory_space<vmem>>
      %dma_start3A_163 = tpu.memref_squeeze %dma_start3A_162 : memref<1x128xf32, #tpu.memory_space<vmem>> -> memref<128xf32, #tpu.memory_space<vmem>>
      %dma_start3A_164 = arith.constant 0 : i32
      %dma_start3A_165 = tpu.memref_slice %arg5[%scan3A_6, %dma_start3A_164] : memref<26x128xi32, #tpu.memory_space<vmem>> -> memref<1x128xi32, #tpu.memory_space<vmem>>
      %dma_start3A_166 = tpu.memref_squeeze %dma_start3A_165 : memref<1x128xi32, #tpu.memory_space<vmem>> -> memref<128xi32, #tpu.memory_space<vmem>>
      %dma_start3A_167 = arith.constant 0 : i32
      %dma_start3A_168 = arith.constant 0 : i32
      %dma_start3A_169 = tpu.memref_slice %arg3[%scan3A_6, %dma_start3A_167, %dma_start3A_168] : memref<26x32x100000xf32, #tpu.memory_space<hbm>> -> memref<1x32x100000xf32, #tpu.memory_space<hbm>>
      %dma_start3A_170 = tpu.memref_squeeze %dma_start3A_169 : memref<1x32x100000xf32, #tpu.memory_space<hbm>> -> memref<32x100000xf32, #tpu.memory_space<hbm>>
      %dma_start3A_171 = arith.constant 0 : i32
      %dma_start3A_172 = tpu.memref_slice %dma_start3A_170[%dma_start3A_159, %dma_start3A_171] : memref<32x100000xf32, #tpu.memory_space<hbm>> -> memref<1x100000xf32, #tpu.memory_space<hbm>>
      %dma_start3A_173 = tpu.memref_squeeze %dma_start3A_172 : memref<1x100000xf32, #tpu.memory_space<hbm>> -> memref<100000xf32, #tpu.memory_space<hbm>>
      %dma_start3A_174 = arith.constant 0 : i32
      %dma_start3A_175 = tpu.memref_slice %dma_start3A_173[%dma_start3A_174] : memref<100000xf32, #tpu.memory_space<hbm>> -> memref<100000xf32, #tpu.memory_space<hbm>>
      tpu.enqueue_indirect_dma source(%dma_start3A_175 : memref<100000xf32, #tpu.memory_space<hbm>>) target(%dma_start3A_163 : memref<128xf32, #tpu.memory_space<vmem>>) offsets(%dma_start3A_166 : memref<128xi32, #tpu.memory_space<vmem>>) semaphore(%arg7 : memref<!tpu.dma_semaphore, #tpu.memory_space<semaphore_mem>>)
      %dma_start3A_176 = arith.constant 10 : i32
      %dma_start3A_177 = arith.constant 10 : i32
      %dma_start3A_178 = arith.constant 0 : i32
      %dma_start3A_179 = tpu.memref_slice %arg6[%dma_start3A_177, %dma_start3A_178] : memref<32x128xf32, #tpu.memory_space<vmem>> -> memref<1x128xf32, #tpu.memory_space<vmem>>
      %dma_start3A_180 = tpu.memref_squeeze %dma_start3A_179 : memref<1x128xf32, #tpu.memory_space<vmem>> -> memref<128xf32, #tpu.memory_space<vmem>>
      %dma_start3A_181 = arith.constant 0 : i32
      %dma_start3A_182 = tpu.memref_slice %arg5[%scan3A_6, %dma_start3A_181] : memref<26x128xi32, #tpu.memory_space<vmem>> -> memref<1x128xi32, #tpu.memory_space<vmem>>
      %dma_start3A_183 = tpu.memref_squeeze %dma_start3A_182 : memref<1x128xi32, #tpu.memory_space<vmem>> -> memref<128xi32, #tpu.memory_space<vmem>>
      %dma_start3A_184 = arith.constant 0 : i32
      %dma_start3A_185 = arith.constant 0 : i32
      %dma_start3A_186 = tpu.memref_slice %arg3[%scan3A_6, %dma_start3A_184, %dma_start3A_185] : memref<26x32x100000xf32, #tpu.memory_space<hbm>> -> memref<1x32x100000xf32, #tpu.memory_space<hbm>>
      %dma_start3A_187 = tpu.memref_squeeze %dma_start3A_186 : memref<1x32x100000xf32, #tpu.memory_space<hbm>> -> memref<32x100000xf32, #tpu.memory_space<hbm>>
      %dma_start3A_188 = arith.constant 0 : i32
      %dma_start3A_189 = tpu.memref_slice %dma_start3A_187[%dma_start3A_176, %dma_start3A_188] : memref<32x100000xf32, #tpu.memory_space<hbm>> -> memref<1x100000xf32, #tpu.memory_space<hbm>>
      %dma_start3A_190 = tpu.memref_squeeze %dma_start3A_189 : memref<1x100000xf32, #tpu.memory_space<hbm>> -> memref<100000xf32, #tpu.memory_space<hbm>>
      %dma_start3A_191 = arith.constant 0 : i32
      %dma_start3A_192 = tpu.memref_slice %dma_start3A_190[%dma_start3A_191] : memref<100000xf32, #tpu.memory_space<hbm>> -> memref<100000xf32, #tpu.memory_space<hbm>>
      tpu.enqueue_indirect_dma source(%dma_start3A_192 : memref<100000xf32, #tpu.memory_space<hbm>>) target(%dma_start3A_180 : memref<128xf32, #tpu.memory_space<vmem>>) offsets(%dma_start3A_183 : memref<128xi32, #tpu.memory_space<vmem>>) semaphore(%arg7 : memref<!tpu.dma_semaphore, #tpu.memory_space<semaphore_mem>>)
      %dma_start3A_193 = arith.constant 11 : i32
      %dma_start3A_194 = arith.constant 11 : i32
      %dma_start3A_195 = arith.constant 0 : i32
      %dma_start3A_196 = tpu.memref_slice %arg6[%dma_start3A_194, %dma_start3A_195] : memref<32x128xf32, #tpu.memory_space<vmem>> -> memref<1x128xf32, #tpu.memory_space<vmem>>
      %dma_start3A_197 = tpu.memref_squeeze %dma_start3A_196 : memref<1x128xf32, #tpu.memory_space<vmem>> -> memref<128xf32, #tpu.memory_space<vmem>>
      %dma_start3A_198 = arith.constant 0 : i32
      %dma_start3A_199 = tpu.memref_slice %arg5[%scan3A_6, %dma_start3A_198] : memref<26x128xi32, #tpu.memory_space<vmem>> -> memref<1x128xi32, #tpu.memory_space<vmem>>
      %dma_start3A_200 = tpu.memref_squeeze %dma_start3A_199 : memref<1x128xi32, #tpu.memory_space<vmem>> -> memref<128xi32, #tpu.memory_space<vmem>>
      %dma_start3A_201 = arith.constant 0 : i32
      %dma_start3A_202 = arith.constant 0 : i32
      %dma_start3A_203 = tpu.memref_slice %arg3[%scan3A_6, %dma_start3A_201, %dma_start3A_202] : memref<26x32x100000xf32, #tpu.memory_space<hbm>> -> memref<1x32x100000xf32, #tpu.memory_space<hbm>>
      %dma_start3A_204 = tpu.memref_squeeze %dma_start3A_203 : memref<1x32x100000xf32, #tpu.memory_space<hbm>> -> memref<32x100000xf32, #tpu.memory_space<hbm>>
      %dma_start3A_205 = arith.constant 0 : i32
      %dma_start3A_206 = tpu.memref_slice %dma_start3A_204[%dma_start3A_193, %dma_start3A_205] : memref<32x100000xf32, #tpu.memory_space<hbm>> -> memref<1x100000xf32, #tpu.memory_space<hbm>>
      %dma_start3A_207 = tpu.memref_squeeze %dma_start3A_206 : memref<1x100000xf32, #tpu.memory_space<hbm>> -> memref<100000xf32, #tpu.memory_space<hbm>>
      %dma_start3A_208 = arith.constant 0 : i32
      %dma_start3A_209 = tpu.memref_slice %dma_start3A_207[%dma_start3A_208] : memref<100000xf32, #tpu.memory_space<hbm>> -> memref<100000xf32, #tpu.memory_space<hbm>>
      tpu.enqueue_indirect_dma source(%dma_start3A_209 : memref<100000xf32, #tpu.memory_space<hbm>>) target(%dma_start3A_197 : memref<128xf32, #tpu.memory_space<vmem>>) offsets(%dma_start3A_200 : memref<128xi32, #tpu.memory_space<vmem>>) semaphore(%arg7 : memref<!tpu.dma_semaphore, #tpu.memory_space<semaphore_mem>>)
      %dma_start3A_210 = arith.constant 12 : i32
      %dma_start3A_211 = arith.constant 12 : i32
      %dma_start3A_212 = arith.constant 0 : i32
      %dma_start3A_213 = tpu.memref_slice %arg6[%dma_start3A_211, %dma_start3A_212] : memref<32x128xf32, #tpu.memory_space<vmem>> -> memref<1x128xf32, #tpu.memory_space<vmem>>
      %dma_start3A_214 = tpu.memref_squeeze %dma_start3A_213 : memref<1x128xf32, #tpu.memory_space<vmem>> -> memref<128xf32, #tpu.memory_space<vmem>>
      %dma_start3A_215 = arith.constant 0 : i32
      %dma_start3A_216 = tpu.memref_slice %arg5[%scan3A_6, %dma_start3A_215] : memref<26x128xi32, #tpu.memory_space<vmem>> -> memref<1x128xi32, #tpu.memory_space<vmem>>
      %dma_start3A_217 = tpu.memref_squeeze %dma_start3A_216 : memref<1x128xi32, #tpu.memory_space<vmem>> -> memref<128xi32, #tpu.memory_space<vmem>>
      %dma_start3A_218 = arith.constant 0 : i32
      %dma_start3A_219 = arith.constant 0 : i32
      %dma_start3A_220 = tpu.memref_slice %arg3[%scan3A_6, %dma_start3A_218, %dma_start3A_219] : memref<26x32x100000xf32, #tpu.memory_space<hbm>> -> memref<1x32x100000xf32, #tpu.memory_space<hbm>>
      %dma_start3A_221 = tpu.memref_squeeze %dma_start3A_220 : memref<1x32x100000xf32, #tpu.memory_space<hbm>> -> memref<32x100000xf32, #tpu.memory_space<hbm>>
      %dma_start3A_222 = arith.constant 0 : i32
      %dma_start3A_223 = tpu.memref_slice %dma_start3A_221[%dma_start3A_210, %dma_start3A_222] : memref<32x100000xf32, #tpu.memory_space<hbm>> -> memref<1x100000xf32, #tpu.memory_space<hbm>>
      %dma_start3A_224 = tpu.memref_squeeze %dma_start3A_223 : memref<1x100000xf32, #tpu.memory_space<hbm>> -> memref<100000xf32, #tpu.memory_space<hbm>>
      %dma_start3A_225 = arith.constant 0 : i32
      %dma_start3A_226 = tpu.memref_slice %dma_start3A_224[%dma_start3A_225] : memref<100000xf32, #tpu.memory_space<hbm>> -> memref<100000xf32, #tpu.memory_space<hbm>>
      tpu.enqueue_indirect_dma source(%dma_start3A_226 : memref<100000xf32, #tpu.memory_space<hbm>>) target(%dma_start3A_214 : memref<128xf32, #tpu.memory_space<vmem>>) offsets(%dma_start3A_217 : memref<128xi32, #tpu.memory_space<vmem>>) semaphore(%arg7 : memref<!tpu.dma_semaphore, #tpu.memory_space<semaphore_mem>>)
      %dma_start3A_227 = arith.constant 13 : i32
      %dma_start3A_228 = arith.constant 13 : i32
      %dma_start3A_229 = arith.constant 0 : i32
      %dma_start3A_230 = tpu.memref_slice %arg6[%dma_start3A_228, %dma_start3A_229] : memref<32x128xf32, #tpu.memory_space<vmem>> -> memref<1x128xf32, #tpu.memory_space<vmem>>
      %dma_start3A_231 = tpu.memref_squeeze %dma_start3A_230 : memref<1x128xf32, #tpu.memory_space<vmem>> -> memref<128xf32, #tpu.memory_space<vmem>>
      %dma_start3A_232 = arith.constant 0 : i32
      %dma_start3A_233 = tpu.memref_slice %arg5[%scan3A_6, %dma_start3A_232] : memref<26x128xi32, #tpu.memory_space<vmem>> -> memref<1x128xi32, #tpu.memory_space<vmem>>
      %dma_start3A_234 = tpu.memref_squeeze %dma_start3A_233 : memref<1x128xi32, #tpu.memory_space<vmem>> -> memref<128xi32, #tpu.memory_space<vmem>>
      %dma_start3A_235 = arith.constant 0 : i32
      %dma_start3A_236 = arith.constant 0 : i32
      %dma_start3A_237 = tpu.memref_slice %arg3[%scan3A_6, %dma_start3A_235, %dma_start3A_236] : memref<26x32x100000xf32, #tpu.memory_space<hbm>> -> memref<1x32x100000xf32, #tpu.memory_space<hbm>>
      %dma_start3A_238 = tpu.memref_squeeze %dma_start3A_237 : memref<1x32x100000xf32, #tpu.memory_space<hbm>> -> memref<32x100000xf32, #tpu.memory_space<hbm>>
      %dma_start3A_239 = arith.constant 0 : i32
      %dma_start3A_240 = tpu.memref_slice %dma_start3A_238[%dma_start3A_227, %dma_start3A_239] : memref<32x100000xf32, #tpu.memory_space<hbm>> -> memref<1x100000xf32, #tpu.memory_space<hbm>>
      %dma_start3A_241 = tpu.memref_squeeze %dma_start3A_240 : memref<1x100000xf32, #tpu.memory_space<hbm>> -> memref<100000xf32, #tpu.memory_space<hbm>>
      %dma_start3A_242 = arith.constant 0 : i32
      %dma_start3A_243 = tpu.memref_slice %dma_start3A_241[%dma_start3A_242] : memref<100000xf32, #tpu.memory_space<hbm>> -> memref<100000xf32, #tpu.memory_space<hbm>>
      tpu.enqueue_indirect_dma source(%dma_start3A_243 : memref<100000xf32, #tpu.memory_space<hbm>>) target(%dma_start3A_231 : memref<128xf32, #tpu.memory_space<vmem>>) offsets(%dma_start3A_234 : memref<128xi32, #tpu.memory_space<vmem>>) semaphore(%arg7 : memref<!tpu.dma_semaphore, #tpu.memory_space<semaphore_mem>>)
      %dma_start3A_244 = arith.constant 14 : i32
      %dma_start3A_245 = arith.constant 14 : i32
      %dma_start3A_246 = arith.constant 0 : i32
      %dma_start3A_247 = tpu.memref_slice %arg6[%dma_start3A_245, %dma_start3A_246] : memref<32x128xf32, #tpu.memory_space<vmem>> -> memref<1x128xf32, #tpu.memory_space<vmem>>
      %dma_start3A_248 = tpu.memref_squeeze %dma_start3A_247 : memref<1x128xf32, #tpu.memory_space<vmem>> -> memref<128xf32, #tpu.memory_space<vmem>>
      %dma_start3A_249 = arith.constant 0 : i32
      %dma_start3A_250 = tpu.memref_slice %arg5[%scan3A_6, %dma_start3A_249] : memref<26x128xi32, #tpu.memory_space<vmem>> -> memref<1x128xi32, #tpu.memory_space<vmem>>
      %dma_start3A_251 = tpu.memref_squeeze %dma_start3A_250 : memref<1x128xi32, #tpu.memory_space<vmem>> -> memref<128xi32, #tpu.memory_space<vmem>>
      %dma_start3A_252 = arith.constant 0 : i32
      %dma_start3A_253 = arith.constant 0 : i32
      %dma_start3A_254 = tpu.memref_slice %arg3[%scan3A_6, %dma_start3A_252, %dma_start3A_253] : memref<26x32x100000xf32, #tpu.memory_space<hbm>> -> memref<1x32x100000xf32, #tpu.memory_space<hbm>>
      %dma_start3A_255 = tpu.memref_squeeze %dma_start3A_254 : memref<1x32x100000xf32, #tpu.memory_space<hbm>> -> memref<32x100000xf32, #tpu.memory_space<hbm>>
      %dma_start3A_256 = arith.constant 0 : i32
      %dma_start3A_257 = tpu.memref_slice %dma_start3A_255[%dma_start3A_244, %dma_start3A_256] : memref<32x100000xf32, #tpu.memory_space<hbm>> -> memref<1x100000xf32, #tpu.memory_space<hbm>>
      %dma_start3A_258 = tpu.memref_squeeze %dma_start3A_257 : memref<1x100000xf32, #tpu.memory_space<hbm>> -> memref<100000xf32, #tpu.memory_space<hbm>>
      %dma_start3A_259 = arith.constant 0 : i32
      %dma_start3A_260 = tpu.memref_slice %dma_start3A_258[%dma_start3A_259] : memref<100000xf32, #tpu.memory_space<hbm>> -> memref<100000xf32, #tpu.memory_space<hbm>>
      tpu.enqueue_indirect_dma source(%dma_start3A_260 : memref<100000xf32, #tpu.memory_space<hbm>>) target(%dma_start3A_248 : memref<128xf32, #tpu.memory_space<vmem>>) offsets(%dma_start3A_251 : memref<128xi32, #tpu.memory_space<vmem>>) semaphore(%arg7 : memref<!tpu.dma_semaphore, #tpu.memory_space<semaphore_mem>>)
      %dma_start3A_261 = arith.constant 15 : i32
      %dma_start3A_262 = arith.constant 15 : i32
      %dma_start3A_263 = arith.constant 0 : i32
      %dma_start3A_264 = tpu.memref_slice %arg6[%dma_start3A_262, %dma_start3A_263] : memref<32x128xf32, #tpu.memory_space<vmem>> -> memref<1x128xf32, #tpu.memory_space<vmem>>
      %dma_start3A_265 = tpu.memref_squeeze %dma_start3A_264 : memref<1x128xf32, #tpu.memory_space<vmem>> -> memref<128xf32, #tpu.memory_space<vmem>>
      %dma_start3A_266 = arith.constant 0 : i32
      %dma_start3A_267 = tpu.memref_slice %arg5[%scan3A_6, %dma_start3A_266] : memref<26x128xi32, #tpu.memory_space<vmem>> -> memref<1x128xi32, #tpu.memory_space<vmem>>
      %dma_start3A_268 = tpu.memref_squeeze %dma_start3A_267 : memref<1x128xi32, #tpu.memory_space<vmem>> -> memref<128xi32, #tpu.memory_space<vmem>>
      %dma_start3A_269 = arith.constant 0 : i32
      %dma_start3A_270 = arith.constant 0 : i32
      %dma_start3A_271 = tpu.memref_slice %arg3[%scan3A_6, %dma_start3A_269, %dma_start3A_270] : memref<26x32x100000xf32, #tpu.memory_space<hbm>> -> memref<1x32x100000xf32, #tpu.memory_space<hbm>>
      %dma_start3A_272 = tpu.memref_squeeze %dma_start3A_271 : memref<1x32x100000xf32, #tpu.memory_space<hbm>> -> memref<32x100000xf32, #tpu.memory_space<hbm>>
      %dma_start3A_273 = arith.constant 0 : i32
      %dma_start3A_274 = tpu.memref_slice %dma_start3A_272[%dma_start3A_261, %dma_start3A_273] : memref<32x100000xf32, #tpu.memory_space<hbm>> -> memref<1x100000xf32, #tpu.memory_space<hbm>>
      %dma_start3A_275 = tpu.memref_squeeze %dma_start3A_274 : memref<1x100000xf32, #tpu.memory_space<hbm>> -> memref<100000xf32, #tpu.memory_space<hbm>>
      %dma_start3A_276 = arith.constant 0 : i32
      %dma_start3A_277 = tpu.memref_slice %dma_start3A_275[%dma_start3A_276] : memref<100000xf32, #tpu.memory_space<hbm>> -> memref<100000xf32, #tpu.memory_space<hbm>>
      tpu.enqueue_indirect_dma source(%dma_start3A_277 : memref<100000xf32, #tpu.memory_space<hbm>>) target(%dma_start3A_265 : memref<128xf32, #tpu.memory_space<vmem>>) offsets(%dma_start3A_268 : memref<128xi32, #tpu.memory_space<vmem>>) semaphore(%arg7 : memref<!tpu.dma_semaphore, #tpu.memory_space<semaphore_mem>>)
      %dma_start3A_278 = arith.constant 16 : i32
      %dma_start3A_279 = arith.constant 16 : i32
      %dma_start3A_280 = arith.constant 0 : i32
      %dma_start3A_281 = tpu.memref_slice %arg6[%dma_start3A_279, %dma_start3A_280] : memref<32x128xf32, #tpu.memory_space<vmem>> -> memref<1x128xf32, #tpu.memory_space<vmem>>
      %dma_start3A_282 = tpu.memref_squeeze %dma_start3A_281 : memref<1x128xf32, #tpu.memory_space<vmem>> -> memref<128xf32, #tpu.memory_space<vmem>>
      %dma_start3A_283 = arith.constant 0 : i32
      %dma_start3A_284 = tpu.memref_slice %arg5[%scan3A_6, %dma_start3A_283] : memref<26x128xi32, #tpu.memory_space<vmem>> -> memref<1x128xi32, #tpu.memory_space<vmem>>
      %dma_start3A_285 = tpu.memref_squeeze %dma_start3A_284 : memref<1x128xi32, #tpu.memory_space<vmem>> -> memref<128xi32, #tpu.memory_space<vmem>>
      %dma_start3A_286 = arith.constant 0 : i32
      %dma_start3A_287 = arith.constant 0 : i32
      %dma_start3A_288 = tpu.memref_slice %arg3[%scan3A_6, %dma_start3A_286, %dma_start3A_287] : memref<26x32x100000xf32, #tpu.memory_space<hbm>> -> memref<1x32x100000xf32, #tpu.memory_space<hbm>>
      %dma_start3A_289 = tpu.memref_squeeze %dma_start3A_288 : memref<1x32x100000xf32, #tpu.memory_space<hbm>> -> memref<32x100000xf32, #tpu.memory_space<hbm>>
      %dma_start3A_290 = arith.constant 0 : i32
      %dma_start3A_291 = tpu.memref_slice %dma_start3A_289[%dma_start3A_278, %dma_start3A_290] : memref<32x100000xf32, #tpu.memory_space<hbm>> -> memref<1x100000xf32, #tpu.memory_space<hbm>>
      %dma_start3A_292 = tpu.memref_squeeze %dma_start3A_291 : memref<1x100000xf32, #tpu.memory_space<hbm>> -> memref<100000xf32, #tpu.memory_space<hbm>>
      %dma_start3A_293 = arith.constant 0 : i32
      %dma_start3A_294 = tpu.memref_slice %dma_start3A_292[%dma_start3A_293] : memref<100000xf32, #tpu.memory_space<hbm>> -> memref<100000xf32, #tpu.memory_space<hbm>>
      tpu.enqueue_indirect_dma source(%dma_start3A_294 : memref<100000xf32, #tpu.memory_space<hbm>>) target(%dma_start3A_282 : memref<128xf32, #tpu.memory_space<vmem>>) offsets(%dma_start3A_285 : memref<128xi32, #tpu.memory_space<vmem>>) semaphore(%arg7 : memref<!tpu.dma_semaphore, #tpu.memory_space<semaphore_mem>>)
      %dma_start3A_295 = arith.constant 17 : i32
      %dma_start3A_296 = arith.constant 17 : i32
      %dma_start3A_297 = arith.constant 0 : i32
      %dma_start3A_298 = tpu.memref_slice %arg6[%dma_start3A_296, %dma_start3A_297] : memref<32x128xf32, #tpu.memory_space<vmem>> -> memref<1x128xf32, #tpu.memory_space<vmem>>
      %dma_start3A_299 = tpu.memref_squeeze %dma_start3A_298 : memref<1x128xf32, #tpu.memory_space<vmem>> -> memref<128xf32, #tpu.memory_space<vmem>>
      %dma_start3A_300 = arith.constant 0 : i32
      %dma_start3A_301 = tpu.memref_slice %arg5[%scan3A_6, %dma_start3A_300] : memref<26x128xi32, #tpu.memory_space<vmem>> -> memref<1x128xi32, #tpu.memory_space<vmem>>
      %dma_start3A_302 = tpu.memref_squeeze %dma_start3A_301 : memref<1x128xi32, #tpu.memory_space<vmem>> -> memref<128xi32, #tpu.memory_space<vmem>>
      %dma_start3A_303 = arith.constant 0 : i32
      %dma_start3A_304 = arith.constant 0 : i32
      %dma_start3A_305 = tpu.memref_slice %arg3[%scan3A_6, %dma_start3A_303, %dma_start3A_304] : memref<26x32x100000xf32, #tpu.memory_space<hbm>> -> memref<1x32x100000xf32, #tpu.memory_space<hbm>>
      %dma_start3A_306 = tpu.memref_squeeze %dma_start3A_305 : memref<1x32x100000xf32, #tpu.memory_space<hbm>> -> memref<32x100000xf32, #tpu.memory_space<hbm>>
      %dma_start3A_307 = arith.constant 0 : i32
      %dma_start3A_308 = tpu.memref_slice %dma_start3A_306[%dma_start3A_295, %dma_start3A_307] : memref<32x100000xf32, #tpu.memory_space<hbm>> -> memref<1x100000xf32, #tpu.memory_space<hbm>>
      %dma_start3A_309 = tpu.memref_squeeze %dma_start3A_308 : memref<1x100000xf32, #tpu.memory_space<hbm>> -> memref<100000xf32, #tpu.memory_space<hbm>>
      %dma_start3A_310 = arith.constant 0 : i32
      %dma_start3A_311 = tpu.memref_slice %dma_start3A_309[%dma_start3A_310] : memref<100000xf32, #tpu.memory_space<hbm>> -> memref<100000xf32, #tpu.memory_space<hbm>>
      tpu.enqueue_indirect_dma source(%dma_start3A_311 : memref<100000xf32, #tpu.memory_space<hbm>>) target(%dma_start3A_299 : memref<128xf32, #tpu.memory_space<vmem>>) offsets(%dma_start3A_302 : memref<128xi32, #tpu.memory_space<vmem>>) semaphore(%arg7 : memref<!tpu.dma_semaphore, #tpu.memory_space<semaphore_mem>>)
      %dma_start3A_312 = arith.constant 18 : i32
      %dma_start3A_313 = arith.constant 18 : i32
      %dma_start3A_314 = arith.constant 0 : i32
      %dma_start3A_315 = tpu.memref_slice %arg6[%dma_start3A_313, %dma_start3A_314] : memref<32x128xf32, #tpu.memory_space<vmem>> -> memref<1x128xf32, #tpu.memory_space<vmem>>
      %dma_start3A_316 = tpu.memref_squeeze %dma_start3A_315 : memref<1x128xf32, #tpu.memory_space<vmem>> -> memref<128xf32, #tpu.memory_space<vmem>>
      %dma_start3A_317 = arith.constant 0 : i32
      %dma_start3A_318 = tpu.memref_slice %arg5[%scan3A_6, %dma_start3A_317] : memref<26x128xi32, #tpu.memory_space<vmem>> -> memref<1x128xi32, #tpu.memory_space<vmem>>
      %dma_start3A_319 = tpu.memref_squeeze %dma_start3A_318 : memref<1x128xi32, #tpu.memory_space<vmem>> -> memref<128xi32, #tpu.memory_space<vmem>>
      %dma_start3A_320 = arith.constant 0 : i32
      %dma_start3A_321 = arith.constant 0 : i32
      %dma_start3A_322 = tpu.memref_slice %arg3[%scan3A_6, %dma_start3A_320, %dma_start3A_321] : memref<26x32x100000xf32, #tpu.memory_space<hbm>> -> memref<1x32x100000xf32, #tpu.memory_space<hbm>>
      %dma_start3A_323 = tpu.memref_squeeze %dma_start3A_322 : memref<1x32x100000xf32, #tpu.memory_space<hbm>> -> memref<32x100000xf32, #tpu.memory_space<hbm>>
      %dma_start3A_324 = arith.constant 0 : i32
      %dma_start3A_325 = tpu.memref_slice %dma_start3A_323[%dma_start3A_312, %dma_start3A_324] : memref<32x100000xf32, #tpu.memory_space<hbm>> -> memref<1x100000xf32, #tpu.memory_space<hbm>>
      %dma_start3A_326 = tpu.memref_squeeze %dma_start3A_325 : memref<1x100000xf32, #tpu.memory_space<hbm>> -> memref<100000xf32, #tpu.memory_space<hbm>>
      %dma_start3A_327 = arith.constant 0 : i32
      %dma_start3A_328 = tpu.memref_slice %dma_start3A_326[%dma_start3A_327] : memref<100000xf32, #tpu.memory_space<hbm>> -> memref<100000xf32, #tpu.memory_space<hbm>>
      tpu.enqueue_indirect_dma source(%dma_start3A_328 : memref<100000xf32, #tpu.memory_space<hbm>>) target(%dma_start3A_316 : memref<128xf32, #tpu.memory_space<vmem>>) offsets(%dma_start3A_319 : memref<128xi32, #tpu.memory_space<vmem>>) semaphore(%arg7 : memref<!tpu.dma_semaphore, #tpu.memory_space<semaphore_mem>>)
      %dma_start3A_329 = arith.constant 19 : i32
      %dma_start3A_330 = arith.constant 19 : i32
      %dma_start3A_331 = arith.constant 0 : i32
      %dma_start3A_332 = tpu.memref_slice %arg6[%dma_start3A_330, %dma_start3A_331] : memref<32x128xf32, #tpu.memory_space<vmem>> -> memref<1x128xf32, #tpu.memory_space<vmem>>
      %dma_start3A_333 = tpu.memref_squeeze %dma_start3A_332 : memref<1x128xf32, #tpu.memory_space<vmem>> -> memref<128xf32, #tpu.memory_space<vmem>>
      %dma_start3A_334 = arith.constant 0 : i32
      %dma_start3A_335 = tpu.memref_slice %arg5[%scan3A_6, %dma_start3A_334] : memref<26x128xi32, #tpu.memory_space<vmem>> -> memref<1x128xi32, #tpu.memory_space<vmem>>
      %dma_start3A_336 = tpu.memref_squeeze %dma_start3A_335 : memref<1x128xi32, #tpu.memory_space<vmem>> -> memref<128xi32, #tpu.memory_space<vmem>>
      %dma_start3A_337 = arith.constant 0 : i32
      %dma_start3A_338 = arith.constant 0 : i32
      %dma_start3A_339 = tpu.memref_slice %arg3[%scan3A_6, %dma_start3A_337, %dma_start3A_338] : memref<26x32x100000xf32, #tpu.memory_space<hbm>> -> memref<1x32x100000xf32, #tpu.memory_space<hbm>>
      %dma_start3A_340 = tpu.memref_squeeze %dma_start3A_339 : memref<1x32x100000xf32, #tpu.memory_space<hbm>> -> memref<32x100000xf32, #tpu.memory_space<hbm>>
      %dma_start3A_341 = arith.constant 0 : i32
      %dma_start3A_342 = tpu.memref_slice %dma_start3A_340[%dma_start3A_329, %dma_start3A_341] : memref<32x100000xf32, #tpu.memory_space<hbm>> -> memref<1x100000xf32, #tpu.memory_space<hbm>>
      %dma_start3A_343 = tpu.memref_squeeze %dma_start3A_342 : memref<1x100000xf32, #tpu.memory_space<hbm>> -> memref<100000xf32, #tpu.memory_space<hbm>>
      %dma_start3A_344 = arith.constant 0 : i32
      %dma_start3A_345 = tpu.memref_slice %dma_start3A_343[%dma_start3A_344] : memref<100000xf32, #tpu.memory_space<hbm>> -> memref<100000xf32, #tpu.memory_space<hbm>>
      tpu.enqueue_indirect_dma source(%dma_start3A_345 : memref<100000xf32, #tpu.memory_space<hbm>>) target(%dma_start3A_333 : memref<128xf32, #tpu.memory_space<vmem>>) offsets(%dma_start3A_336 : memref<128xi32, #tpu.memory_space<vmem>>) semaphore(%arg7 : memref<!tpu.dma_semaphore, #tpu.memory_space<semaphore_mem>>)
      %dma_start3A_346 = arith.constant 20 : i32
      %dma_start3A_347 = arith.constant 20 : i32
      %dma_start3A_348 = arith.constant 0 : i32
      %dma_start3A_349 = tpu.memref_slice %arg6[%dma_start3A_347, %dma_start3A_348] : memref<32x128xf32, #tpu.memory_space<vmem>> -> memref<1x128xf32, #tpu.memory_space<vmem>>
      %dma_start3A_350 = tpu.memref_squeeze %dma_start3A_349 : memref<1x128xf32, #tpu.memory_space<vmem>> -> memref<128xf32, #tpu.memory_space<vmem>>
      %dma_start3A_351 = arith.constant 0 : i32
      %dma_start3A_352 = tpu.memref_slice %arg5[%scan3A_6, %dma_start3A_351] : memref<26x128xi32, #tpu.memory_space<vmem>> -> memref<1x128xi32, #tpu.memory_space<vmem>>
      %dma_start3A_353 = tpu.memref_squeeze %dma_start3A_352 : memref<1x128xi32, #tpu.memory_space<vmem>> -> memref<128xi32, #tpu.memory_space<vmem>>
      %dma_start3A_354 = arith.constant 0 : i32
      %dma_start3A_355 = arith.constant 0 : i32
      %dma_start3A_356 = tpu.memref_slice %arg3[%scan3A_6, %dma_start3A_354, %dma_start3A_355] : memref<26x32x100000xf32, #tpu.memory_space<hbm>> -> memref<1x32x100000xf32, #tpu.memory_space<hbm>>
      %dma_start3A_357 = tpu.memref_squeeze %dma_start3A_356 : memref<1x32x100000xf32, #tpu.memory_space<hbm>> -> memref<32x100000xf32, #tpu.memory_space<hbm>>
      %dma_start3A_358 = arith.constant 0 : i32
      %dma_start3A_359 = tpu.memref_slice %dma_start3A_357[%dma_start3A_346, %dma_start3A_358] : memref<32x100000xf32, #tpu.memory_space<hbm>> -> memref<1x100000xf32, #tpu.memory_space<hbm>>
      %dma_start3A_360 = tpu.memref_squeeze %dma_start3A_359 : memref<1x100000xf32, #tpu.memory_space<hbm>> -> memref<100000xf32, #tpu.memory_space<hbm>>
      %dma_start3A_361 = arith.constant 0 : i32
      %dma_start3A_362 = tpu.memref_slice %dma_start3A_360[%dma_start3A_361] : memref<100000xf32, #tpu.memory_space<hbm>> -> memref<100000xf32, #tpu.memory_space<hbm>>
      tpu.enqueue_indirect_dma source(%dma_start3A_362 : memref<100000xf32, #tpu.memory_space<hbm>>) target(%dma_start3A_350 : memref<128xf32, #tpu.memory_space<vmem>>) offsets(%dma_start3A_353 : memref<128xi32, #tpu.memory_space<vmem>>) semaphore(%arg7 : memref<!tpu.dma_semaphore, #tpu.memory_space<semaphore_mem>>)
      %dma_start3A_363 = arith.constant 21 : i32
      %dma_start3A_364 = arith.constant 21 : i32
      %dma_start3A_365 = arith.constant 0 : i32
      %dma_start3A_366 = tpu.memref_slice %arg6[%dma_start3A_364, %dma_start3A_365] : memref<32x128xf32, #tpu.memory_space<vmem>> -> memref<1x128xf32, #tpu.memory_space<vmem>>
      %dma_start3A_367 = tpu.memref_squeeze %dma_start3A_366 : memref<1x128xf32, #tpu.memory_space<vmem>> -> memref<128xf32, #tpu.memory_space<vmem>>
      %dma_start3A_368 = arith.constant 0 : i32
      %dma_start3A_369 = tpu.memref_slice %arg5[%scan3A_6, %dma_start3A_368] : memref<26x128xi32, #tpu.memory_space<vmem>> -> memref<1x128xi32, #tpu.memory_space<vmem>>
      %dma_start3A_370 = tpu.memref_squeeze %dma_start3A_369 : memref<1x128xi32, #tpu.memory_space<vmem>> -> memref<128xi32, #tpu.memory_space<vmem>>
      %dma_start3A_371 = arith.constant 0 : i32
      %dma_start3A_372 = arith.constant 0 : i32
      %dma_start3A_373 = tpu.memref_slice %arg3[%scan3A_6, %dma_start3A_371, %dma_start3A_372] : memref<26x32x100000xf32, #tpu.memory_space<hbm>> -> memref<1x32x100000xf32, #tpu.memory_space<hbm>>
      %dma_start3A_374 = tpu.memref_squeeze %dma_start3A_373 : memref<1x32x100000xf32, #tpu.memory_space<hbm>> -> memref<32x100000xf32, #tpu.memory_space<hbm>>
      %dma_start3A_375 = arith.constant 0 : i32
      %dma_start3A_376 = tpu.memref_slice %dma_start3A_374[%dma_start3A_363, %dma_start3A_375] : memref<32x100000xf32, #tpu.memory_space<hbm>> -> memref<1x100000xf32, #tpu.memory_space<hbm>>
      %dma_start3A_377 = tpu.memref_squeeze %dma_start3A_376 : memref<1x100000xf32, #tpu.memory_space<hbm>> -> memref<100000xf32, #tpu.memory_space<hbm>>
      %dma_start3A_378 = arith.constant 0 : i32
      %dma_start3A_379 = tpu.memref_slice %dma_start3A_377[%dma_start3A_378] : memref<100000xf32, #tpu.memory_space<hbm>> -> memref<100000xf32, #tpu.memory_space<hbm>>
      tpu.enqueue_indirect_dma source(%dma_start3A_379 : memref<100000xf32, #tpu.memory_space<hbm>>) target(%dma_start3A_367 : memref<128xf32, #tpu.memory_space<vmem>>) offsets(%dma_start3A_370 : memref<128xi32, #tpu.memory_space<vmem>>) semaphore(%arg7 : memref<!tpu.dma_semaphore, #tpu.memory_space<semaphore_mem>>)
      %dma_start3A_380 = arith.constant 22 : i32
      %dma_start3A_381 = arith.constant 22 : i32
      %dma_start3A_382 = arith.constant 0 : i32
      %dma_start3A_383 = tpu.memref_slice %arg6[%dma_start3A_381, %dma_start3A_382] : memref<32x128xf32, #tpu.memory_space<vmem>> -> memref<1x128xf32, #tpu.memory_space<vmem>>
      %dma_start3A_384 = tpu.memref_squeeze %dma_start3A_383 : memref<1x128xf32, #tpu.memory_space<vmem>> -> memref<128xf32, #tpu.memory_space<vmem>>
      %dma_start3A_385 = arith.constant 0 : i32
      %dma_start3A_386 = tpu.memref_slice %arg5[%scan3A_6, %dma_start3A_385] : memref<26x128xi32, #tpu.memory_space<vmem>> -> memref<1x128xi32, #tpu.memory_space<vmem>>
      %dma_start3A_387 = tpu.memref_squeeze %dma_start3A_386 : memref<1x128xi32, #tpu.memory_space<vmem>> -> memref<128xi32, #tpu.memory_space<vmem>>
      %dma_start3A_388 = arith.constant 0 : i32
      %dma_start3A_389 = arith.constant 0 : i32
      %dma_start3A_390 = tpu.memref_slice %arg3[%scan3A_6, %dma_start3A_388, %dma_start3A_389] : memref<26x32x100000xf32, #tpu.memory_space<hbm>> -> memref<1x32x100000xf32, #tpu.memory_space<hbm>>
      %dma_start3A_391 = tpu.memref_squeeze %dma_start3A_390 : memref<1x32x100000xf32, #tpu.memory_space<hbm>> -> memref<32x100000xf32, #tpu.memory_space<hbm>>
      %dma_start3A_392 = arith.constant 0 : i32
      %dma_start3A_393 = tpu.memref_slice %dma_start3A_391[%dma_start3A_380, %dma_start3A_392] : memref<32x100000xf32, #tpu.memory_space<hbm>> -> memref<1x100000xf32, #tpu.memory_space<hbm>>
      %dma_start3A_394 = tpu.memref_squeeze %dma_start3A_393 : memref<1x100000xf32, #tpu.memory_space<hbm>> -> memref<100000xf32, #tpu.memory_space<hbm>>
      %dma_start3A_395 = arith.constant 0 : i32
      %dma_start3A_396 = tpu.memref_slice %dma_start3A_394[%dma_start3A_395] : memref<100000xf32, #tpu.memory_space<hbm>> -> memref<100000xf32, #tpu.memory_space<hbm>>
      tpu.enqueue_indirect_dma source(%dma_start3A_396 : memref<100000xf32, #tpu.memory_space<hbm>>) target(%dma_start3A_384 : memref<128xf32, #tpu.memory_space<vmem>>) offsets(%dma_start3A_387 : memref<128xi32, #tpu.memory_space<vmem>>) semaphore(%arg7 : memref<!tpu.dma_semaphore, #tpu.memory_space<semaphore_mem>>)
      %dma_start3A_397 = arith.constant 23 : i32
      %dma_start3A_398 = arith.constant 23 : i32
      %dma_start3A_399 = arith.constant 0 : i32
      %dma_start3A_400 = tpu.memref_slice %arg6[%dma_start3A_398, %dma_start3A_399] : memref<32x128xf32, #tpu.memory_space<vmem>> -> memref<1x128xf32, #tpu.memory_space<vmem>>
      %dma_start3A_401 = tpu.memref_squeeze %dma_start3A_400 : memref<1x128xf32, #tpu.memory_space<vmem>> -> memref<128xf32, #tpu.memory_space<vmem>>
      %dma_start3A_402 = arith.constant 0 : i32
      %dma_start3A_403 = tpu.memref_slice %arg5[%scan3A_6, %dma_start3A_402] : memref<26x128xi32, #tpu.memory_space<vmem>> -> memref<1x128xi32, #tpu.memory_space<vmem>>
      %dma_start3A_404 = tpu.memref_squeeze %dma_start3A_403 : memref<1x128xi32, #tpu.memory_space<vmem>> -> memref<128xi32, #tpu.memory_space<vmem>>
      %dma_start3A_405 = arith.constant 0 : i32
      %dma_start3A_406 = arith.constant 0 : i32
      %dma_start3A_407 = tpu.memref_slice %arg3[%scan3A_6, %dma_start3A_405, %dma_start3A_406] : memref<26x32x100000xf32, #tpu.memory_space<hbm>> -> memref<1x32x100000xf32, #tpu.memory_space<hbm>>
      %dma_start3A_408 = tpu.memref_squeeze %dma_start3A_407 : memref<1x32x100000xf32, #tpu.memory_space<hbm>> -> memref<32x100000xf32, #tpu.memory_space<hbm>>
      %dma_start3A_409 = arith.constant 0 : i32
      %dma_start3A_410 = tpu.memref_slice %dma_start3A_408[%dma_start3A_397, %dma_start3A_409] : memref<32x100000xf32, #tpu.memory_space<hbm>> -> memref<1x100000xf32, #tpu.memory_space<hbm>>
      %dma_start3A_411 = tpu.memref_squeeze %dma_start3A_410 : memref<1x100000xf32, #tpu.memory_space<hbm>> -> memref<100000xf32, #tpu.memory_space<hbm>>
      %dma_start3A_412 = arith.constant 0 : i32
      %dma_start3A_413 = tpu.memref_slice %dma_start3A_411[%dma_start3A_412] : memref<100000xf32, #tpu.memory_space<hbm>> -> memref<100000xf32, #tpu.memory_space<hbm>>
      tpu.enqueue_indirect_dma source(%dma_start3A_413 : memref<100000xf32, #tpu.memory_space<hbm>>) target(%dma_start3A_401 : memref<128xf32, #tpu.memory_space<vmem>>) offsets(%dma_start3A_404 : memref<128xi32, #tpu.memory_space<vmem>>) semaphore(%arg7 : memref<!tpu.dma_semaphore, #tpu.memory_space<semaphore_mem>>)
      %dma_start3A_414 = arith.constant 24 : i32
      %dma_start3A_415 = arith.constant 24 : i32
      %dma_start3A_416 = arith.constant 0 : i32
      %dma_start3A_417 = tpu.memref_slice %arg6[%dma_start3A_415, %dma_start3A_416] : memref<32x128xf32, #tpu.memory_space<vmem>> -> memref<1x128xf32, #tpu.memory_space<vmem>>
      %dma_start3A_418 = tpu.memref_squeeze %dma_start3A_417 : memref<1x128xf32, #tpu.memory_space<vmem>> -> memref<128xf32, #tpu.memory_space<vmem>>
      %dma_start3A_419 = arith.constant 0 : i32
      %dma_start3A_420 = tpu.memref_slice %arg5[%scan3A_6, %dma_start3A_419] : memref<26x128xi32, #tpu.memory_space<vmem>> -> memref<1x128xi32, #tpu.memory_space<vmem>>
      %dma_start3A_421 = tpu.memref_squeeze %dma_start3A_420 : memref<1x128xi32, #tpu.memory_space<vmem>> -> memref<128xi32, #tpu.memory_space<vmem>>
      %dma_start3A_422 = arith.constant 0 : i32
      %dma_start3A_423 = arith.constant 0 : i32
      %dma_start3A_424 = tpu.memref_slice %arg3[%scan3A_6, %dma_start3A_422, %dma_start3A_423] : memref<26x32x100000xf32, #tpu.memory_space<hbm>> -> memref<1x32x100000xf32, #tpu.memory_space<hbm>>
      %dma_start3A_425 = tpu.memref_squeeze %dma_start3A_424 : memref<1x32x100000xf32, #tpu.memory_space<hbm>> -> memref<32x100000xf32, #tpu.memory_space<hbm>>
      %dma_start3A_426 = arith.constant 0 : i32
      %dma_start3A_427 = tpu.memref_slice %dma_start3A_425[%dma_start3A_414, %dma_start3A_426] : memref<32x100000xf32, #tpu.memory_space<hbm>> -> memref<1x100000xf32, #tpu.memory_space<hbm>>
      %dma_start3A_428 = tpu.memref_squeeze %dma_start3A_427 : memref<1x100000xf32, #tpu.memory_space<hbm>> -> memref<100000xf32, #tpu.memory_space<hbm>>
      %dma_start3A_429 = arith.constant 0 : i32
      %dma_start3A_430 = tpu.memref_slice %dma_start3A_428[%dma_start3A_429] : memref<100000xf32, #tpu.memory_space<hbm>> -> memref<100000xf32, #tpu.memory_space<hbm>>
      tpu.enqueue_indirect_dma source(%dma_start3A_430 : memref<100000xf32, #tpu.memory_space<hbm>>) target(%dma_start3A_418 : memref<128xf32, #tpu.memory_space<vmem>>) offsets(%dma_start3A_421 : memref<128xi32, #tpu.memory_space<vmem>>) semaphore(%arg7 : memref<!tpu.dma_semaphore, #tpu.memory_space<semaphore_mem>>)
      %dma_start3A_431 = arith.constant 25 : i32
      %dma_start3A_432 = arith.constant 25 : i32
      %dma_start3A_433 = arith.constant 0 : i32
      %dma_start3A_434 = tpu.memref_slice %arg6[%dma_start3A_432, %dma_start3A_433] : memref<32x128xf32, #tpu.memory_space<vmem>> -> memref<1x128xf32, #tpu.memory_space<vmem>>
      %dma_start3A_435 = tpu.memref_squeeze %dma_start3A_434 : memref<1x128xf32, #tpu.memory_space<vmem>> -> memref<128xf32, #tpu.memory_space<vmem>>
      %dma_start3A_436 = arith.constant 0 : i32
      %dma_start3A_437 = tpu.memref_slice %arg5[%scan3A_6, %dma_start3A_436] : memref<26x128xi32, #tpu.memory_space<vmem>> -> memref<1x128xi32, #tpu.memory_space<vmem>>
      %dma_start3A_438 = tpu.memref_squeeze %dma_start3A_437 : memref<1x128xi32, #tpu.memory_space<vmem>> -> memref<128xi32, #tpu.memory_space<vmem>>
      %dma_start3A_439 = arith.constant 0 : i32
      %dma_start3A_440 = arith.constant 0 : i32
      %dma_start3A_441 = tpu.memref_slice %arg3[%scan3A_6, %dma_start3A_439, %dma_start3A_440] : memref<26x32x100000xf32, #tpu.memory_space<hbm>> -> memref<1x32x100000xf32, #tpu.memory_space<hbm>>
      %dma_start3A_442 = tpu.memref_squeeze %dma_start3A_441 : memref<1x32x100000xf32, #tpu.memory_space<hbm>> -> memref<32x100000xf32, #tpu.memory_space<hbm>>
      %dma_start3A_443 = arith.constant 0 : i32
      %dma_start3A_444 = tpu.memref_slice %dma_start3A_442[%dma_start3A_431, %dma_start3A_443] : memref<32x100000xf32, #tpu.memory_space<hbm>> -> memref<1x100000xf32, #tpu.memory_space<hbm>>
      %dma_start3A_445 = tpu.memref_squeeze %dma_start3A_444 : memref<1x100000xf32, #tpu.memory_space<hbm>> -> memref<100000xf32, #tpu.memory_space<hbm>>
      %dma_start3A_446 = arith.constant 0 : i32
      %dma_start3A_447 = tpu.memref_slice %dma_start3A_445[%dma_start3A_446] : memref<100000xf32, #tpu.memory_space<hbm>> -> memref<100000xf32, #tpu.memory_space<hbm>>
      tpu.enqueue_indirect_dma source(%dma_start3A_447 : memref<100000xf32, #tpu.memory_space<hbm>>) target(%dma_start3A_435 : memref<128xf32, #tpu.memory_space<vmem>>) offsets(%dma_start3A_438 : memref<128xi32, #tpu.memory_space<vmem>>) semaphore(%arg7 : memref<!tpu.dma_semaphore, #tpu.memory_space<semaphore_mem>>)
      %dma_start3A_448 = arith.constant 26 : i32
      %dma_start3A_449 = arith.constant 26 : i32
      %dma_start3A_450 = arith.constant 0 : i32
      %dma_start3A_451 = tpu.memref_slice %arg6[%dma_start3A_449, %dma_start3A_450] : memref<32x128xf32, #tpu.memory_space<vmem>> -> memref<1x128xf32, #tpu.memory_space<vmem>>
      %dma_start3A_452 = tpu.memref_squeeze %dma_start3A_451 : memref<1x128xf32, #tpu.memory_space<vmem>> -> memref<128xf32, #tpu.memory_space<vmem>>
      %dma_start3A_453 = arith.constant 0 : i32
      %dma_start3A_454 = tpu.memref_slice %arg5[%scan3A_6, %dma_start3A_453] : memref<26x128xi32, #tpu.memory_space<vmem>> -> memref<1x128xi32, #tpu.memory_space<vmem>>
      %dma_start3A_455 = tpu.memref_squeeze %dma_start3A_454 : memref<1x128xi32, #tpu.memory_space<vmem>> -> memref<128xi32, #tpu.memory_space<vmem>>
      %dma_start3A_456 = arith.constant 0 : i32
      %dma_start3A_457 = arith.constant 0 : i32
      %dma_start3A_458 = tpu.memref_slice %arg3[%scan3A_6, %dma_start3A_456, %dma_start3A_457] : memref<26x32x100000xf32, #tpu.memory_space<hbm>> -> memref<1x32x100000xf32, #tpu.memory_space<hbm>>
      %dma_start3A_459 = tpu.memref_squeeze %dma_start3A_458 : memref<1x32x100000xf32, #tpu.memory_space<hbm>> -> memref<32x100000xf32, #tpu.memory_space<hbm>>
      %dma_start3A_460 = arith.constant 0 : i32
      %dma_start3A_461 = tpu.memref_slice %dma_start3A_459[%dma_start3A_448, %dma_start3A_460] : memref<32x100000xf32, #tpu.memory_space<hbm>> -> memref<1x100000xf32, #tpu.memory_space<hbm>>
      %dma_start3A_462 = tpu.memref_squeeze %dma_start3A_461 : memref<1x100000xf32, #tpu.memory_space<hbm>> -> memref<100000xf32, #tpu.memory_space<hbm>>
      %dma_start3A_463 = arith.constant 0 : i32
      %dma_start3A_464 = tpu.memref_slice %dma_start3A_462[%dma_start3A_463] : memref<100000xf32, #tpu.memory_space<hbm>> -> memref<100000xf32, #tpu.memory_space<hbm>>
      tpu.enqueue_indirect_dma source(%dma_start3A_464 : memref<100000xf32, #tpu.memory_space<hbm>>) target(%dma_start3A_452 : memref<128xf32, #tpu.memory_space<vmem>>) offsets(%dma_start3A_455 : memref<128xi32, #tpu.memory_space<vmem>>) semaphore(%arg7 : memref<!tpu.dma_semaphore, #tpu.memory_space<semaphore_mem>>)
      %dma_start3A_465 = arith.constant 27 : i32
      %dma_start3A_466 = arith.constant 27 : i32
      %dma_start3A_467 = arith.constant 0 : i32
      %dma_start3A_468 = tpu.memref_slice %arg6[%dma_start3A_466, %dma_start3A_467] : memref<32x128xf32, #tpu.memory_space<vmem>> -> memref<1x128xf32, #tpu.memory_space<vmem>>
      %dma_start3A_469 = tpu.memref_squeeze %dma_start3A_468 : memref<1x128xf32, #tpu.memory_space<vmem>> -> memref<128xf32, #tpu.memory_space<vmem>>
      %dma_start3A_470 = arith.constant 0 : i32
      %dma_start3A_471 = tpu.memref_slice %arg5[%scan3A_6, %dma_start3A_470] : memref<26x128xi32, #tpu.memory_space<vmem>> -> memref<1x128xi32, #tpu.memory_space<vmem>>
      %dma_start3A_472 = tpu.memref_squeeze %dma_start3A_471 : memref<1x128xi32, #tpu.memory_space<vmem>> -> memref<128xi32, #tpu.memory_space<vmem>>
      %dma_start3A_473 = arith.constant 0 : i32
      %dma_start3A_474 = arith.constant 0 : i32
      %dma_start3A_475 = tpu.memref_slice %arg3[%scan3A_6, %dma_start3A_473, %dma_start3A_474] : memref<26x32x100000xf32, #tpu.memory_space<hbm>> -> memref<1x32x100000xf32, #tpu.memory_space<hbm>>
      %dma_start3A_476 = tpu.memref_squeeze %dma_start3A_475 : memref<1x32x100000xf32, #tpu.memory_space<hbm>> -> memref<32x100000xf32, #tpu.memory_space<hbm>>
      %dma_start3A_477 = arith.constant 0 : i32
      %dma_start3A_478 = tpu.memref_slice %dma_start3A_476[%dma_start3A_465, %dma_start3A_477] : memref<32x100000xf32, #tpu.memory_space<hbm>> -> memref<1x100000xf32, #tpu.memory_space<hbm>>
      %dma_start3A_479 = tpu.memref_squeeze %dma_start3A_478 : memref<1x100000xf32, #tpu.memory_space<hbm>> -> memref<100000xf32, #tpu.memory_space<hbm>>
      %dma_start3A_480 = arith.constant 0 : i32
      %dma_start3A_481 = tpu.memref_slice %dma_start3A_479[%dma_start3A_480] : memref<100000xf32, #tpu.memory_space<hbm>> -> memref<100000xf32, #tpu.memory_space<hbm>>
      tpu.enqueue_indirect_dma source(%dma_start3A_481 : memref<100000xf32, #tpu.memory_space<hbm>>) target(%dma_start3A_469 : memref<128xf32, #tpu.memory_space<vmem>>) offsets(%dma_start3A_472 : memref<128xi32, #tpu.memory_space<vmem>>) semaphore(%arg7 : memref<!tpu.dma_semaphore, #tpu.memory_space<semaphore_mem>>)
      %dma_start3A_482 = arith.constant 28 : i32
      %dma_start3A_483 = arith.constant 28 : i32
      %dma_start3A_484 = arith.constant 0 : i32
      %dma_start3A_485 = tpu.memref_slice %arg6[%dma_start3A_483, %dma_start3A_484] : memref<32x128xf32, #tpu.memory_space<vmem>> -> memref<1x128xf32, #tpu.memory_space<vmem>>
      %dma_start3A_486 = tpu.memref_squeeze %dma_start3A_485 : memref<1x128xf32, #tpu.memory_space<vmem>> -> memref<128xf32, #tpu.memory_space<vmem>>
      %dma_start3A_487 = arith.constant 0 : i32
      %dma_start3A_488 = tpu.memref_slice %arg5[%scan3A_6, %dma_start3A_487] : memref<26x128xi32, #tpu.memory_space<vmem>> -> memref<1x128xi32, #tpu.memory_space<vmem>>
      %dma_start3A_489 = tpu.memref_squeeze %dma_start3A_488 : memref<1x128xi32, #tpu.memory_space<vmem>> -> memref<128xi32, #tpu.memory_space<vmem>>
      %dma_start3A_490 = arith.constant 0 : i32
      %dma_start3A_491 = arith.constant 0 : i32
      %dma_start3A_492 = tpu.memref_slice %arg3[%scan3A_6, %dma_start3A_490, %dma_start3A_491] : memref<26x32x100000xf32, #tpu.memory_space<hbm>> -> memref<1x32x100000xf32, #tpu.memory_space<hbm>>
      %dma_start3A_493 = tpu.memref_squeeze %dma_start3A_492 : memref<1x32x100000xf32, #tpu.memory_space<hbm>> -> memref<32x100000xf32, #tpu.memory_space<hbm>>
      %dma_start3A_494 = arith.constant 0 : i32
      %dma_start3A_495 = tpu.memref_slice %dma_start3A_493[%dma_start3A_482, %dma_start3A_494] : memref<32x100000xf32, #tpu.memory_space<hbm>> -> memref<1x100000xf32, #tpu.memory_space<hbm>>
      %dma_start3A_496 = tpu.memref_squeeze %dma_start3A_495 : memref<1x100000xf32, #tpu.memory_space<hbm>> -> memref<100000xf32, #tpu.memory_space<hbm>>
      %dma_start3A_497 = arith.constant 0 : i32
      %dma_start3A_498 = tpu.memref_slice %dma_start3A_496[%dma_start3A_497] : memref<100000xf32, #tpu.memory_space<hbm>> -> memref<100000xf32, #tpu.memory_space<hbm>>
      tpu.enqueue_indirect_dma source(%dma_start3A_498 : memref<100000xf32, #tpu.memory_space<hbm>>) target(%dma_start3A_486 : memref<128xf32, #tpu.memory_space<vmem>>) offsets(%dma_start3A_489 : memref<128xi32, #tpu.memory_space<vmem>>) semaphore(%arg7 : memref<!tpu.dma_semaphore, #tpu.memory_space<semaphore_mem>>)
      %dma_start3A_499 = arith.constant 29 : i32
      %dma_start3A_500 = arith.constant 29 : i32
      %dma_start3A_501 = arith.constant 0 : i32
      %dma_start3A_502 = tpu.memref_slice %arg6[%dma_start3A_500, %dma_start3A_501] : memref<32x128xf32, #tpu.memory_space<vmem>> -> memref<1x128xf32, #tpu.memory_space<vmem>>
      %dma_start3A_503 = tpu.memref_squeeze %dma_start3A_502 : memref<1x128xf32, #tpu.memory_space<vmem>> -> memref<128xf32, #tpu.memory_space<vmem>>
      %dma_start3A_504 = arith.constant 0 : i32
      %dma_start3A_505 = tpu.memref_slice %arg5[%scan3A_6, %dma_start3A_504] : memref<26x128xi32, #tpu.memory_space<vmem>> -> memref<1x128xi32, #tpu.memory_space<vmem>>
      %dma_start3A_506 = tpu.memref_squeeze %dma_start3A_505 : memref<1x128xi32, #tpu.memory_space<vmem>> -> memref<128xi32, #tpu.memory_space<vmem>>
      %dma_start3A_507 = arith.constant 0 : i32
      %dma_start3A_508 = arith.constant 0 : i32
      %dma_start3A_509 = tpu.memref_slice %arg3[%scan3A_6, %dma_start3A_507, %dma_start3A_508] : memref<26x32x100000xf32, #tpu.memory_space<hbm>> -> memref<1x32x100000xf32, #tpu.memory_space<hbm>>
      %dma_start3A_510 = tpu.memref_squeeze %dma_start3A_509 : memref<1x32x100000xf32, #tpu.memory_space<hbm>> -> memref<32x100000xf32, #tpu.memory_space<hbm>>
      %dma_start3A_511 = arith.constant 0 : i32
      %dma_start3A_512 = tpu.memref_slice %dma_start3A_510[%dma_start3A_499, %dma_start3A_511] : memref<32x100000xf32, #tpu.memory_space<hbm>> -> memref<1x100000xf32, #tpu.memory_space<hbm>>
      %dma_start3A_513 = tpu.memref_squeeze %dma_start3A_512 : memref<1x100000xf32, #tpu.memory_space<hbm>> -> memref<100000xf32, #tpu.memory_space<hbm>>
      %dma_start3A_514 = arith.constant 0 : i32
      %dma_start3A_515 = tpu.memref_slice %dma_start3A_513[%dma_start3A_514] : memref<100000xf32, #tpu.memory_space<hbm>> -> memref<100000xf32, #tpu.memory_space<hbm>>
      tpu.enqueue_indirect_dma source(%dma_start3A_515 : memref<100000xf32, #tpu.memory_space<hbm>>) target(%dma_start3A_503 : memref<128xf32, #tpu.memory_space<vmem>>) offsets(%dma_start3A_506 : memref<128xi32, #tpu.memory_space<vmem>>) semaphore(%arg7 : memref<!tpu.dma_semaphore, #tpu.memory_space<semaphore_mem>>)
      %dma_start3A_516 = arith.constant 30 : i32
      %dma_start3A_517 = arith.constant 30 : i32
      %dma_start3A_518 = arith.constant 0 : i32
      %dma_start3A_519 = tpu.memref_slice %arg6[%dma_start3A_517, %dma_start3A_518] : memref<32x128xf32, #tpu.memory_space<vmem>> -> memref<1x128xf32, #tpu.memory_space<vmem>>
      %dma_start3A_520 = tpu.memref_squeeze %dma_start3A_519 : memref<1x128xf32, #tpu.memory_space<vmem>> -> memref<128xf32, #tpu.memory_space<vmem>>
      %dma_start3A_521 = arith.constant 0 : i32
      %dma_start3A_522 = tpu.memref_slice %arg5[%scan3A_6, %dma_start3A_521] : memref<26x128xi32, #tpu.memory_space<vmem>> -> memref<1x128xi32, #tpu.memory_space<vmem>>
      %dma_start3A_523 = tpu.memref_squeeze %dma_start3A_522 : memref<1x128xi32, #tpu.memory_space<vmem>> -> memref<128xi32, #tpu.memory_space<vmem>>
      %dma_start3A_524 = arith.constant 0 : i32
      %dma_start3A_525 = arith.constant 0 : i32
      %dma_start3A_526 = tpu.memref_slice %arg3[%scan3A_6, %dma_start3A_524, %dma_start3A_525] : memref<26x32x100000xf32, #tpu.memory_space<hbm>> -> memref<1x32x100000xf32, #tpu.memory_space<hbm>>
      %dma_start3A_527 = tpu.memref_squeeze %dma_start3A_526 : memref<1x32x100000xf32, #tpu.memory_space<hbm>> -> memref<32x100000xf32, #tpu.memory_space<hbm>>
      %dma_start3A_528 = arith.constant 0 : i32
      %dma_start3A_529 = tpu.memref_slice %dma_start3A_527[%dma_start3A_516, %dma_start3A_528] : memref<32x100000xf32, #tpu.memory_space<hbm>> -> memref<1x100000xf32, #tpu.memory_space<hbm>>
      %dma_start3A_530 = tpu.memref_squeeze %dma_start3A_529 : memref<1x100000xf32, #tpu.memory_space<hbm>> -> memref<100000xf32, #tpu.memory_space<hbm>>
      %dma_start3A_531 = arith.constant 0 : i32
      %dma_start3A_532 = tpu.memref_slice %dma_start3A_530[%dma_start3A_531] : memref<100000xf32, #tpu.memory_space<hbm>> -> memref<100000xf32, #tpu.memory_space<hbm>>
      tpu.enqueue_indirect_dma source(%dma_start3A_532 : memref<100000xf32, #tpu.memory_space<hbm>>) target(%dma_start3A_520 : memref<128xf32, #tpu.memory_space<vmem>>) offsets(%dma_start3A_523 : memref<128xi32, #tpu.memory_space<vmem>>) semaphore(%arg7 : memref<!tpu.dma_semaphore, #tpu.memory_space<semaphore_mem>>)
      %dma_start3A_533 = arith.constant 31 : i32
      %dma_start3A_534 = arith.constant 31 : i32
      %dma_start3A_535 = arith.constant 0 : i32
      %dma_start3A_536 = tpu.memref_slice %arg6[%dma_start3A_534, %dma_start3A_535] : memref<32x128xf32, #tpu.memory_space<vmem>> -> memref<1x128xf32, #tpu.memory_space<vmem>>
      %dma_start3A_537 = tpu.memref_squeeze %dma_start3A_536 : memref<1x128xf32, #tpu.memory_space<vmem>> -> memref<128xf32, #tpu.memory_space<vmem>>
      %dma_start3A_538 = arith.constant 0 : i32
      %dma_start3A_539 = tpu.memref_slice %arg5[%scan3A_6, %dma_start3A_538] : memref<26x128xi32, #tpu.memory_space<vmem>> -> memref<1x128xi32, #tpu.memory_space<vmem>>
      %dma_start3A_540 = tpu.memref_squeeze %dma_start3A_539 : memref<1x128xi32, #tpu.memory_space<vmem>> -> memref<128xi32, #tpu.memory_space<vmem>>
      %dma_start3A_541 = arith.constant 0 : i32
      %dma_start3A_542 = arith.constant 0 : i32
      %dma_start3A_543 = tpu.memref_slice %arg3[%scan3A_6, %dma_start3A_541, %dma_start3A_542] : memref<26x32x100000xf32, #tpu.memory_space<hbm>> -> memref<1x32x100000xf32, #tpu.memory_space<hbm>>
      %dma_start3A_544 = tpu.memref_squeeze %dma_start3A_543 : memref<1x32x100000xf32, #tpu.memory_space<hbm>> -> memref<32x100000xf32, #tpu.memory_space<hbm>>
      %dma_start3A_545 = arith.constant 0 : i32
      %dma_start3A_546 = tpu.memref_slice %dma_start3A_544[%dma_start3A_533, %dma_start3A_545] : memref<32x100000xf32, #tpu.memory_space<hbm>> -> memref<1x100000xf32, #tpu.memory_space<hbm>>
      %dma_start3A_547 = tpu.memref_squeeze %dma_start3A_546 : memref<1x100000xf32, #tpu.memory_space<hbm>> -> memref<100000xf32, #tpu.memory_space<hbm>>
      %dma_start3A_548 = arith.constant 0 : i32
      %dma_start3A_549 = tpu.memref_slice %dma_start3A_547[%dma_start3A_548] : memref<100000xf32, #tpu.memory_space<hbm>> -> memref<100000xf32, #tpu.memory_space<hbm>>
      tpu.enqueue_indirect_dma source(%dma_start3A_549 : memref<100000xf32, #tpu.memory_space<hbm>>) target(%dma_start3A_537 : memref<128xf32, #tpu.memory_space<vmem>>) offsets(%dma_start3A_540 : memref<128xi32, #tpu.memory_space<vmem>>) semaphore(%arg7 : memref<!tpu.dma_semaphore, #tpu.memory_space<semaphore_mem>>)
      %dma_wait3A = arith.constant 0 : i32
      %dma_wait3A_550 = arith.constant 0 : i32
      %dma_wait3A_551 = arith.constant 0 : i32
      %dma_wait3A_552 = tpu.memref_slice %arg6[%dma_wait3A_550, %dma_wait3A_551] : memref<32x128xf32, #tpu.memory_space<vmem>> -> memref<1x128xf32, #tpu.memory_space<vmem>>
      %dma_wait3A_553 = tpu.memref_squeeze %dma_wait3A_552 : memref<1x128xf32, #tpu.memory_space<vmem>> -> memref<128xf32, #tpu.memory_space<vmem>>
      %dma_wait3A_554 = arith.constant 0 : i32
      %dma_wait3A_555 = tpu.memref_slice %arg5[%scan3A_6, %dma_wait3A_554] : memref<26x128xi32, #tpu.memory_space<vmem>> -> memref<1x128xi32, #tpu.memory_space<vmem>>
      %dma_wait3A_556 = tpu.memref_squeeze %dma_wait3A_555 : memref<1x128xi32, #tpu.memory_space<vmem>> -> memref<128xi32, #tpu.memory_space<vmem>>
      %dma_wait3A_557 = arith.constant 0 : i32
      %dma_wait3A_558 = arith.constant 0 : i32
      %dma_wait3A_559 = tpu.memref_slice %arg3[%scan3A_6, %dma_wait3A_557, %dma_wait3A_558] : memref<26x32x100000xf32, #tpu.memory_space<hbm>> -> memref<1x32x100000xf32, #tpu.memory_space<hbm>>
      %dma_wait3A_560 = tpu.memref_squeeze %dma_wait3A_559 : memref<1x32x100000xf32, #tpu.memory_space<hbm>> -> memref<32x100000xf32, #tpu.memory_space<hbm>>
      %dma_wait3A_561 = arith.constant 0 : i32
      %dma_wait3A_562 = tpu.memref_slice %dma_wait3A_560[%dma_wait3A, %dma_wait3A_561] : memref<32x100000xf32, #tpu.memory_space<hbm>> -> memref<1x100000xf32, #tpu.memory_space<hbm>>
      %dma_wait3A_563 = tpu.memref_squeeze %dma_wait3A_562 : memref<1x100000xf32, #tpu.memory_space<hbm>> -> memref<100000xf32, #tpu.memory_space<hbm>>
      %dma_wait3A_564 = arith.constant 0 : i32
      %dma_wait3A_565 = tpu.memref_slice %dma_wait3A_563[%dma_wait3A_564] : memref<100000xf32, #tpu.memory_space<hbm>> -> memref<100000xf32, #tpu.memory_space<hbm>>
      tpu.wait_indirect_dma semaphore(%arg7 : memref<!tpu.dma_semaphore, #tpu.memory_space<semaphore_mem>>) src(%dma_wait3A_565 : memref<100000xf32, #tpu.memory_space<hbm>>) dst(%dma_wait3A_553 : memref<128xf32, #tpu.memory_space<vmem>>)
      %dma_wait3A_566 = arith.constant 1 : i32
      %dma_wait3A_567 = arith.constant 1 : i32
      %dma_wait3A_568 = arith.constant 0 : i32
      %dma_wait3A_569 = tpu.memref_slice %arg6[%dma_wait3A_567, %dma_wait3A_568] : memref<32x128xf32, #tpu.memory_space<vmem>> -> memref<1x128xf32, #tpu.memory_space<vmem>>
      %dma_wait3A_570 = tpu.memref_squeeze %dma_wait3A_569 : memref<1x128xf32, #tpu.memory_space<vmem>> -> memref<128xf32, #tpu.memory_space<vmem>>
      %dma_wait3A_571 = arith.constant 0 : i32
      %dma_wait3A_572 = tpu.memref_slice %arg5[%scan3A_6, %dma_wait3A_571] : memref<26x128xi32, #tpu.memory_space<vmem>> -> memref<1x128xi32, #tpu.memory_space<vmem>>
      %dma_wait3A_573 = tpu.memref_squeeze %dma_wait3A_572 : memref<1x128xi32, #tpu.memory_space<vmem>> -> memref<128xi32, #tpu.memory_space<vmem>>
      %dma_wait3A_574 = arith.constant 0 : i32
      %dma_wait3A_575 = arith.constant 0 : i32
      %dma_wait3A_576 = tpu.memref_slice %arg3[%scan3A_6, %dma_wait3A_574, %dma_wait3A_575] : memref<26x32x100000xf32, #tpu.memory_space<hbm>> -> memref<1x32x100000xf32, #tpu.memory_space<hbm>>
      %dma_wait3A_577 = tpu.memref_squeeze %dma_wait3A_576 : memref<1x32x100000xf32, #tpu.memory_space<hbm>> -> memref<32x100000xf32, #tpu.memory_space<hbm>>
      %dma_wait3A_578 = arith.constant 0 : i32
      %dma_wait3A_579 = tpu.memref_slice %dma_wait3A_577[%dma_wait3A_566, %dma_wait3A_578] : memref<32x100000xf32, #tpu.memory_space<hbm>> -> memref<1x100000xf32, #tpu.memory_space<hbm>>
      %dma_wait3A_580 = tpu.memref_squeeze %dma_wait3A_579 : memref<1x100000xf32, #tpu.memory_space<hbm>> -> memref<100000xf32, #tpu.memory_space<hbm>>
      %dma_wait3A_581 = arith.constant 0 : i32
      %dma_wait3A_582 = tpu.memref_slice %dma_wait3A_580[%dma_wait3A_581] : memref<100000xf32, #tpu.memory_space<hbm>> -> memref<100000xf32, #tpu.memory_space<hbm>>
      tpu.wait_indirect_dma semaphore(%arg7 : memref<!tpu.dma_semaphore, #tpu.memory_space<semaphore_mem>>) src(%dma_wait3A_582 : memref<100000xf32, #tpu.memory_space<hbm>>) dst(%dma_wait3A_570 : memref<128xf32, #tpu.memory_space<vmem>>)
      %dma_wait3A_583 = arith.constant 2 : i32
      %dma_wait3A_584 = arith.constant 2 : i32
      %dma_wait3A_585 = arith.constant 0 : i32
      %dma_wait3A_586 = tpu.memref_slice %arg6[%dma_wait3A_584, %dma_wait3A_585] : memref<32x128xf32, #tpu.memory_space<vmem>> -> memref<1x128xf32, #tpu.memory_space<vmem>>
      %dma_wait3A_587 = tpu.memref_squeeze %dma_wait3A_586 : memref<1x128xf32, #tpu.memory_space<vmem>> -> memref<128xf32, #tpu.memory_space<vmem>>
      %dma_wait3A_588 = arith.constant 0 : i32
      %dma_wait3A_589 = tpu.memref_slice %arg5[%scan3A_6, %dma_wait3A_588] : memref<26x128xi32, #tpu.memory_space<vmem>> -> memref<1x128xi32, #tpu.memory_space<vmem>>
      %dma_wait3A_590 = tpu.memref_squeeze %dma_wait3A_589 : memref<1x128xi32, #tpu.memory_space<vmem>> -> memref<128xi32, #tpu.memory_space<vmem>>
      %dma_wait3A_591 = arith.constant 0 : i32
      %dma_wait3A_592 = arith.constant 0 : i32
      %dma_wait3A_593 = tpu.memref_slice %arg3[%scan3A_6, %dma_wait3A_591, %dma_wait3A_592] : memref<26x32x100000xf32, #tpu.memory_space<hbm>> -> memref<1x32x100000xf32, #tpu.memory_space<hbm>>
      %dma_wait3A_594 = tpu.memref_squeeze %dma_wait3A_593 : memref<1x32x100000xf32, #tpu.memory_space<hbm>> -> memref<32x100000xf32, #tpu.memory_space<hbm>>
      %dma_wait3A_595 = arith.constant 0 : i32
      %dma_wait3A_596 = tpu.memref_slice %dma_wait3A_594[%dma_wait3A_583, %dma_wait3A_595] : memref<32x100000xf32, #tpu.memory_space<hbm>> -> memref<1x100000xf32, #tpu.memory_space<hbm>>
      %dma_wait3A_597 = tpu.memref_squeeze %dma_wait3A_596 : memref<1x100000xf32, #tpu.memory_space<hbm>> -> memref<100000xf32, #tpu.memory_space<hbm>>
      %dma_wait3A_598 = arith.constant 0 : i32
      %dma_wait3A_599 = tpu.memref_slice %dma_wait3A_597[%dma_wait3A_598] : memref<100000xf32, #tpu.memory_space<hbm>> -> memref<100000xf32, #tpu.memory_space<hbm>>
      tpu.wait_indirect_dma semaphore(%arg7 : memref<!tpu.dma_semaphore, #tpu.memory_space<semaphore_mem>>) src(%dma_wait3A_599 : memref<100000xf32, #tpu.memory_space<hbm>>) dst(%dma_wait3A_587 : memref<128xf32, #tpu.memory_space<vmem>>)
      %dma_wait3A_600 = arith.constant 3 : i32
      %dma_wait3A_601 = arith.constant 3 : i32
      %dma_wait3A_602 = arith.constant 0 : i32
      %dma_wait3A_603 = tpu.memref_slice %arg6[%dma_wait3A_601, %dma_wait3A_602] : memref<32x128xf32, #tpu.memory_space<vmem>> -> memref<1x128xf32, #tpu.memory_space<vmem>>
      %dma_wait3A_604 = tpu.memref_squeeze %dma_wait3A_603 : memref<1x128xf32, #tpu.memory_space<vmem>> -> memref<128xf32, #tpu.memory_space<vmem>>
      %dma_wait3A_605 = arith.constant 0 : i32
      %dma_wait3A_606 = tpu.memref_slice %arg5[%scan3A_6, %dma_wait3A_605] : memref<26x128xi32, #tpu.memory_space<vmem>> -> memref<1x128xi32, #tpu.memory_space<vmem>>
      %dma_wait3A_607 = tpu.memref_squeeze %dma_wait3A_606 : memref<1x128xi32, #tpu.memory_space<vmem>> -> memref<128xi32, #tpu.memory_space<vmem>>
      %dma_wait3A_608 = arith.constant 0 : i32
      %dma_wait3A_609 = arith.constant 0 : i32
      %dma_wait3A_610 = tpu.memref_slice %arg3[%scan3A_6, %dma_wait3A_608, %dma_wait3A_609] : memref<26x32x100000xf32, #tpu.memory_space<hbm>> -> memref<1x32x100000xf32, #tpu.memory_space<hbm>>
      %dma_wait3A_611 = tpu.memref_squeeze %dma_wait3A_610 : memref<1x32x100000xf32, #tpu.memory_space<hbm>> -> memref<32x100000xf32, #tpu.memory_space<hbm>>
      %dma_wait3A_612 = arith.constant 0 : i32
      %dma_wait3A_613 = tpu.memref_slice %dma_wait3A_611[%dma_wait3A_600, %dma_wait3A_612] : memref<32x100000xf32, #tpu.memory_space<hbm>> -> memref<1x100000xf32, #tpu.memory_space<hbm>>
      %dma_wait3A_614 = tpu.memref_squeeze %dma_wait3A_613 : memref<1x100000xf32, #tpu.memory_space<hbm>> -> memref<100000xf32, #tpu.memory_space<hbm>>
      %dma_wait3A_615 = arith.constant 0 : i32
      %dma_wait3A_616 = tpu.memref_slice %dma_wait3A_614[%dma_wait3A_615] : memref<100000xf32, #tpu.memory_space<hbm>> -> memref<100000xf32, #tpu.memory_space<hbm>>
      tpu.wait_indirect_dma semaphore(%arg7 : memref<!tpu.dma_semaphore, #tpu.memory_space<semaphore_mem>>) src(%dma_wait3A_616 : memref<100000xf32, #tpu.memory_space<hbm>>) dst(%dma_wait3A_604 : memref<128xf32, #tpu.memory_space<vmem>>)
      %dma_wait3A_617 = arith.constant 4 : i32
      %dma_wait3A_618 = arith.constant 4 : i32
      %dma_wait3A_619 = arith.constant 0 : i32
      %dma_wait3A_620 = tpu.memref_slice %arg6[%dma_wait3A_618, %dma_wait3A_619] : memref<32x128xf32, #tpu.memory_space<vmem>> -> memref<1x128xf32, #tpu.memory_space<vmem>>
      %dma_wait3A_621 = tpu.memref_squeeze %dma_wait3A_620 : memref<1x128xf32, #tpu.memory_space<vmem>> -> memref<128xf32, #tpu.memory_space<vmem>>
      %dma_wait3A_622 = arith.constant 0 : i32
      %dma_wait3A_623 = tpu.memref_slice %arg5[%scan3A_6, %dma_wait3A_622] : memref<26x128xi32, #tpu.memory_space<vmem>> -> memref<1x128xi32, #tpu.memory_space<vmem>>
      %dma_wait3A_624 = tpu.memref_squeeze %dma_wait3A_623 : memref<1x128xi32, #tpu.memory_space<vmem>> -> memref<128xi32, #tpu.memory_space<vmem>>
      %dma_wait3A_625 = arith.constant 0 : i32
      %dma_wait3A_626 = arith.constant 0 : i32
      %dma_wait3A_627 = tpu.memref_slice %arg3[%scan3A_6, %dma_wait3A_625, %dma_wait3A_626] : memref<26x32x100000xf32, #tpu.memory_space<hbm>> -> memref<1x32x100000xf32, #tpu.memory_space<hbm>>
      %dma_wait3A_628 = tpu.memref_squeeze %dma_wait3A_627 : memref<1x32x100000xf32, #tpu.memory_space<hbm>> -> memref<32x100000xf32, #tpu.memory_space<hbm>>
      %dma_wait3A_629 = arith.constant 0 : i32
      %dma_wait3A_630 = tpu.memref_slice %dma_wait3A_628[%dma_wait3A_617, %dma_wait3A_629] : memref<32x100000xf32, #tpu.memory_space<hbm>> -> memref<1x100000xf32, #tpu.memory_space<hbm>>
      %dma_wait3A_631 = tpu.memref_squeeze %dma_wait3A_630 : memref<1x100000xf32, #tpu.memory_space<hbm>> -> memref<100000xf32, #tpu.memory_space<hbm>>
      %dma_wait3A_632 = arith.constant 0 : i32
      %dma_wait3A_633 = tpu.memref_slice %dma_wait3A_631[%dma_wait3A_632] : memref<100000xf32, #tpu.memory_space<hbm>> -> memref<100000xf32, #tpu.memory_space<hbm>>
      tpu.wait_indirect_dma semaphore(%arg7 : memref<!tpu.dma_semaphore, #tpu.memory_space<semaphore_mem>>) src(%dma_wait3A_633 : memref<100000xf32, #tpu.memory_space<hbm>>) dst(%dma_wait3A_621 : memref<128xf32, #tpu.memory_space<vmem>>)
      %dma_wait3A_634 = arith.constant 5 : i32
      %dma_wait3A_635 = arith.constant 5 : i32
      %dma_wait3A_636 = arith.constant 0 : i32
      %dma_wait3A_637 = tpu.memref_slice %arg6[%dma_wait3A_635, %dma_wait3A_636] : memref<32x128xf32, #tpu.memory_space<vmem>> -> memref<1x128xf32, #tpu.memory_space<vmem>>
      %dma_wait3A_638 = tpu.memref_squeeze %dma_wait3A_637 : memref<1x128xf32, #tpu.memory_space<vmem>> -> memref<128xf32, #tpu.memory_space<vmem>>
      %dma_wait3A_639 = arith.constant 0 : i32
      %dma_wait3A_640 = tpu.memref_slice %arg5[%scan3A_6, %dma_wait3A_639] : memref<26x128xi32, #tpu.memory_space<vmem>> -> memref<1x128xi32, #tpu.memory_space<vmem>>
      %dma_wait3A_641 = tpu.memref_squeeze %dma_wait3A_640 : memref<1x128xi32, #tpu.memory_space<vmem>> -> memref<128xi32, #tpu.memory_space<vmem>>
      %dma_wait3A_642 = arith.constant 0 : i32
      %dma_wait3A_643 = arith.constant 0 : i32
      %dma_wait3A_644 = tpu.memref_slice %arg3[%scan3A_6, %dma_wait3A_642, %dma_wait3A_643] : memref<26x32x100000xf32, #tpu.memory_space<hbm>> -> memref<1x32x100000xf32, #tpu.memory_space<hbm>>
      %dma_wait3A_645 = tpu.memref_squeeze %dma_wait3A_644 : memref<1x32x100000xf32, #tpu.memory_space<hbm>> -> memref<32x100000xf32, #tpu.memory_space<hbm>>
      %dma_wait3A_646 = arith.constant 0 : i32
      %dma_wait3A_647 = tpu.memref_slice %dma_wait3A_645[%dma_wait3A_634, %dma_wait3A_646] : memref<32x100000xf32, #tpu.memory_space<hbm>> -> memref<1x100000xf32, #tpu.memory_space<hbm>>
      %dma_wait3A_648 = tpu.memref_squeeze %dma_wait3A_647 : memref<1x100000xf32, #tpu.memory_space<hbm>> -> memref<100000xf32, #tpu.memory_space<hbm>>
      %dma_wait3A_649 = arith.constant 0 : i32
      %dma_wait3A_650 = tpu.memref_slice %dma_wait3A_648[%dma_wait3A_649] : memref<100000xf32, #tpu.memory_space<hbm>> -> memref<100000xf32, #tpu.memory_space<hbm>>
      tpu.wait_indirect_dma semaphore(%arg7 : memref<!tpu.dma_semaphore, #tpu.memory_space<semaphore_mem>>) src(%dma_wait3A_650 : memref<100000xf32, #tpu.memory_space<hbm>>) dst(%dma_wait3A_638 : memref<128xf32, #tpu.memory_space<vmem>>)
      %dma_wait3A_651 = arith.constant 6 : i32
      %dma_wait3A_652 = arith.constant 6 : i32
      %dma_wait3A_653 = arith.constant 0 : i32
      %dma_wait3A_654 = tpu.memref_slice %arg6[%dma_wait3A_652, %dma_wait3A_653] : memref<32x128xf32, #tpu.memory_space<vmem>> -> memref<1x128xf32, #tpu.memory_space<vmem>>
      %dma_wait3A_655 = tpu.memref_squeeze %dma_wait3A_654 : memref<1x128xf32, #tpu.memory_space<vmem>> -> memref<128xf32, #tpu.memory_space<vmem>>
      %dma_wait3A_656 = arith.constant 0 : i32
      %dma_wait3A_657 = tpu.memref_slice %arg5[%scan3A_6, %dma_wait3A_656] : memref<26x128xi32, #tpu.memory_space<vmem>> -> memref<1x128xi32, #tpu.memory_space<vmem>>
      %dma_wait3A_658 = tpu.memref_squeeze %dma_wait3A_657 : memref<1x128xi32, #tpu.memory_space<vmem>> -> memref<128xi32, #tpu.memory_space<vmem>>
      %dma_wait3A_659 = arith.constant 0 : i32
      %dma_wait3A_660 = arith.constant 0 : i32
      %dma_wait3A_661 = tpu.memref_slice %arg3[%scan3A_6, %dma_wait3A_659, %dma_wait3A_660] : memref<26x32x100000xf32, #tpu.memory_space<hbm>> -> memref<1x32x100000xf32, #tpu.memory_space<hbm>>
      %dma_wait3A_662 = tpu.memref_squeeze %dma_wait3A_661 : memref<1x32x100000xf32, #tpu.memory_space<hbm>> -> memref<32x100000xf32, #tpu.memory_space<hbm>>
      %dma_wait3A_663 = arith.constant 0 : i32
      %dma_wait3A_664 = tpu.memref_slice %dma_wait3A_662[%dma_wait3A_651, %dma_wait3A_663] : memref<32x100000xf32, #tpu.memory_space<hbm>> -> memref<1x100000xf32, #tpu.memory_space<hbm>>
      %dma_wait3A_665 = tpu.memref_squeeze %dma_wait3A_664 : memref<1x100000xf32, #tpu.memory_space<hbm>> -> memref<100000xf32, #tpu.memory_space<hbm>>
      %dma_wait3A_666 = arith.constant 0 : i32
      %dma_wait3A_667 = tpu.memref_slice %dma_wait3A_665[%dma_wait3A_666] : memref<100000xf32, #tpu.memory_space<hbm>> -> memref<100000xf32, #tpu.memory_space<hbm>>
      tpu.wait_indirect_dma semaphore(%arg7 : memref<!tpu.dma_semaphore, #tpu.memory_space<semaphore_mem>>) src(%dma_wait3A_667 : memref<100000xf32, #tpu.memory_space<hbm>>) dst(%dma_wait3A_655 : memref<128xf32, #tpu.memory_space<vmem>>)
      %dma_wait3A_668 = arith.constant 7 : i32
      %dma_wait3A_669 = arith.constant 7 : i32
      %dma_wait3A_670 = arith.constant 0 : i32
      %dma_wait3A_671 = tpu.memref_slice %arg6[%dma_wait3A_669, %dma_wait3A_670] : memref<32x128xf32, #tpu.memory_space<vmem>> -> memref<1x128xf32, #tpu.memory_space<vmem>>
      %dma_wait3A_672 = tpu.memref_squeeze %dma_wait3A_671 : memref<1x128xf32, #tpu.memory_space<vmem>> -> memref<128xf32, #tpu.memory_space<vmem>>
      %dma_wait3A_673 = arith.constant 0 : i32
      %dma_wait3A_674 = tpu.memref_slice %arg5[%scan3A_6, %dma_wait3A_673] : memref<26x128xi32, #tpu.memory_space<vmem>> -> memref<1x128xi32, #tpu.memory_space<vmem>>
      %dma_wait3A_675 = tpu.memref_squeeze %dma_wait3A_674 : memref<1x128xi32, #tpu.memory_space<vmem>> -> memref<128xi32, #tpu.memory_space<vmem>>
      %dma_wait3A_676 = arith.constant 0 : i32
      %dma_wait3A_677 = arith.constant 0 : i32
      %dma_wait3A_678 = tpu.memref_slice %arg3[%scan3A_6, %dma_wait3A_676, %dma_wait3A_677] : memref<26x32x100000xf32, #tpu.memory_space<hbm>> -> memref<1x32x100000xf32, #tpu.memory_space<hbm>>
      %dma_wait3A_679 = tpu.memref_squeeze %dma_wait3A_678 : memref<1x32x100000xf32, #tpu.memory_space<hbm>> -> memref<32x100000xf32, #tpu.memory_space<hbm>>
      %dma_wait3A_680 = arith.constant 0 : i32
      %dma_wait3A_681 = tpu.memref_slice %dma_wait3A_679[%dma_wait3A_668, %dma_wait3A_680] : memref<32x100000xf32, #tpu.memory_space<hbm>> -> memref<1x100000xf32, #tpu.memory_space<hbm>>
      %dma_wait3A_682 = tpu.memref_squeeze %dma_wait3A_681 : memref<1x100000xf32, #tpu.memory_space<hbm>> -> memref<100000xf32, #tpu.memory_space<hbm>>
      %dma_wait3A_683 = arith.constant 0 : i32
      %dma_wait3A_684 = tpu.memref_slice %dma_wait3A_682[%dma_wait3A_683] : memref<100000xf32, #tpu.memory_space<hbm>> -> memref<100000xf32, #tpu.memory_space<hbm>>
      tpu.wait_indirect_dma semaphore(%arg7 : memref<!tpu.dma_semaphore, #tpu.memory_space<semaphore_mem>>) src(%dma_wait3A_684 : memref<100000xf32, #tpu.memory_space<hbm>>) dst(%dma_wait3A_672 : memref<128xf32, #tpu.memory_space<vmem>>)
      %dma_wait3A_685 = arith.constant 8 : i32
      %dma_wait3A_686 = arith.constant 8 : i32
      %dma_wait3A_687 = arith.constant 0 : i32
      %dma_wait3A_688 = tpu.memref_slice %arg6[%dma_wait3A_686, %dma_wait3A_687] : memref<32x128xf32, #tpu.memory_space<vmem>> -> memref<1x128xf32, #tpu.memory_space<vmem>>
      %dma_wait3A_689 = tpu.memref_squeeze %dma_wait3A_688 : memref<1x128xf32, #tpu.memory_space<vmem>> -> memref<128xf32, #tpu.memory_space<vmem>>
      %dma_wait3A_690 = arith.constant 0 : i32
      %dma_wait3A_691 = tpu.memref_slice %arg5[%scan3A_6, %dma_wait3A_690] : memref<26x128xi32, #tpu.memory_space<vmem>> -> memref<1x128xi32, #tpu.memory_space<vmem>>
      %dma_wait3A_692 = tpu.memref_squeeze %dma_wait3A_691 : memref<1x128xi32, #tpu.memory_space<vmem>> -> memref<128xi32, #tpu.memory_space<vmem>>
      %dma_wait3A_693 = arith.constant 0 : i32
      %dma_wait3A_694 = arith.constant 0 : i32
      %dma_wait3A_695 = tpu.memref_slice %arg3[%scan3A_6, %dma_wait3A_693, %dma_wait3A_694] : memref<26x32x100000xf32, #tpu.memory_space<hbm>> -> memref<1x32x100000xf32, #tpu.memory_space<hbm>>
      %dma_wait3A_696 = tpu.memref_squeeze %dma_wait3A_695 : memref<1x32x100000xf32, #tpu.memory_space<hbm>> -> memref<32x100000xf32, #tpu.memory_space<hbm>>
      %dma_wait3A_697 = arith.constant 0 : i32
      %dma_wait3A_698 = tpu.memref_slice %dma_wait3A_696[%dma_wait3A_685, %dma_wait3A_697] : memref<32x100000xf32, #tpu.memory_space<hbm>> -> memref<1x100000xf32, #tpu.memory_space<hbm>>
      %dma_wait3A_699 = tpu.memref_squeeze %dma_wait3A_698 : memref<1x100000xf32, #tpu.memory_space<hbm>> -> memref<100000xf32, #tpu.memory_space<hbm>>
      %dma_wait3A_700 = arith.constant 0 : i32
      %dma_wait3A_701 = tpu.memref_slice %dma_wait3A_699[%dma_wait3A_700] : memref<100000xf32, #tpu.memory_space<hbm>> -> memref<100000xf32, #tpu.memory_space<hbm>>
      tpu.wait_indirect_dma semaphore(%arg7 : memref<!tpu.dma_semaphore, #tpu.memory_space<semaphore_mem>>) src(%dma_wait3A_701 : memref<100000xf32, #tpu.memory_space<hbm>>) dst(%dma_wait3A_689 : memref<128xf32, #tpu.memory_space<vmem>>)
      %dma_wait3A_702 = arith.constant 9 : i32
      %dma_wait3A_703 = arith.constant 9 : i32
      %dma_wait3A_704 = arith.constant 0 : i32
      %dma_wait3A_705 = tpu.memref_slice %arg6[%dma_wait3A_703, %dma_wait3A_704] : memref<32x128xf32, #tpu.memory_space<vmem>> -> memref<1x128xf32, #tpu.memory_space<vmem>>
      %dma_wait3A_706 = tpu.memref_squeeze %dma_wait3A_705 : memref<1x128xf32, #tpu.memory_space<vmem>> -> memref<128xf32, #tpu.memory_space<vmem>>
      %dma_wait3A_707 = arith.constant 0 : i32
      %dma_wait3A_708 = tpu.memref_slice %arg5[%scan3A_6, %dma_wait3A_707] : memref<26x128xi32, #tpu.memory_space<vmem>> -> memref<1x128xi32, #tpu.memory_space<vmem>>
      %dma_wait3A_709 = tpu.memref_squeeze %dma_wait3A_708 : memref<1x128xi32, #tpu.memory_space<vmem>> -> memref<128xi32, #tpu.memory_space<vmem>>
      %dma_wait3A_710 = arith.constant 0 : i32
      %dma_wait3A_711 = arith.constant 0 : i32
      %dma_wait3A_712 = tpu.memref_slice %arg3[%scan3A_6, %dma_wait3A_710, %dma_wait3A_711] : memref<26x32x100000xf32, #tpu.memory_space<hbm>> -> memref<1x32x100000xf32, #tpu.memory_space<hbm>>
      %dma_wait3A_713 = tpu.memref_squeeze %dma_wait3A_712 : memref<1x32x100000xf32, #tpu.memory_space<hbm>> -> memref<32x100000xf32, #tpu.memory_space<hbm>>
      %dma_wait3A_714 = arith.constant 0 : i32
      %dma_wait3A_715 = tpu.memref_slice %dma_wait3A_713[%dma_wait3A_702, %dma_wait3A_714] : memref<32x100000xf32, #tpu.memory_space<hbm>> -> memref<1x100000xf32, #tpu.memory_space<hbm>>
      %dma_wait3A_716 = tpu.memref_squeeze %dma_wait3A_715 : memref<1x100000xf32, #tpu.memory_space<hbm>> -> memref<100000xf32, #tpu.memory_space<hbm>>
      %dma_wait3A_717 = arith.constant 0 : i32
      %dma_wait3A_718 = tpu.memref_slice %dma_wait3A_716[%dma_wait3A_717] : memref<100000xf32, #tpu.memory_space<hbm>> -> memref<100000xf32, #tpu.memory_space<hbm>>
      tpu.wait_indirect_dma semaphore(%arg7 : memref<!tpu.dma_semaphore, #tpu.memory_space<semaphore_mem>>) src(%dma_wait3A_718 : memref<100000xf32, #tpu.memory_space<hbm>>) dst(%dma_wait3A_706 : memref<128xf32, #tpu.memory_space<vmem>>)
      %dma_wait3A_719 = arith.constant 10 : i32
      %dma_wait3A_720 = arith.constant 10 : i32
      %dma_wait3A_721 = arith.constant 0 : i32
      %dma_wait3A_722 = tpu.memref_slice %arg6[%dma_wait3A_720, %dma_wait3A_721] : memref<32x128xf32, #tpu.memory_space<vmem>> -> memref<1x128xf32, #tpu.memory_space<vmem>>
      %dma_wait3A_723 = tpu.memref_squeeze %dma_wait3A_722 : memref<1x128xf32, #tpu.memory_space<vmem>> -> memref<128xf32, #tpu.memory_space<vmem>>
      %dma_wait3A_724 = arith.constant 0 : i32
      %dma_wait3A_725 = tpu.memref_slice %arg5[%scan3A_6, %dma_wait3A_724] : memref<26x128xi32, #tpu.memory_space<vmem>> -> memref<1x128xi32, #tpu.memory_space<vmem>>
      %dma_wait3A_726 = tpu.memref_squeeze %dma_wait3A_725 : memref<1x128xi32, #tpu.memory_space<vmem>> -> memref<128xi32, #tpu.memory_space<vmem>>
      %dma_wait3A_727 = arith.constant 0 : i32
      %dma_wait3A_728 = arith.constant 0 : i32
      %dma_wait3A_729 = tpu.memref_slice %arg3[%scan3A_6, %dma_wait3A_727, %dma_wait3A_728] : memref<26x32x100000xf32, #tpu.memory_space<hbm>> -> memref<1x32x100000xf32, #tpu.memory_space<hbm>>
      %dma_wait3A_730 = tpu.memref_squeeze %dma_wait3A_729 : memref<1x32x100000xf32, #tpu.memory_space<hbm>> -> memref<32x100000xf32, #tpu.memory_space<hbm>>
      %dma_wait3A_731 = arith.constant 0 : i32
      %dma_wait3A_732 = tpu.memref_slice %dma_wait3A_730[%dma_wait3A_719, %dma_wait3A_731] : memref<32x100000xf32, #tpu.memory_space<hbm>> -> memref<1x100000xf32, #tpu.memory_space<hbm>>
      %dma_wait3A_733 = tpu.memref_squeeze %dma_wait3A_732 : memref<1x100000xf32, #tpu.memory_space<hbm>> -> memref<100000xf32, #tpu.memory_space<hbm>>
      %dma_wait3A_734 = arith.constant 0 : i32
      %dma_wait3A_735 = tpu.memref_slice %dma_wait3A_733[%dma_wait3A_734] : memref<100000xf32, #tpu.memory_space<hbm>> -> memref<100000xf32, #tpu.memory_space<hbm>>
      tpu.wait_indirect_dma semaphore(%arg7 : memref<!tpu.dma_semaphore, #tpu.memory_space<semaphore_mem>>) src(%dma_wait3A_735 : memref<100000xf32, #tpu.memory_space<hbm>>) dst(%dma_wait3A_723 : memref<128xf32, #tpu.memory_space<vmem>>)
      %dma_wait3A_736 = arith.constant 11 : i32
      %dma_wait3A_737 = arith.constant 11 : i32
      %dma_wait3A_738 = arith.constant 0 : i32
      %dma_wait3A_739 = tpu.memref_slice %arg6[%dma_wait3A_737, %dma_wait3A_738] : memref<32x128xf32, #tpu.memory_space<vmem>> -> memref<1x128xf32, #tpu.memory_space<vmem>>
      %dma_wait3A_740 = tpu.memref_squeeze %dma_wait3A_739 : memref<1x128xf32, #tpu.memory_space<vmem>> -> memref<128xf32, #tpu.memory_space<vmem>>
      %dma_wait3A_741 = arith.constant 0 : i32
      %dma_wait3A_742 = tpu.memref_slice %arg5[%scan3A_6, %dma_wait3A_741] : memref<26x128xi32, #tpu.memory_space<vmem>> -> memref<1x128xi32, #tpu.memory_space<vmem>>
      %dma_wait3A_743 = tpu.memref_squeeze %dma_wait3A_742 : memref<1x128xi32, #tpu.memory_space<vmem>> -> memref<128xi32, #tpu.memory_space<vmem>>
      %dma_wait3A_744 = arith.constant 0 : i32
      %dma_wait3A_745 = arith.constant 0 : i32
      %dma_wait3A_746 = tpu.memref_slice %arg3[%scan3A_6, %dma_wait3A_744, %dma_wait3A_745] : memref<26x32x100000xf32, #tpu.memory_space<hbm>> -> memref<1x32x100000xf32, #tpu.memory_space<hbm>>
      %dma_wait3A_747 = tpu.memref_squeeze %dma_wait3A_746 : memref<1x32x100000xf32, #tpu.memory_space<hbm>> -> memref<32x100000xf32, #tpu.memory_space<hbm>>
      %dma_wait3A_748 = arith.constant 0 : i32
      %dma_wait3A_749 = tpu.memref_slice %dma_wait3A_747[%dma_wait3A_736, %dma_wait3A_748] : memref<32x100000xf32, #tpu.memory_space<hbm>> -> memref<1x100000xf32, #tpu.memory_space<hbm>>
      %dma_wait3A_750 = tpu.memref_squeeze %dma_wait3A_749 : memref<1x100000xf32, #tpu.memory_space<hbm>> -> memref<100000xf32, #tpu.memory_space<hbm>>
      %dma_wait3A_751 = arith.constant 0 : i32
      %dma_wait3A_752 = tpu.memref_slice %dma_wait3A_750[%dma_wait3A_751] : memref<100000xf32, #tpu.memory_space<hbm>> -> memref<100000xf32, #tpu.memory_space<hbm>>
      tpu.wait_indirect_dma semaphore(%arg7 : memref<!tpu.dma_semaphore, #tpu.memory_space<semaphore_mem>>) src(%dma_wait3A_752 : memref<100000xf32, #tpu.memory_space<hbm>>) dst(%dma_wait3A_740 : memref<128xf32, #tpu.memory_space<vmem>>)
      %dma_wait3A_753 = arith.constant 12 : i32
      %dma_wait3A_754 = arith.constant 12 : i32
      %dma_wait3A_755 = arith.constant 0 : i32
      %dma_wait3A_756 = tpu.memref_slice %arg6[%dma_wait3A_754, %dma_wait3A_755] : memref<32x128xf32, #tpu.memory_space<vmem>> -> memref<1x128xf32, #tpu.memory_space<vmem>>
      %dma_wait3A_757 = tpu.memref_squeeze %dma_wait3A_756 : memref<1x128xf32, #tpu.memory_space<vmem>> -> memref<128xf32, #tpu.memory_space<vmem>>
      %dma_wait3A_758 = arith.constant 0 : i32
      %dma_wait3A_759 = tpu.memref_slice %arg5[%scan3A_6, %dma_wait3A_758] : memref<26x128xi32, #tpu.memory_space<vmem>> -> memref<1x128xi32, #tpu.memory_space<vmem>>
      %dma_wait3A_760 = tpu.memref_squeeze %dma_wait3A_759 : memref<1x128xi32, #tpu.memory_space<vmem>> -> memref<128xi32, #tpu.memory_space<vmem>>
      %dma_wait3A_761 = arith.constant 0 : i32
      %dma_wait3A_762 = arith.constant 0 : i32
      %dma_wait3A_763 = tpu.memref_slice %arg3[%scan3A_6, %dma_wait3A_761, %dma_wait3A_762] : memref<26x32x100000xf32, #tpu.memory_space<hbm>> -> memref<1x32x100000xf32, #tpu.memory_space<hbm>>
      %dma_wait3A_764 = tpu.memref_squeeze %dma_wait3A_763 : memref<1x32x100000xf32, #tpu.memory_space<hbm>> -> memref<32x100000xf32, #tpu.memory_space<hbm>>
      %dma_wait3A_765 = arith.constant 0 : i32
      %dma_wait3A_766 = tpu.memref_slice %dma_wait3A_764[%dma_wait3A_753, %dma_wait3A_765] : memref<32x100000xf32, #tpu.memory_space<hbm>> -> memref<1x100000xf32, #tpu.memory_space<hbm>>
      %dma_wait3A_767 = tpu.memref_squeeze %dma_wait3A_766 : memref<1x100000xf32, #tpu.memory_space<hbm>> -> memref<100000xf32, #tpu.memory_space<hbm>>
      %dma_wait3A_768 = arith.constant 0 : i32
      %dma_wait3A_769 = tpu.memref_slice %dma_wait3A_767[%dma_wait3A_768] : memref<100000xf32, #tpu.memory_space<hbm>> -> memref<100000xf32, #tpu.memory_space<hbm>>
      tpu.wait_indirect_dma semaphore(%arg7 : memref<!tpu.dma_semaphore, #tpu.memory_space<semaphore_mem>>) src(%dma_wait3A_769 : memref<100000xf32, #tpu.memory_space<hbm>>) dst(%dma_wait3A_757 : memref<128xf32, #tpu.memory_space<vmem>>)
      %dma_wait3A_770 = arith.constant 13 : i32
      %dma_wait3A_771 = arith.constant 13 : i32
      %dma_wait3A_772 = arith.constant 0 : i32
      %dma_wait3A_773 = tpu.memref_slice %arg6[%dma_wait3A_771, %dma_wait3A_772] : memref<32x128xf32, #tpu.memory_space<vmem>> -> memref<1x128xf32, #tpu.memory_space<vmem>>
      %dma_wait3A_774 = tpu.memref_squeeze %dma_wait3A_773 : memref<1x128xf32, #tpu.memory_space<vmem>> -> memref<128xf32, #tpu.memory_space<vmem>>
      %dma_wait3A_775 = arith.constant 0 : i32
      %dma_wait3A_776 = tpu.memref_slice %arg5[%scan3A_6, %dma_wait3A_775] : memref<26x128xi32, #tpu.memory_space<vmem>> -> memref<1x128xi32, #tpu.memory_space<vmem>>
      %dma_wait3A_777 = tpu.memref_squeeze %dma_wait3A_776 : memref<1x128xi32, #tpu.memory_space<vmem>> -> memref<128xi32, #tpu.memory_space<vmem>>
      %dma_wait3A_778 = arith.constant 0 : i32
      %dma_wait3A_779 = arith.constant 0 : i32
      %dma_wait3A_780 = tpu.memref_slice %arg3[%scan3A_6, %dma_wait3A_778, %dma_wait3A_779] : memref<26x32x100000xf32, #tpu.memory_space<hbm>> -> memref<1x32x100000xf32, #tpu.memory_space<hbm>>
      %dma_wait3A_781 = tpu.memref_squeeze %dma_wait3A_780 : memref<1x32x100000xf32, #tpu.memory_space<hbm>> -> memref<32x100000xf32, #tpu.memory_space<hbm>>
      %dma_wait3A_782 = arith.constant 0 : i32
      %dma_wait3A_783 = tpu.memref_slice %dma_wait3A_781[%dma_wait3A_770, %dma_wait3A_782] : memref<32x100000xf32, #tpu.memory_space<hbm>> -> memref<1x100000xf32, #tpu.memory_space<hbm>>
      %dma_wait3A_784 = tpu.memref_squeeze %dma_wait3A_783 : memref<1x100000xf32, #tpu.memory_space<hbm>> -> memref<100000xf32, #tpu.memory_space<hbm>>
      %dma_wait3A_785 = arith.constant 0 : i32
      %dma_wait3A_786 = tpu.memref_slice %dma_wait3A_784[%dma_wait3A_785] : memref<100000xf32, #tpu.memory_space<hbm>> -> memref<100000xf32, #tpu.memory_space<hbm>>
      tpu.wait_indirect_dma semaphore(%arg7 : memref<!tpu.dma_semaphore, #tpu.memory_space<semaphore_mem>>) src(%dma_wait3A_786 : memref<100000xf32, #tpu.memory_space<hbm>>) dst(%dma_wait3A_774 : memref<128xf32, #tpu.memory_space<vmem>>)
      %dma_wait3A_787 = arith.constant 14 : i32
      %dma_wait3A_788 = arith.constant 14 : i32
      %dma_wait3A_789 = arith.constant 0 : i32
      %dma_wait3A_790 = tpu.memref_slice %arg6[%dma_wait3A_788, %dma_wait3A_789] : memref<32x128xf32, #tpu.memory_space<vmem>> -> memref<1x128xf32, #tpu.memory_space<vmem>>
      %dma_wait3A_791 = tpu.memref_squeeze %dma_wait3A_790 : memref<1x128xf32, #tpu.memory_space<vmem>> -> memref<128xf32, #tpu.memory_space<vmem>>
      %dma_wait3A_792 = arith.constant 0 : i32
      %dma_wait3A_793 = tpu.memref_slice %arg5[%scan3A_6, %dma_wait3A_792] : memref<26x128xi32, #tpu.memory_space<vmem>> -> memref<1x128xi32, #tpu.memory_space<vmem>>
      %dma_wait3A_794 = tpu.memref_squeeze %dma_wait3A_793 : memref<1x128xi32, #tpu.memory_space<vmem>> -> memref<128xi32, #tpu.memory_space<vmem>>
      %dma_wait3A_795 = arith.constant 0 : i32
      %dma_wait3A_796 = arith.constant 0 : i32
      %dma_wait3A_797 = tpu.memref_slice %arg3[%scan3A_6, %dma_wait3A_795, %dma_wait3A_796] : memref<26x32x100000xf32, #tpu.memory_space<hbm>> -> memref<1x32x100000xf32, #tpu.memory_space<hbm>>
      %dma_wait3A_798 = tpu.memref_squeeze %dma_wait3A_797 : memref<1x32x100000xf32, #tpu.memory_space<hbm>> -> memref<32x100000xf32, #tpu.memory_space<hbm>>
      %dma_wait3A_799 = arith.constant 0 : i32
      %dma_wait3A_800 = tpu.memref_slice %dma_wait3A_798[%dma_wait3A_787, %dma_wait3A_799] : memref<32x100000xf32, #tpu.memory_space<hbm>> -> memref<1x100000xf32, #tpu.memory_space<hbm>>
      %dma_wait3A_801 = tpu.memref_squeeze %dma_wait3A_800 : memref<1x100000xf32, #tpu.memory_space<hbm>> -> memref<100000xf32, #tpu.memory_space<hbm>>
      %dma_wait3A_802 = arith.constant 0 : i32
      %dma_wait3A_803 = tpu.memref_slice %dma_wait3A_801[%dma_wait3A_802] : memref<100000xf32, #tpu.memory_space<hbm>> -> memref<100000xf32, #tpu.memory_space<hbm>>
      tpu.wait_indirect_dma semaphore(%arg7 : memref<!tpu.dma_semaphore, #tpu.memory_space<semaphore_mem>>) src(%dma_wait3A_803 : memref<100000xf32, #tpu.memory_space<hbm>>) dst(%dma_wait3A_791 : memref<128xf32, #tpu.memory_space<vmem>>)
      %dma_wait3A_804 = arith.constant 15 : i32
      %dma_wait3A_805 = arith.constant 15 : i32
      %dma_wait3A_806 = arith.constant 0 : i32
      %dma_wait3A_807 = tpu.memref_slice %arg6[%dma_wait3A_805, %dma_wait3A_806] : memref<32x128xf32, #tpu.memory_space<vmem>> -> memref<1x128xf32, #tpu.memory_space<vmem>>
      %dma_wait3A_808 = tpu.memref_squeeze %dma_wait3A_807 : memref<1x128xf32, #tpu.memory_space<vmem>> -> memref<128xf32, #tpu.memory_space<vmem>>
      %dma_wait3A_809 = arith.constant 0 : i32
      %dma_wait3A_810 = tpu.memref_slice %arg5[%scan3A_6, %dma_wait3A_809] : memref<26x128xi32, #tpu.memory_space<vmem>> -> memref<1x128xi32, #tpu.memory_space<vmem>>
      %dma_wait3A_811 = tpu.memref_squeeze %dma_wait3A_810 : memref<1x128xi32, #tpu.memory_space<vmem>> -> memref<128xi32, #tpu.memory_space<vmem>>
      %dma_wait3A_812 = arith.constant 0 : i32
      %dma_wait3A_813 = arith.constant 0 : i32
      %dma_wait3A_814 = tpu.memref_slice %arg3[%scan3A_6, %dma_wait3A_812, %dma_wait3A_813] : memref<26x32x100000xf32, #tpu.memory_space<hbm>> -> memref<1x32x100000xf32, #tpu.memory_space<hbm>>
      %dma_wait3A_815 = tpu.memref_squeeze %dma_wait3A_814 : memref<1x32x100000xf32, #tpu.memory_space<hbm>> -> memref<32x100000xf32, #tpu.memory_space<hbm>>
      %dma_wait3A_816 = arith.constant 0 : i32
      %dma_wait3A_817 = tpu.memref_slice %dma_wait3A_815[%dma_wait3A_804, %dma_wait3A_816] : memref<32x100000xf32, #tpu.memory_space<hbm>> -> memref<1x100000xf32, #tpu.memory_space<hbm>>
      %dma_wait3A_818 = tpu.memref_squeeze %dma_wait3A_817 : memref<1x100000xf32, #tpu.memory_space<hbm>> -> memref<100000xf32, #tpu.memory_space<hbm>>
      %dma_wait3A_819 = arith.constant 0 : i32
      %dma_wait3A_820 = tpu.memref_slice %dma_wait3A_818[%dma_wait3A_819] : memref<100000xf32, #tpu.memory_space<hbm>> -> memref<100000xf32, #tpu.memory_space<hbm>>
      tpu.wait_indirect_dma semaphore(%arg7 : memref<!tpu.dma_semaphore, #tpu.memory_space<semaphore_mem>>) src(%dma_wait3A_820 : memref<100000xf32, #tpu.memory_space<hbm>>) dst(%dma_wait3A_808 : memref<128xf32, #tpu.memory_space<vmem>>)
      %dma_wait3A_821 = arith.constant 16 : i32
      %dma_wait3A_822 = arith.constant 16 : i32
      %dma_wait3A_823 = arith.constant 0 : i32
      %dma_wait3A_824 = tpu.memref_slice %arg6[%dma_wait3A_822, %dma_wait3A_823] : memref<32x128xf32, #tpu.memory_space<vmem>> -> memref<1x128xf32, #tpu.memory_space<vmem>>
      %dma_wait3A_825 = tpu.memref_squeeze %dma_wait3A_824 : memref<1x128xf32, #tpu.memory_space<vmem>> -> memref<128xf32, #tpu.memory_space<vmem>>
      %dma_wait3A_826 = arith.constant 0 : i32
      %dma_wait3A_827 = tpu.memref_slice %arg5[%scan3A_6, %dma_wait3A_826] : memref<26x128xi32, #tpu.memory_space<vmem>> -> memref<1x128xi32, #tpu.memory_space<vmem>>
      %dma_wait3A_828 = tpu.memref_squeeze %dma_wait3A_827 : memref<1x128xi32, #tpu.memory_space<vmem>> -> memref<128xi32, #tpu.memory_space<vmem>>
      %dma_wait3A_829 = arith.constant 0 : i32
      %dma_wait3A_830 = arith.constant 0 : i32
      %dma_wait3A_831 = tpu.memref_slice %arg3[%scan3A_6, %dma_wait3A_829, %dma_wait3A_830] : memref<26x32x100000xf32, #tpu.memory_space<hbm>> -> memref<1x32x100000xf32, #tpu.memory_space<hbm>>
      %dma_wait3A_832 = tpu.memref_squeeze %dma_wait3A_831 : memref<1x32x100000xf32, #tpu.memory_space<hbm>> -> memref<32x100000xf32, #tpu.memory_space<hbm>>
      %dma_wait3A_833 = arith.constant 0 : i32
      %dma_wait3A_834 = tpu.memref_slice %dma_wait3A_832[%dma_wait3A_821, %dma_wait3A_833] : memref<32x100000xf32, #tpu.memory_space<hbm>> -> memref<1x100000xf32, #tpu.memory_space<hbm>>
      %dma_wait3A_835 = tpu.memref_squeeze %dma_wait3A_834 : memref<1x100000xf32, #tpu.memory_space<hbm>> -> memref<100000xf32, #tpu.memory_space<hbm>>
      %dma_wait3A_836 = arith.constant 0 : i32
      %dma_wait3A_837 = tpu.memref_slice %dma_wait3A_835[%dma_wait3A_836] : memref<100000xf32, #tpu.memory_space<hbm>> -> memref<100000xf32, #tpu.memory_space<hbm>>
      tpu.wait_indirect_dma semaphore(%arg7 : memref<!tpu.dma_semaphore, #tpu.memory_space<semaphore_mem>>) src(%dma_wait3A_837 : memref<100000xf32, #tpu.memory_space<hbm>>) dst(%dma_wait3A_825 : memref<128xf32, #tpu.memory_space<vmem>>)
      %dma_wait3A_838 = arith.constant 17 : i32
      %dma_wait3A_839 = arith.constant 17 : i32
      %dma_wait3A_840 = arith.constant 0 : i32
      %dma_wait3A_841 = tpu.memref_slice %arg6[%dma_wait3A_839, %dma_wait3A_840] : memref<32x128xf32, #tpu.memory_space<vmem>> -> memref<1x128xf32, #tpu.memory_space<vmem>>
      %dma_wait3A_842 = tpu.memref_squeeze %dma_wait3A_841 : memref<1x128xf32, #tpu.memory_space<vmem>> -> memref<128xf32, #tpu.memory_space<vmem>>
      %dma_wait3A_843 = arith.constant 0 : i32
      %dma_wait3A_844 = tpu.memref_slice %arg5[%scan3A_6, %dma_wait3A_843] : memref<26x128xi32, #tpu.memory_space<vmem>> -> memref<1x128xi32, #tpu.memory_space<vmem>>
      %dma_wait3A_845 = tpu.memref_squeeze %dma_wait3A_844 : memref<1x128xi32, #tpu.memory_space<vmem>> -> memref<128xi32, #tpu.memory_space<vmem>>
      %dma_wait3A_846 = arith.constant 0 : i32
      %dma_wait3A_847 = arith.constant 0 : i32
      %dma_wait3A_848 = tpu.memref_slice %arg3[%scan3A_6, %dma_wait3A_846, %dma_wait3A_847] : memref<26x32x100000xf32, #tpu.memory_space<hbm>> -> memref<1x32x100000xf32, #tpu.memory_space<hbm>>
      %dma_wait3A_849 = tpu.memref_squeeze %dma_wait3A_848 : memref<1x32x100000xf32, #tpu.memory_space<hbm>> -> memref<32x100000xf32, #tpu.memory_space<hbm>>
      %dma_wait3A_850 = arith.constant 0 : i32
      %dma_wait3A_851 = tpu.memref_slice %dma_wait3A_849[%dma_wait3A_838, %dma_wait3A_850] : memref<32x100000xf32, #tpu.memory_space<hbm>> -> memref<1x100000xf32, #tpu.memory_space<hbm>>
      %dma_wait3A_852 = tpu.memref_squeeze %dma_wait3A_851 : memref<1x100000xf32, #tpu.memory_space<hbm>> -> memref<100000xf32, #tpu.memory_space<hbm>>
      %dma_wait3A_853 = arith.constant 0 : i32
      %dma_wait3A_854 = tpu.memref_slice %dma_wait3A_852[%dma_wait3A_853] : memref<100000xf32, #tpu.memory_space<hbm>> -> memref<100000xf32, #tpu.memory_space<hbm>>
      tpu.wait_indirect_dma semaphore(%arg7 : memref<!tpu.dma_semaphore, #tpu.memory_space<semaphore_mem>>) src(%dma_wait3A_854 : memref<100000xf32, #tpu.memory_space<hbm>>) dst(%dma_wait3A_842 : memref<128xf32, #tpu.memory_space<vmem>>)
      %dma_wait3A_855 = arith.constant 18 : i32
      %dma_wait3A_856 = arith.constant 18 : i32
      %dma_wait3A_857 = arith.constant 0 : i32
      %dma_wait3A_858 = tpu.memref_slice %arg6[%dma_wait3A_856, %dma_wait3A_857] : memref<32x128xf32, #tpu.memory_space<vmem>> -> memref<1x128xf32, #tpu.memory_space<vmem>>
      %dma_wait3A_859 = tpu.memref_squeeze %dma_wait3A_858 : memref<1x128xf32, #tpu.memory_space<vmem>> -> memref<128xf32, #tpu.memory_space<vmem>>
      %dma_wait3A_860 = arith.constant 0 : i32
      %dma_wait3A_861 = tpu.memref_slice %arg5[%scan3A_6, %dma_wait3A_860] : memref<26x128xi32, #tpu.memory_space<vmem>> -> memref<1x128xi32, #tpu.memory_space<vmem>>
      %dma_wait3A_862 = tpu.memref_squeeze %dma_wait3A_861 : memref<1x128xi32, #tpu.memory_space<vmem>> -> memref<128xi32, #tpu.memory_space<vmem>>
      %dma_wait3A_863 = arith.constant 0 : i32
      %dma_wait3A_864 = arith.constant 0 : i32
      %dma_wait3A_865 = tpu.memref_slice %arg3[%scan3A_6, %dma_wait3A_863, %dma_wait3A_864] : memref<26x32x100000xf32, #tpu.memory_space<hbm>> -> memref<1x32x100000xf32, #tpu.memory_space<hbm>>
      %dma_wait3A_866 = tpu.memref_squeeze %dma_wait3A_865 : memref<1x32x100000xf32, #tpu.memory_space<hbm>> -> memref<32x100000xf32, #tpu.memory_space<hbm>>
      %dma_wait3A_867 = arith.constant 0 : i32
      %dma_wait3A_868 = tpu.memref_slice %dma_wait3A_866[%dma_wait3A_855, %dma_wait3A_867] : memref<32x100000xf32, #tpu.memory_space<hbm>> -> memref<1x100000xf32, #tpu.memory_space<hbm>>
      %dma_wait3A_869 = tpu.memref_squeeze %dma_wait3A_868 : memref<1x100000xf32, #tpu.memory_space<hbm>> -> memref<100000xf32, #tpu.memory_space<hbm>>
      %dma_wait3A_870 = arith.constant 0 : i32
      %dma_wait3A_871 = tpu.memref_slice %dma_wait3A_869[%dma_wait3A_870] : memref<100000xf32, #tpu.memory_space<hbm>> -> memref<100000xf32, #tpu.memory_space<hbm>>
      tpu.wait_indirect_dma semaphore(%arg7 : memref<!tpu.dma_semaphore, #tpu.memory_space<semaphore_mem>>) src(%dma_wait3A_871 : memref<100000xf32, #tpu.memory_space<hbm>>) dst(%dma_wait3A_859 : memref<128xf32, #tpu.memory_space<vmem>>)
      %dma_wait3A_872 = arith.constant 19 : i32
      %dma_wait3A_873 = arith.constant 19 : i32
      %dma_wait3A_874 = arith.constant 0 : i32
      %dma_wait3A_875 = tpu.memref_slice %arg6[%dma_wait3A_873, %dma_wait3A_874] : memref<32x128xf32, #tpu.memory_space<vmem>> -> memref<1x128xf32, #tpu.memory_space<vmem>>
      %dma_wait3A_876 = tpu.memref_squeeze %dma_wait3A_875 : memref<1x128xf32, #tpu.memory_space<vmem>> -> memref<128xf32, #tpu.memory_space<vmem>>
      %dma_wait3A_877 = arith.constant 0 : i32
      %dma_wait3A_878 = tpu.memref_slice %arg5[%scan3A_6, %dma_wait3A_877] : memref<26x128xi32, #tpu.memory_space<vmem>> -> memref<1x128xi32, #tpu.memory_space<vmem>>
      %dma_wait3A_879 = tpu.memref_squeeze %dma_wait3A_878 : memref<1x128xi32, #tpu.memory_space<vmem>> -> memref<128xi32, #tpu.memory_space<vmem>>
      %dma_wait3A_880 = arith.constant 0 : i32
      %dma_wait3A_881 = arith.constant 0 : i32
      %dma_wait3A_882 = tpu.memref_slice %arg3[%scan3A_6, %dma_wait3A_880, %dma_wait3A_881] : memref<26x32x100000xf32, #tpu.memory_space<hbm>> -> memref<1x32x100000xf32, #tpu.memory_space<hbm>>
      %dma_wait3A_883 = tpu.memref_squeeze %dma_wait3A_882 : memref<1x32x100000xf32, #tpu.memory_space<hbm>> -> memref<32x100000xf32, #tpu.memory_space<hbm>>
      %dma_wait3A_884 = arith.constant 0 : i32
      %dma_wait3A_885 = tpu.memref_slice %dma_wait3A_883[%dma_wait3A_872, %dma_wait3A_884] : memref<32x100000xf32, #tpu.memory_space<hbm>> -> memref<1x100000xf32, #tpu.memory_space<hbm>>
      %dma_wait3A_886 = tpu.memref_squeeze %dma_wait3A_885 : memref<1x100000xf32, #tpu.memory_space<hbm>> -> memref<100000xf32, #tpu.memory_space<hbm>>
      %dma_wait3A_887 = arith.constant 0 : i32
      %dma_wait3A_888 = tpu.memref_slice %dma_wait3A_886[%dma_wait3A_887] : memref<100000xf32, #tpu.memory_space<hbm>> -> memref<100000xf32, #tpu.memory_space<hbm>>
      tpu.wait_indirect_dma semaphore(%arg7 : memref<!tpu.dma_semaphore, #tpu.memory_space<semaphore_mem>>) src(%dma_wait3A_888 : memref<100000xf32, #tpu.memory_space<hbm>>) dst(%dma_wait3A_876 : memref<128xf32, #tpu.memory_space<vmem>>)
      %dma_wait3A_889 = arith.constant 20 : i32
      %dma_wait3A_890 = arith.constant 20 : i32
      %dma_wait3A_891 = arith.constant 0 : i32
      %dma_wait3A_892 = tpu.memref_slice %arg6[%dma_wait3A_890, %dma_wait3A_891] : memref<32x128xf32, #tpu.memory_space<vmem>> -> memref<1x128xf32, #tpu.memory_space<vmem>>
      %dma_wait3A_893 = tpu.memref_squeeze %dma_wait3A_892 : memref<1x128xf32, #tpu.memory_space<vmem>> -> memref<128xf32, #tpu.memory_space<vmem>>
      %dma_wait3A_894 = arith.constant 0 : i32
      %dma_wait3A_895 = tpu.memref_slice %arg5[%scan3A_6, %dma_wait3A_894] : memref<26x128xi32, #tpu.memory_space<vmem>> -> memref<1x128xi32, #tpu.memory_space<vmem>>
      %dma_wait3A_896 = tpu.memref_squeeze %dma_wait3A_895 : memref<1x128xi32, #tpu.memory_space<vmem>> -> memref<128xi32, #tpu.memory_space<vmem>>
      %dma_wait3A_897 = arith.constant 0 : i32
      %dma_wait3A_898 = arith.constant 0 : i32
      %dma_wait3A_899 = tpu.memref_slice %arg3[%scan3A_6, %dma_wait3A_897, %dma_wait3A_898] : memref<26x32x100000xf32, #tpu.memory_space<hbm>> -> memref<1x32x100000xf32, #tpu.memory_space<hbm>>
      %dma_wait3A_900 = tpu.memref_squeeze %dma_wait3A_899 : memref<1x32x100000xf32, #tpu.memory_space<hbm>> -> memref<32x100000xf32, #tpu.memory_space<hbm>>
      %dma_wait3A_901 = arith.constant 0 : i32
      %dma_wait3A_902 = tpu.memref_slice %dma_wait3A_900[%dma_wait3A_889, %dma_wait3A_901] : memref<32x100000xf32, #tpu.memory_space<hbm>> -> memref<1x100000xf32, #tpu.memory_space<hbm>>
      %dma_wait3A_903 = tpu.memref_squeeze %dma_wait3A_902 : memref<1x100000xf32, #tpu.memory_space<hbm>> -> memref<100000xf32, #tpu.memory_space<hbm>>
      %dma_wait3A_904 = arith.constant 0 : i32
      %dma_wait3A_905 = tpu.memref_slice %dma_wait3A_903[%dma_wait3A_904] : memref<100000xf32, #tpu.memory_space<hbm>> -> memref<100000xf32, #tpu.memory_space<hbm>>
      tpu.wait_indirect_dma semaphore(%arg7 : memref<!tpu.dma_semaphore, #tpu.memory_space<semaphore_mem>>) src(%dma_wait3A_905 : memref<100000xf32, #tpu.memory_space<hbm>>) dst(%dma_wait3A_893 : memref<128xf32, #tpu.memory_space<vmem>>)
      %dma_wait3A_906 = arith.constant 21 : i32
      %dma_wait3A_907 = arith.constant 21 : i32
      %dma_wait3A_908 = arith.constant 0 : i32
      %dma_wait3A_909 = tpu.memref_slice %arg6[%dma_wait3A_907, %dma_wait3A_908] : memref<32x128xf32, #tpu.memory_space<vmem>> -> memref<1x128xf32, #tpu.memory_space<vmem>>
      %dma_wait3A_910 = tpu.memref_squeeze %dma_wait3A_909 : memref<1x128xf32, #tpu.memory_space<vmem>> -> memref<128xf32, #tpu.memory_space<vmem>>
      %dma_wait3A_911 = arith.constant 0 : i32
      %dma_wait3A_912 = tpu.memref_slice %arg5[%scan3A_6, %dma_wait3A_911] : memref<26x128xi32, #tpu.memory_space<vmem>> -> memref<1x128xi32, #tpu.memory_space<vmem>>
      %dma_wait3A_913 = tpu.memref_squeeze %dma_wait3A_912 : memref<1x128xi32, #tpu.memory_space<vmem>> -> memref<128xi32, #tpu.memory_space<vmem>>
      %dma_wait3A_914 = arith.constant 0 : i32
      %dma_wait3A_915 = arith.constant 0 : i32
      %dma_wait3A_916 = tpu.memref_slice %arg3[%scan3A_6, %dma_wait3A_914, %dma_wait3A_915] : memref<26x32x100000xf32, #tpu.memory_space<hbm>> -> memref<1x32x100000xf32, #tpu.memory_space<hbm>>
      %dma_wait3A_917 = tpu.memref_squeeze %dma_wait3A_916 : memref<1x32x100000xf32, #tpu.memory_space<hbm>> -> memref<32x100000xf32, #tpu.memory_space<hbm>>
      %dma_wait3A_918 = arith.constant 0 : i32
      %dma_wait3A_919 = tpu.memref_slice %dma_wait3A_917[%dma_wait3A_906, %dma_wait3A_918] : memref<32x100000xf32, #tpu.memory_space<hbm>> -> memref<1x100000xf32, #tpu.memory_space<hbm>>
      %dma_wait3A_920 = tpu.memref_squeeze %dma_wait3A_919 : memref<1x100000xf32, #tpu.memory_space<hbm>> -> memref<100000xf32, #tpu.memory_space<hbm>>
      %dma_wait3A_921 = arith.constant 0 : i32
      %dma_wait3A_922 = tpu.memref_slice %dma_wait3A_920[%dma_wait3A_921] : memref<100000xf32, #tpu.memory_space<hbm>> -> memref<100000xf32, #tpu.memory_space<hbm>>
      tpu.wait_indirect_dma semaphore(%arg7 : memref<!tpu.dma_semaphore, #tpu.memory_space<semaphore_mem>>) src(%dma_wait3A_922 : memref<100000xf32, #tpu.memory_space<hbm>>) dst(%dma_wait3A_910 : memref<128xf32, #tpu.memory_space<vmem>>)
      %dma_wait3A_923 = arith.constant 22 : i32
      %dma_wait3A_924 = arith.constant 22 : i32
      %dma_wait3A_925 = arith.constant 0 : i32
      %dma_wait3A_926 = tpu.memref_slice %arg6[%dma_wait3A_924, %dma_wait3A_925] : memref<32x128xf32, #tpu.memory_space<vmem>> -> memref<1x128xf32, #tpu.memory_space<vmem>>
      %dma_wait3A_927 = tpu.memref_squeeze %dma_wait3A_926 : memref<1x128xf32, #tpu.memory_space<vmem>> -> memref<128xf32, #tpu.memory_space<vmem>>
      %dma_wait3A_928 = arith.constant 0 : i32
      %dma_wait3A_929 = tpu.memref_slice %arg5[%scan3A_6, %dma_wait3A_928] : memref<26x128xi32, #tpu.memory_space<vmem>> -> memref<1x128xi32, #tpu.memory_space<vmem>>
      %dma_wait3A_930 = tpu.memref_squeeze %dma_wait3A_929 : memref<1x128xi32, #tpu.memory_space<vmem>> -> memref<128xi32, #tpu.memory_space<vmem>>
      %dma_wait3A_931 = arith.constant 0 : i32
      %dma_wait3A_932 = arith.constant 0 : i32
      %dma_wait3A_933 = tpu.memref_slice %arg3[%scan3A_6, %dma_wait3A_931, %dma_wait3A_932] : memref<26x32x100000xf32, #tpu.memory_space<hbm>> -> memref<1x32x100000xf32, #tpu.memory_space<hbm>>
      %dma_wait3A_934 = tpu.memref_squeeze %dma_wait3A_933 : memref<1x32x100000xf32, #tpu.memory_space<hbm>> -> memref<32x100000xf32, #tpu.memory_space<hbm>>
      %dma_wait3A_935 = arith.constant 0 : i32
      %dma_wait3A_936 = tpu.memref_slice %dma_wait3A_934[%dma_wait3A_923, %dma_wait3A_935] : memref<32x100000xf32, #tpu.memory_space<hbm>> -> memref<1x100000xf32, #tpu.memory_space<hbm>>
      %dma_wait3A_937 = tpu.memref_squeeze %dma_wait3A_936 : memref<1x100000xf32, #tpu.memory_space<hbm>> -> memref<100000xf32, #tpu.memory_space<hbm>>
      %dma_wait3A_938 = arith.constant 0 : i32
      %dma_wait3A_939 = tpu.memref_slice %dma_wait3A_937[%dma_wait3A_938] : memref<100000xf32, #tpu.memory_space<hbm>> -> memref<100000xf32, #tpu.memory_space<hbm>>
      tpu.wait_indirect_dma semaphore(%arg7 : memref<!tpu.dma_semaphore, #tpu.memory_space<semaphore_mem>>) src(%dma_wait3A_939 : memref<100000xf32, #tpu.memory_space<hbm>>) dst(%dma_wait3A_927 : memref<128xf32, #tpu.memory_space<vmem>>)
      %dma_wait3A_940 = arith.constant 23 : i32
      %dma_wait3A_941 = arith.constant 23 : i32
      %dma_wait3A_942 = arith.constant 0 : i32
      %dma_wait3A_943 = tpu.memref_slice %arg6[%dma_wait3A_941, %dma_wait3A_942] : memref<32x128xf32, #tpu.memory_space<vmem>> -> memref<1x128xf32, #tpu.memory_space<vmem>>
      %dma_wait3A_944 = tpu.memref_squeeze %dma_wait3A_943 : memref<1x128xf32, #tpu.memory_space<vmem>> -> memref<128xf32, #tpu.memory_space<vmem>>
      %dma_wait3A_945 = arith.constant 0 : i32
      %dma_wait3A_946 = tpu.memref_slice %arg5[%scan3A_6, %dma_wait3A_945] : memref<26x128xi32, #tpu.memory_space<vmem>> -> memref<1x128xi32, #tpu.memory_space<vmem>>
      %dma_wait3A_947 = tpu.memref_squeeze %dma_wait3A_946 : memref<1x128xi32, #tpu.memory_space<vmem>> -> memref<128xi32, #tpu.memory_space<vmem>>
      %dma_wait3A_948 = arith.constant 0 : i32
      %dma_wait3A_949 = arith.constant 0 : i32
      %dma_wait3A_950 = tpu.memref_slice %arg3[%scan3A_6, %dma_wait3A_948, %dma_wait3A_949] : memref<26x32x100000xf32, #tpu.memory_space<hbm>> -> memref<1x32x100000xf32, #tpu.memory_space<hbm>>
      %dma_wait3A_951 = tpu.memref_squeeze %dma_wait3A_950 : memref<1x32x100000xf32, #tpu.memory_space<hbm>> -> memref<32x100000xf32, #tpu.memory_space<hbm>>
      %dma_wait3A_952 = arith.constant 0 : i32
      %dma_wait3A_953 = tpu.memref_slice %dma_wait3A_951[%dma_wait3A_940, %dma_wait3A_952] : memref<32x100000xf32, #tpu.memory_space<hbm>> -> memref<1x100000xf32, #tpu.memory_space<hbm>>
      %dma_wait3A_954 = tpu.memref_squeeze %dma_wait3A_953 : memref<1x100000xf32, #tpu.memory_space<hbm>> -> memref<100000xf32, #tpu.memory_space<hbm>>
      %dma_wait3A_955 = arith.constant 0 : i32
      %dma_wait3A_956 = tpu.memref_slice %dma_wait3A_954[%dma_wait3A_955] : memref<100000xf32, #tpu.memory_space<hbm>> -> memref<100000xf32, #tpu.memory_space<hbm>>
      tpu.wait_indirect_dma semaphore(%arg7 : memref<!tpu.dma_semaphore, #tpu.memory_space<semaphore_mem>>) src(%dma_wait3A_956 : memref<100000xf32, #tpu.memory_space<hbm>>) dst(%dma_wait3A_944 : memref<128xf32, #tpu.memory_space<vmem>>)
      %dma_wait3A_957 = arith.constant 24 : i32
      %dma_wait3A_958 = arith.constant 24 : i32
      %dma_wait3A_959 = arith.constant 0 : i32
      %dma_wait3A_960 = tpu.memref_slice %arg6[%dma_wait3A_958, %dma_wait3A_959] : memref<32x128xf32, #tpu.memory_space<vmem>> -> memref<1x128xf32, #tpu.memory_space<vmem>>
      %dma_wait3A_961 = tpu.memref_squeeze %dma_wait3A_960 : memref<1x128xf32, #tpu.memory_space<vmem>> -> memref<128xf32, #tpu.memory_space<vmem>>
      %dma_wait3A_962 = arith.constant 0 : i32
      %dma_wait3A_963 = tpu.memref_slice %arg5[%scan3A_6, %dma_wait3A_962] : memref<26x128xi32, #tpu.memory_space<vmem>> -> memref<1x128xi32, #tpu.memory_space<vmem>>
      %dma_wait3A_964 = tpu.memref_squeeze %dma_wait3A_963 : memref<1x128xi32, #tpu.memory_space<vmem>> -> memref<128xi32, #tpu.memory_space<vmem>>
      %dma_wait3A_965 = arith.constant 0 : i32
      %dma_wait3A_966 = arith.constant 0 : i32
      %dma_wait3A_967 = tpu.memref_slice %arg3[%scan3A_6, %dma_wait3A_965, %dma_wait3A_966] : memref<26x32x100000xf32, #tpu.memory_space<hbm>> -> memref<1x32x100000xf32, #tpu.memory_space<hbm>>
      %dma_wait3A_968 = tpu.memref_squeeze %dma_wait3A_967 : memref<1x32x100000xf32, #tpu.memory_space<hbm>> -> memref<32x100000xf32, #tpu.memory_space<hbm>>
      %dma_wait3A_969 = arith.constant 0 : i32
      %dma_wait3A_970 = tpu.memref_slice %dma_wait3A_968[%dma_wait3A_957, %dma_wait3A_969] : memref<32x100000xf32, #tpu.memory_space<hbm>> -> memref<1x100000xf32, #tpu.memory_space<hbm>>
      %dma_wait3A_971 = tpu.memref_squeeze %dma_wait3A_970 : memref<1x100000xf32, #tpu.memory_space<hbm>> -> memref<100000xf32, #tpu.memory_space<hbm>>
      %dma_wait3A_972 = arith.constant 0 : i32
      %dma_wait3A_973 = tpu.memref_slice %dma_wait3A_971[%dma_wait3A_972] : memref<100000xf32, #tpu.memory_space<hbm>> -> memref<100000xf32, #tpu.memory_space<hbm>>
      tpu.wait_indirect_dma semaphore(%arg7 : memref<!tpu.dma_semaphore, #tpu.memory_space<semaphore_mem>>) src(%dma_wait3A_973 : memref<100000xf32, #tpu.memory_space<hbm>>) dst(%dma_wait3A_961 : memref<128xf32, #tpu.memory_space<vmem>>)
      %dma_wait3A_974 = arith.constant 25 : i32
      %dma_wait3A_975 = arith.constant 25 : i32
      %dma_wait3A_976 = arith.constant 0 : i32
      %dma_wait3A_977 = tpu.memref_slice %arg6[%dma_wait3A_975, %dma_wait3A_976] : memref<32x128xf32, #tpu.memory_space<vmem>> -> memref<1x128xf32, #tpu.memory_space<vmem>>
      %dma_wait3A_978 = tpu.memref_squeeze %dma_wait3A_977 : memref<1x128xf32, #tpu.memory_space<vmem>> -> memref<128xf32, #tpu.memory_space<vmem>>
      %dma_wait3A_979 = arith.constant 0 : i32
      %dma_wait3A_980 = tpu.memref_slice %arg5[%scan3A_6, %dma_wait3A_979] : memref<26x128xi32, #tpu.memory_space<vmem>> -> memref<1x128xi32, #tpu.memory_space<vmem>>
      %dma_wait3A_981 = tpu.memref_squeeze %dma_wait3A_980 : memref<1x128xi32, #tpu.memory_space<vmem>> -> memref<128xi32, #tpu.memory_space<vmem>>
      %dma_wait3A_982 = arith.constant 0 : i32
      %dma_wait3A_983 = arith.constant 0 : i32
      %dma_wait3A_984 = tpu.memref_slice %arg3[%scan3A_6, %dma_wait3A_982, %dma_wait3A_983] : memref<26x32x100000xf32, #tpu.memory_space<hbm>> -> memref<1x32x100000xf32, #tpu.memory_space<hbm>>
      %dma_wait3A_985 = tpu.memref_squeeze %dma_wait3A_984 : memref<1x32x100000xf32, #tpu.memory_space<hbm>> -> memref<32x100000xf32, #tpu.memory_space<hbm>>
      %dma_wait3A_986 = arith.constant 0 : i32
      %dma_wait3A_987 = tpu.memref_slice %dma_wait3A_985[%dma_wait3A_974, %dma_wait3A_986] : memref<32x100000xf32, #tpu.memory_space<hbm>> -> memref<1x100000xf32, #tpu.memory_space<hbm>>
      %dma_wait3A_988 = tpu.memref_squeeze %dma_wait3A_987 : memref<1x100000xf32, #tpu.memory_space<hbm>> -> memref<100000xf32, #tpu.memory_space<hbm>>
      %dma_wait3A_989 = arith.constant 0 : i32
      %dma_wait3A_990 = tpu.memref_slice %dma_wait3A_988[%dma_wait3A_989] : memref<100000xf32, #tpu.memory_space<hbm>> -> memref<100000xf32, #tpu.memory_space<hbm>>
      tpu.wait_indirect_dma semaphore(%arg7 : memref<!tpu.dma_semaphore, #tpu.memory_space<semaphore_mem>>) src(%dma_wait3A_990 : memref<100000xf32, #tpu.memory_space<hbm>>) dst(%dma_wait3A_978 : memref<128xf32, #tpu.memory_space<vmem>>)
      %dma_wait3A_991 = arith.constant 26 : i32
      %dma_wait3A_992 = arith.constant 26 : i32
      %dma_wait3A_993 = arith.constant 0 : i32
      %dma_wait3A_994 = tpu.memref_slice %arg6[%dma_wait3A_992, %dma_wait3A_993] : memref<32x128xf32, #tpu.memory_space<vmem>> -> memref<1x128xf32, #tpu.memory_space<vmem>>
      %dma_wait3A_995 = tpu.memref_squeeze %dma_wait3A_994 : memref<1x128xf32, #tpu.memory_space<vmem>> -> memref<128xf32, #tpu.memory_space<vmem>>
      %dma_wait3A_996 = arith.constant 0 : i32
      %dma_wait3A_997 = tpu.memref_slice %arg5[%scan3A_6, %dma_wait3A_996] : memref<26x128xi32, #tpu.memory_space<vmem>> -> memref<1x128xi32, #tpu.memory_space<vmem>>
      %dma_wait3A_998 = tpu.memref_squeeze %dma_wait3A_997 : memref<1x128xi32, #tpu.memory_space<vmem>> -> memref<128xi32, #tpu.memory_space<vmem>>
      %dma_wait3A_999 = arith.constant 0 : i32
      %dma_wait3A_1000 = arith.constant 0 : i32
      %dma_wait3A_1001 = tpu.memref_slice %arg3[%scan3A_6, %dma_wait3A_999, %dma_wait3A_1000] : memref<26x32x100000xf32, #tpu.memory_space<hbm>> -> memref<1x32x100000xf32, #tpu.memory_space<hbm>>
      %dma_wait3A_1002 = tpu.memref_squeeze %dma_wait3A_1001 : memref<1x32x100000xf32, #tpu.memory_space<hbm>> -> memref<32x100000xf32, #tpu.memory_space<hbm>>
      %dma_wait3A_1003 = arith.constant 0 : i32
      %dma_wait3A_1004 = tpu.memref_slice %dma_wait3A_1002[%dma_wait3A_991, %dma_wait3A_1003] : memref<32x100000xf32, #tpu.memory_space<hbm>> -> memref<1x100000xf32, #tpu.memory_space<hbm>>
      %dma_wait3A_1005 = tpu.memref_squeeze %dma_wait3A_1004 : memref<1x100000xf32, #tpu.memory_space<hbm>> -> memref<100000xf32, #tpu.memory_space<hbm>>
      %dma_wait3A_1006 = arith.constant 0 : i32
      %dma_wait3A_1007 = tpu.memref_slice %dma_wait3A_1005[%dma_wait3A_1006] : memref<100000xf32, #tpu.memory_space<hbm>> -> memref<100000xf32, #tpu.memory_space<hbm>>
      tpu.wait_indirect_dma semaphore(%arg7 : memref<!tpu.dma_semaphore, #tpu.memory_space<semaphore_mem>>) src(%dma_wait3A_1007 : memref<100000xf32, #tpu.memory_space<hbm>>) dst(%dma_wait3A_995 : memref<128xf32, #tpu.memory_space<vmem>>)
      %dma_wait3A_1008 = arith.constant 27 : i32
      %dma_wait3A_1009 = arith.constant 27 : i32
      %dma_wait3A_1010 = arith.constant 0 : i32
      %dma_wait3A_1011 = tpu.memref_slice %arg6[%dma_wait3A_1009, %dma_wait3A_1010] : memref<32x128xf32, #tpu.memory_space<vmem>> -> memref<1x128xf32, #tpu.memory_space<vmem>>
      %dma_wait3A_1012 = tpu.memref_squeeze %dma_wait3A_1011 : memref<1x128xf32, #tpu.memory_space<vmem>> -> memref<128xf32, #tpu.memory_space<vmem>>
      %dma_wait3A_1013 = arith.constant 0 : i32
      %dma_wait3A_1014 = tpu.memref_slice %arg5[%scan3A_6, %dma_wait3A_1013] : memref<26x128xi32, #tpu.memory_space<vmem>> -> memref<1x128xi32, #tpu.memory_space<vmem>>
      %dma_wait3A_1015 = tpu.memref_squeeze %dma_wait3A_1014 : memref<1x128xi32, #tpu.memory_space<vmem>> -> memref<128xi32, #tpu.memory_space<vmem>>
      %dma_wait3A_1016 = arith.constant 0 : i32
      %dma_wait3A_1017 = arith.constant 0 : i32
      %dma_wait3A_1018 = tpu.memref_slice %arg3[%scan3A_6, %dma_wait3A_1016, %dma_wait3A_1017] : memref<26x32x100000xf32, #tpu.memory_space<hbm>> -> memref<1x32x100000xf32, #tpu.memory_space<hbm>>
      %dma_wait3A_1019 = tpu.memref_squeeze %dma_wait3A_1018 : memref<1x32x100000xf32, #tpu.memory_space<hbm>> -> memref<32x100000xf32, #tpu.memory_space<hbm>>
      %dma_wait3A_1020 = arith.constant 0 : i32
      %dma_wait3A_1021 = tpu.memref_slice %dma_wait3A_1019[%dma_wait3A_1008, %dma_wait3A_1020] : memref<32x100000xf32, #tpu.memory_space<hbm>> -> memref<1x100000xf32, #tpu.memory_space<hbm>>
      %dma_wait3A_1022 = tpu.memref_squeeze %dma_wait3A_1021 : memref<1x100000xf32, #tpu.memory_space<hbm>> -> memref<100000xf32, #tpu.memory_space<hbm>>
      %dma_wait3A_1023 = arith.constant 0 : i32
      %dma_wait3A_1024 = tpu.memref_slice %dma_wait3A_1022[%dma_wait3A_1023] : memref<100000xf32, #tpu.memory_space<hbm>> -> memref<100000xf32, #tpu.memory_space<hbm>>
      tpu.wait_indirect_dma semaphore(%arg7 : memref<!tpu.dma_semaphore, #tpu.memory_space<semaphore_mem>>) src(%dma_wait3A_1024 : memref<100000xf32, #tpu.memory_space<hbm>>) dst(%dma_wait3A_1012 : memref<128xf32, #tpu.memory_space<vmem>>)
      %dma_wait3A_1025 = arith.constant 28 : i32
      %dma_wait3A_1026 = arith.constant 28 : i32
      %dma_wait3A_1027 = arith.constant 0 : i32
      %dma_wait3A_1028 = tpu.memref_slice %arg6[%dma_wait3A_1026, %dma_wait3A_1027] : memref<32x128xf32, #tpu.memory_space<vmem>> -> memref<1x128xf32, #tpu.memory_space<vmem>>
      %dma_wait3A_1029 = tpu.memref_squeeze %dma_wait3A_1028 : memref<1x128xf32, #tpu.memory_space<vmem>> -> memref<128xf32, #tpu.memory_space<vmem>>
      %dma_wait3A_1030 = arith.constant 0 : i32
      %dma_wait3A_1031 = tpu.memref_slice %arg5[%scan3A_6, %dma_wait3A_1030] : memref<26x128xi32, #tpu.memory_space<vmem>> -> memref<1x128xi32, #tpu.memory_space<vmem>>
      %dma_wait3A_1032 = tpu.memref_squeeze %dma_wait3A_1031 : memref<1x128xi32, #tpu.memory_space<vmem>> -> memref<128xi32, #tpu.memory_space<vmem>>
      %dma_wait3A_1033 = arith.constant 0 : i32
      %dma_wait3A_1034 = arith.constant 0 : i32
      %dma_wait3A_1035 = tpu.memref_slice %arg3[%scan3A_6, %dma_wait3A_1033, %dma_wait3A_1034] : memref<26x32x100000xf32, #tpu.memory_space<hbm>> -> memref<1x32x100000xf32, #tpu.memory_space<hbm>>
      %dma_wait3A_1036 = tpu.memref_squeeze %dma_wait3A_1035 : memref<1x32x100000xf32, #tpu.memory_space<hbm>> -> memref<32x100000xf32, #tpu.memory_space<hbm>>
      %dma_wait3A_1037 = arith.constant 0 : i32
      %dma_wait3A_1038 = tpu.memref_slice %dma_wait3A_1036[%dma_wait3A_1025, %dma_wait3A_1037] : memref<32x100000xf32, #tpu.memory_space<hbm>> -> memref<1x100000xf32, #tpu.memory_space<hbm>>
      %dma_wait3A_1039 = tpu.memref_squeeze %dma_wait3A_1038 : memref<1x100000xf32, #tpu.memory_space<hbm>> -> memref<100000xf32, #tpu.memory_space<hbm>>
      %dma_wait3A_1040 = arith.constant 0 : i32
      %dma_wait3A_1041 = tpu.memref_slice %dma_wait3A_1039[%dma_wait3A_1040] : memref<100000xf32, #tpu.memory_space<hbm>> -> memref<100000xf32, #tpu.memory_space<hbm>>
      tpu.wait_indirect_dma semaphore(%arg7 : memref<!tpu.dma_semaphore, #tpu.memory_space<semaphore_mem>>) src(%dma_wait3A_1041 : memref<100000xf32, #tpu.memory_space<hbm>>) dst(%dma_wait3A_1029 : memref<128xf32, #tpu.memory_space<vmem>>)
      %dma_wait3A_1042 = arith.constant 29 : i32
      %dma_wait3A_1043 = arith.constant 29 : i32
      %dma_wait3A_1044 = arith.constant 0 : i32
      %dma_wait3A_1045 = tpu.memref_slice %arg6[%dma_wait3A_1043, %dma_wait3A_1044] : memref<32x128xf32, #tpu.memory_space<vmem>> -> memref<1x128xf32, #tpu.memory_space<vmem>>
      %dma_wait3A_1046 = tpu.memref_squeeze %dma_wait3A_1045 : memref<1x128xf32, #tpu.memory_space<vmem>> -> memref<128xf32, #tpu.memory_space<vmem>>
      %dma_wait3A_1047 = arith.constant 0 : i32
      %dma_wait3A_1048 = tpu.memref_slice %arg5[%scan3A_6, %dma_wait3A_1047] : memref<26x128xi32, #tpu.memory_space<vmem>> -> memref<1x128xi32, #tpu.memory_space<vmem>>
      %dma_wait3A_1049 = tpu.memref_squeeze %dma_wait3A_1048 : memref<1x128xi32, #tpu.memory_space<vmem>> -> memref<128xi32, #tpu.memory_space<vmem>>
      %dma_wait3A_1050 = arith.constant 0 : i32
      %dma_wait3A_1051 = arith.constant 0 : i32
      %dma_wait3A_1052 = tpu.memref_slice %arg3[%scan3A_6, %dma_wait3A_1050, %dma_wait3A_1051] : memref<26x32x100000xf32, #tpu.memory_space<hbm>> -> memref<1x32x100000xf32, #tpu.memory_space<hbm>>
      %dma_wait3A_1053 = tpu.memref_squeeze %dma_wait3A_1052 : memref<1x32x100000xf32, #tpu.memory_space<hbm>> -> memref<32x100000xf32, #tpu.memory_space<hbm>>
      %dma_wait3A_1054 = arith.constant 0 : i32
      %dma_wait3A_1055 = tpu.memref_slice %dma_wait3A_1053[%dma_wait3A_1042, %dma_wait3A_1054] : memref<32x100000xf32, #tpu.memory_space<hbm>> -> memref<1x100000xf32, #tpu.memory_space<hbm>>
      %dma_wait3A_1056 = tpu.memref_squeeze %dma_wait3A_1055 : memref<1x100000xf32, #tpu.memory_space<hbm>> -> memref<100000xf32, #tpu.memory_space<hbm>>
      %dma_wait3A_1057 = arith.constant 0 : i32
      %dma_wait3A_1058 = tpu.memref_slice %dma_wait3A_1056[%dma_wait3A_1057] : memref<100000xf32, #tpu.memory_space<hbm>> -> memref<100000xf32, #tpu.memory_space<hbm>>
      tpu.wait_indirect_dma semaphore(%arg7 : memref<!tpu.dma_semaphore, #tpu.memory_space<semaphore_mem>>) src(%dma_wait3A_1058 : memref<100000xf32, #tpu.memory_space<hbm>>) dst(%dma_wait3A_1046 : memref<128xf32, #tpu.memory_space<vmem>>)
      %dma_wait3A_1059 = arith.constant 30 : i32
      %dma_wait3A_1060 = arith.constant 30 : i32
      %dma_wait3A_1061 = arith.constant 0 : i32
      %dma_wait3A_1062 = tpu.memref_slice %arg6[%dma_wait3A_1060, %dma_wait3A_1061] : memref<32x128xf32, #tpu.memory_space<vmem>> -> memref<1x128xf32, #tpu.memory_space<vmem>>
      %dma_wait3A_1063 = tpu.memref_squeeze %dma_wait3A_1062 : memref<1x128xf32, #tpu.memory_space<vmem>> -> memref<128xf32, #tpu.memory_space<vmem>>
      %dma_wait3A_1064 = arith.constant 0 : i32
      %dma_wait3A_1065 = tpu.memref_slice %arg5[%scan3A_6, %dma_wait3A_1064] : memref<26x128xi32, #tpu.memory_space<vmem>> -> memref<1x128xi32, #tpu.memory_space<vmem>>
      %dma_wait3A_1066 = tpu.memref_squeeze %dma_wait3A_1065 : memref<1x128xi32, #tpu.memory_space<vmem>> -> memref<128xi32, #tpu.memory_space<vmem>>
      %dma_wait3A_1067 = arith.constant 0 : i32
      %dma_wait3A_1068 = arith.constant 0 : i32
      %dma_wait3A_1069 = tpu.memref_slice %arg3[%scan3A_6, %dma_wait3A_1067, %dma_wait3A_1068] : memref<26x32x100000xf32, #tpu.memory_space<hbm>> -> memref<1x32x100000xf32, #tpu.memory_space<hbm>>
      %dma_wait3A_1070 = tpu.memref_squeeze %dma_wait3A_1069 : memref<1x32x100000xf32, #tpu.memory_space<hbm>> -> memref<32x100000xf32, #tpu.memory_space<hbm>>
      %dma_wait3A_1071 = arith.constant 0 : i32
      %dma_wait3A_1072 = tpu.memref_slice %dma_wait3A_1070[%dma_wait3A_1059, %dma_wait3A_1071] : memref<32x100000xf32, #tpu.memory_space<hbm>> -> memref<1x100000xf32, #tpu.memory_space<hbm>>
      %dma_wait3A_1073 = tpu.memref_squeeze %dma_wait3A_1072 : memref<1x100000xf32, #tpu.memory_space<hbm>> -> memref<100000xf32, #tpu.memory_space<hbm>>
      %dma_wait3A_1074 = arith.constant 0 : i32
      %dma_wait3A_1075 = tpu.memref_slice %dma_wait3A_1073[%dma_wait3A_1074] : memref<100000xf32, #tpu.memory_space<hbm>> -> memref<100000xf32, #tpu.memory_space<hbm>>
      tpu.wait_indirect_dma semaphore(%arg7 : memref<!tpu.dma_semaphore, #tpu.memory_space<semaphore_mem>>) src(%dma_wait3A_1075 : memref<100000xf32, #tpu.memory_space<hbm>>) dst(%dma_wait3A_1063 : memref<128xf32, #tpu.memory_space<vmem>>)
      %dma_wait3A_1076 = arith.constant 31 : i32
      %dma_wait3A_1077 = arith.constant 31 : i32
      %dma_wait3A_1078 = arith.constant 0 : i32
      %dma_wait3A_1079 = tpu.memref_slice %arg6[%dma_wait3A_1077, %dma_wait3A_1078] : memref<32x128xf32, #tpu.memory_space<vmem>> -> memref<1x128xf32, #tpu.memory_space<vmem>>
      %dma_wait3A_1080 = tpu.memref_squeeze %dma_wait3A_1079 : memref<1x128xf32, #tpu.memory_space<vmem>> -> memref<128xf32, #tpu.memory_space<vmem>>
      %dma_wait3A_1081 = arith.constant 0 : i32
      %dma_wait3A_1082 = tpu.memref_slice %arg5[%scan3A_6, %dma_wait3A_1081] : memref<26x128xi32, #tpu.memory_space<vmem>> -> memref<1x128xi32, #tpu.memory_space<vmem>>
      %dma_wait3A_1083 = tpu.memref_squeeze %dma_wait3A_1082 : memref<1x128xi32, #tpu.memory_space<vmem>> -> memref<128xi32, #tpu.memory_space<vmem>>
      %dma_wait3A_1084 = arith.constant 0 : i32
      %dma_wait3A_1085 = arith.constant 0 : i32
      %dma_wait3A_1086 = tpu.memref_slice %arg3[%scan3A_6, %dma_wait3A_1084, %dma_wait3A_1085] : memref<26x32x100000xf32, #tpu.memory_space<hbm>> -> memref<1x32x100000xf32, #tpu.memory_space<hbm>>
      %dma_wait3A_1087 = tpu.memref_squeeze %dma_wait3A_1086 : memref<1x32x100000xf32, #tpu.memory_space<hbm>> -> memref<32x100000xf32, #tpu.memory_space<hbm>>
      %dma_wait3A_1088 = arith.constant 0 : i32
      %dma_wait3A_1089 = tpu.memref_slice %dma_wait3A_1087[%dma_wait3A_1076, %dma_wait3A_1088] : memref<32x100000xf32, #tpu.memory_space<hbm>> -> memref<1x100000xf32, #tpu.memory_space<hbm>>
      %dma_wait3A_1090 = tpu.memref_squeeze %dma_wait3A_1089 : memref<1x100000xf32, #tpu.memory_space<hbm>> -> memref<100000xf32, #tpu.memory_space<hbm>>
      %dma_wait3A_1091 = arith.constant 0 : i32
      %dma_wait3A_1092 = tpu.memref_slice %dma_wait3A_1090[%dma_wait3A_1091] : memref<100000xf32, #tpu.memory_space<hbm>> -> memref<100000xf32, #tpu.memory_space<hbm>>
      tpu.wait_indirect_dma semaphore(%arg7 : memref<!tpu.dma_semaphore, #tpu.memory_space<semaphore_mem>>) src(%dma_wait3A_1092 : memref<100000xf32, #tpu.memory_space<hbm>>) dst(%dma_wait3A_1080 : memref<128xf32, #tpu.memory_space<vmem>>)
      %mul3A_1093 = arith.constant 128 : i32
      %mul3A_1094 = arith.muli %add3A, %mul3A_1093 : i32
      "tpu.region"() ({
        %run_scoped3A = tpu.sem_alloc : memref<!tpu.dma_semaphore, #tpu.memory_space<semaphore_mem>>
        %dma_start3A_1095 = arith.constant 0 : i32
        %dma_start3A_1096 = tpu.memref_slice %arg4[%dma_start3A_1095, %scan3A_6, %mul3A_1094] : memref<32x26x4096xf32, #tpu.memory_space<hbm>> -> memref<32x1x128xf32, #tpu.memory_space<hbm>>
        %dma_start3A_1097 = tpu.memref_squeeze %dma_start3A_1096 : memref<32x1x128xf32, #tpu.memory_space<hbm>> -> memref<32x128xf32, #tpu.memory_space<hbm>>
        %dma_start3A_1098 = arith.constant 0 : i32
        %dma_start3A_1099 = tpu.memref_slice %arg4[%dma_start3A_1098, %scan3A_6, %mul3A_1094] : memref<32x26x4096xf32, #tpu.memory_space<hbm>> -> memref<32x1x128xf32, #tpu.memory_space<hbm>>
        %dma_start3A_1100 = tpu.memref_squeeze %dma_start3A_1099 : memref<32x1x128xf32, #tpu.memory_space<hbm>> -> memref<32x128xf32, #tpu.memory_space<hbm>>
        tpu.enqueue_dma source(%arg6 : memref<32x128xf32, #tpu.memory_space<vmem>>) target(%dma_start3A_1100 : memref<32x128xf32, #tpu.memory_space<hbm>>) target_semaphore(%run_scoped3A : memref<!tpu.dma_semaphore, #tpu.memory_space<semaphore_mem>>)
        %dma_wait3A_1101 = arith.constant 0 : i32
        %dma_wait3A_1102 = tpu.memref_slice %arg4[%dma_wait3A_1101, %scan3A_6, %mul3A_1094] : memref<32x26x4096xf32, #tpu.memory_space<hbm>> -> memref<32x1x128xf32, #tpu.memory_space<hbm>>
        %dma_wait3A_1103 = tpu.memref_squeeze %dma_wait3A_1102 : memref<32x1x128xf32, #tpu.memory_space<hbm>> -> memref<32x128xf32, #tpu.memory_space<hbm>>
        %dma_wait3A_1104 = arith.constant 0 : i32
        %dma_wait3A_1105 = tpu.memref_slice %arg4[%dma_wait3A_1104, %scan3A_6, %mul3A_1094] : memref<32x26x4096xf32, #tpu.memory_space<hbm>> -> memref<32x1x128xf32, #tpu.memory_space<hbm>>
        %dma_wait3A_1106 = tpu.memref_squeeze %dma_wait3A_1105 : memref<32x1x128xf32, #tpu.memory_space<hbm>> -> memref<32x128xf32, #tpu.memory_space<hbm>>
        tpu.wait_dma2 semaphore(%run_scoped3A : memref<!tpu.dma_semaphore, #tpu.memory_space<semaphore_mem>>) src(%arg6 : memref<32x128xf32, #tpu.memory_space<vmem>>) dst(%dma_wait3A_1106 : memref<32x128xf32, #tpu.memory_space<hbm>>)
        tpu.yield
      }) : () -> ()
    }
    %scan3A_5 = arith.constant 26 : i32
    return
  }
}

module attributes {stable_mosaic.version = 14 : i64} {
  func.func @_mlp_body(%arg0: i32, %arg1: memref<32x26x512xf32, #tpu.memory_space<vmem>>, %arg2: memref<512x13xf32, #tpu.memory_space<vmem>>, %arg3: memref<512x32xf32, #tpu.memory_space<vmem>>, %arg4: memref<832x128xf32, #tpu.memory_space<vmem>>, %arg5: memref<13x128xf32, #tpu.memory_space<vmem>>, %arg6: memref<32x128xf32, #tpu.memory_space<vmem>>, %arg7: memref<1x128xf32, #tpu.memory_space<vmem>>, %arg8: memref<1x128xf32, #tpu.memory_space<vmem>>, %arg9: memref<1x1xf32, #tpu.memory_space<vmem>>, %arg10: memref<1x512xf32, #tpu.memory_space<vmem>>) attributes {dimension_semantics = [#tpu.dimension_semantics<arbitrary>], iteration_bounds = array<i64: 8>, scalar_prefetch = 0 : i64, scratch_operands = 0 : i64, tpu.core_type = #tpu.core_type<tc>, window_params = [{transform_indices = @transform_0, window_bounds = array<i64: 32, 26, 512>}, {transform_indices = @transform_1, window_bounds = array<i64: 512, 13>}, {transform_indices = @transform_2, window_bounds = array<i64: 512, 32>}, {pipeline_mode = #tpu.pipeline_mode<synchronous>, transform_indices = @transform_3, window_bounds = array<i64: 832, 128>}, {pipeline_mode = #tpu.pipeline_mode<synchronous>, transform_indices = @transform_4, window_bounds = array<i64: 13, 128>}, {pipeline_mode = #tpu.pipeline_mode<synchronous>, transform_indices = @transform_5, window_bounds = array<i64: 32, 128>}, {pipeline_mode = #tpu.pipeline_mode<synchronous>, transform_indices = @transform_6, window_bounds = array<i64: 1, 128>}, {pipeline_mode = #tpu.pipeline_mode<synchronous>, transform_indices = @transform_7, window_bounds = array<i64: 1, 128>}, {pipeline_mode = #tpu.pipeline_mode<synchronous>, transform_indices = @transform_8, window_bounds = array<i64: 1, 1>}, {transform_indices = @transform_9, window_bounds = array<i64: 1, 512>}]} {
    %get3A = arith.constant 0 : index
    %get3A_0 = arith.constant 0 : index
    %get3A_1 = arith.constant 0 : index
    %get3A_2 = vector.load %arg1[%get3A, %get3A_0, %get3A_1] : memref<32x26x512xf32, #tpu.memory_space<vmem>>, vector<32x26x512xf32>
    %reshape3A = vector.shape_cast %get3A_2 : vector<32x26x512xf32> to vector<832x512xf32>
    %get3A_3 = arith.constant 0 : index
    %get3A_4 = arith.constant 0 : index
    %get3A_5 = vector.load %arg4[%get3A_3, %get3A_4] : memref<832x128xf32, #tpu.memory_space<vmem>>, vector<832x128xf32>
    %dot_general3A = arith.constant dense<0.000000e+00> : vector<512x128xf32>
    %dot_general3A_6 = tpu.matmul %reshape3A, %get3A_5, %dot_general3A {dimension_numbers = #tpu.dot_dimension_numbers<[0], [0], [1], [1], [0, 1, 1, 1], [], []>, transpose_lhs_hint = false} : vector<832x512xf32>, vector<832x128xf32>, vector<512x128xf32> -> vector<512x128xf32>
    %get3A_7 = arith.constant 0 : index
    %get3A_8 = arith.constant 0 : index
    %get3A_9 = vector.load %arg3[%get3A_7, %get3A_8] : memref<512x32xf32, #tpu.memory_space<vmem>>, vector<512x32xf32>
    %mul3A = arith.constant 2.000000e-02 : f32
    %mul3A_10 = vector.broadcast %mul3A : f32 to vector<512x32xf32>
    %mul3A_11 = arith.mulf %get3A_9, %mul3A_10 : vector<512x32xf32>
    %get3A_12 = arith.constant 0 : index
    %get3A_13 = arith.constant 0 : index
    %get3A_14 = vector.load %arg6[%get3A_12, %get3A_13] : memref<32x128xf32, #tpu.memory_space<vmem>>, vector<32x128xf32>
    %dot_general3A_15 = arith.constant dense<0.000000e+00> : vector<512x128xf32>
    %dot_general3A_16 = tpu.matmul %mul3A_11, %get3A_14, %dot_general3A_15 {dimension_numbers = #tpu.dot_dimension_numbers<[1], [0], [0], [1], [0, 0, 1, 1], [], []>, transpose_lhs_hint = false} : vector<512x32xf32>, vector<32x128xf32>, vector<512x128xf32> -> vector<512x128xf32>
    %get3A_17 = arith.constant 0 : index
    %get3A_18 = arith.constant 0 : index
    %get3A_19 = vector.load %arg2[%get3A_17, %get3A_18] : memref<512x13xf32, #tpu.memory_space<vmem>>, vector<512x13xf32>
    %get3A_20 = arith.constant 0 : index
    %get3A_21 = arith.constant 0 : index
    %get3A_22 = vector.load %arg5[%get3A_20, %get3A_21] : memref<13x128xf32, #tpu.memory_space<vmem>>, vector<13x128xf32>
    %dot_general3A_23 = arith.constant dense<0.000000e+00> : vector<512x128xf32>
    %dot_general3A_24 = tpu.matmul %get3A_19, %get3A_22, %dot_general3A_23 {dimension_numbers = #tpu.dot_dimension_numbers<[1], [0], [0], [1], [0, 0, 1, 1], [], []>, transpose_lhs_hint = false} : vector<512x13xf32>, vector<13x128xf32>, vector<512x128xf32> -> vector<512x128xf32>
    %add3A = arith.addf %dot_general3A_6, %dot_general3A_16 : vector<512x128xf32>
    %add3A_25 = arith.addf %add3A, %dot_general3A_24 : vector<512x128xf32>
    %get3A_26 = arith.constant 0 : index
    %get3A_27 = arith.constant 0 : index
    %get3A_28 = vector.load %arg7[%get3A_26, %get3A_27] : memref<1x128xf32, #tpu.memory_space<vmem>>, vector<1x128xf32>
    %add3A_29 = vector.broadcast %get3A_28 : vector<1x128xf32> to vector<512x128xf32>
    %add3A_30 = arith.addf %add3A_25, %add3A_29 : vector<512x128xf32>
    %max3A = arith.constant 0.000000e+00 : f32
    %max3A_31 = vector.broadcast %max3A : f32 to vector<512x128xf32>
    %max3A_32 = arith.maximumf %add3A_30, %max3A_31 : vector<512x128xf32>
    %get3A_33 = arith.constant 0 : index
    %get3A_34 = arith.constant 0 : index
    %get3A_35 = vector.load %arg8[%get3A_33, %get3A_34] : memref<1x128xf32, #tpu.memory_space<vmem>>, vector<1x128xf32>
    %mul3A_36 = vector.broadcast %get3A_35 : vector<1x128xf32> to vector<512x128xf32>
    %mul3A_37 = arith.mulf %max3A_32, %mul3A_36 : vector<512x128xf32>
    %reduce_sum3A = arith.constant dense<0.000000e+00> : vector<512xf32>
    %reduce_sum3A_38 = vector.multi_reduction <add>, %mul3A_37, %reduce_sum3A [1] : vector<512x128xf32> to vector<512xf32>
    %get3A_39 = arith.constant 0 : index
    %get3A_40 = arith.constant 0 : index
    %get3A_41 = vector.load %arg9[%get3A_39, %get3A_40] : memref<1x1xf32, #tpu.memory_space<vmem>>, vector<1x1xf32>
    %get3A_42 = vector.extract %get3A_41[0, 0] : f32 from vector<1x1xf32>
    %add3A_43 = vector.broadcast %get3A_42 : f32 to vector<512xf32>
    %add3A_44 = arith.addf %reduce_sum3A_38, %add3A_43 : vector<512xf32>
    %broadcast_in_dim3A = vector.shape_cast %add3A_44 : vector<512xf32> to vector<1x512xf32>
    %swap3A = arith.constant 0 : index
    %swap3A_45 = arith.constant 0 : index
    %swap3A_46 = vector.load %arg10[%swap3A, %swap3A_45] : memref<1x512xf32, #tpu.memory_space<vmem>>, vector<1x512xf32>
    tpu.vector_store %arg10[%swap3A, %swap3A_45], %broadcast_in_dim3A {strides = array<i32>} : memref<1x512xf32, #tpu.memory_space<vmem>>, vector<1x512xf32>,
    return
  }
  func.func @transform_0(%arg0: i32) -> (i32, i32, i32) {
    %c0_i32 = arith.constant 0 : i32
    %c0_i32_0 = arith.constant 0 : i32
    %c0_i32_1 = arith.constant 0 : i32
    return %c0_i32, %c0_i32_0, %arg0 : i32, i32, i32
  }
  func.func @transform_1(%arg0: i32) -> (i32, i32) {
    %c0_i32 = arith.constant 0 : i32
    %c0_i32_0 = arith.constant 0 : i32
    return %arg0, %c0_i32 : i32, i32
  }
  func.func @transform_2(%arg0: i32) -> (i32, i32) {
    %c0_i32 = arith.constant 0 : i32
    %c0_i32_0 = arith.constant 0 : i32
    return %arg0, %c0_i32 : i32, i32
  }
  func.func @transform_3(%arg0: i32) -> (i32, i32) {
    %c0_i32 = arith.constant 0 : i32
    %c0_i32_0 = arith.constant 0 : i32
    %c0_i32_1 = arith.constant 0 : i32
    return %c0_i32, %c0_i32_0 : i32, i32
  }
  func.func @transform_4(%arg0: i32) -> (i32, i32) {
    %c0_i32 = arith.constant 0 : i32
    %c0_i32_0 = arith.constant 0 : i32
    %c0_i32_1 = arith.constant 0 : i32
    return %c0_i32, %c0_i32_0 : i32, i32
  }
  func.func @transform_5(%arg0: i32) -> (i32, i32) {
    %c0_i32 = arith.constant 0 : i32
    %c0_i32_0 = arith.constant 0 : i32
    %c0_i32_1 = arith.constant 0 : i32
    return %c0_i32, %c0_i32_0 : i32, i32
  }
  func.func @transform_6(%arg0: i32) -> (i32, i32) {
    %c0_i32 = arith.constant 0 : i32
    %c0_i32_0 = arith.constant 0 : i32
    %c0_i32_1 = arith.constant 0 : i32
    return %c0_i32, %c0_i32_0 : i32, i32
  }
  func.func @transform_7(%arg0: i32) -> (i32, i32) {
    %c0_i32 = arith.constant 0 : i32
    %c0_i32_0 = arith.constant 0 : i32
    %c0_i32_1 = arith.constant 0 : i32
    return %c0_i32, %c0_i32_0 : i32, i32
  }
  func.func @transform_8(%arg0: i32) -> (i32, i32) {
    %c0_i32 = arith.constant 0 : i32
    %c0_i32_0 = arith.constant 0 : i32
    %c0_i32_1 = arith.constant 0 : i32
    return %c0_i32, %c0_i32_0 : i32, i32
  }
  func.func @transform_9(%arg0: i32) -> (i32, i32) {
    %c0_i32 = arith.constant 0 : i32
    %c0_i32_0 = arith.constant 0 : i32
    return %c0_i32, %arg0 : i32, i32
  }
}

</mosaic_0001>

<sc_bundles>
// kernel: kernel.5.cloned.1.call-start
scs
__scs_entry_jumppad:
0x0: {  	(pc) =	sbr.rel $0x88, $3  }
0x1: {  	(tag) =	ssettag $0x0;
	lr =	simm.s32 $0x1  }
0x2: {  	[smem:$0x3F98] =	sst lr;
	_ =	strace $0xD0000000  }
0x3: {  	_ = 	snop  }
0x4: {  	_ = 	snop  }
0x5: {  	_ = 	snop  }
0x6: {  	_ = 	snop  }
0x7: {  	_ = 	snop  }
__scs_overlays_trampoline_lowered:
0x8: {  	[smem:$0x3FA7] =	sst s0  }
0x9: {  	[smem:$0x3FA8] =	sst s1  }
0xa: {  	[smem:$0x3FA9] =	sst s2  }
0xb: {  	[smem:$0x3FAA] =	sst s3  }
0xc: {  	[smem:$0x3FAB] =	sst s4  }
0xd: {  	[smem:$0x3FAC] =	sst s5  }
0xe: {  	[smem:$0x3FAD] =	sst s6  }
0xf: {  	[smem:$0x3FAE] =	sst s7  }
0x10: {  	[smem:$0x3FAF] =	sst s8  }
0x11: {  	[smem:$0x3FB0] =	sst s9;
	s0 =	simm.s32 @!p0 $0x0  }
0x12: {  	s1 =	sld [smem:$0x3F96];
	s0 =	simm.s32 @p0 $0x1  }
0x13: {  	[smem:$0x3FB1] =	sst s0;
	s0 =	simm.s32 @!p1 $0x0  }
0x14: {  	s2 =	sld [smem:$0x3F95];
	s0 =	simm.s32 @p1 $0x1  }
0x15: {  	[smem:$0x3FB2] =	sst s0;
	s0 =	simm.s32 @!p2 $0x0  }
0x16: {  	s3 =	sld [smem:$0x3FDB];
	s0 =	simm.s32 @p2 $0x1  }
0x17: {  	s4 =	simm.s32 $0x1BF5;
	[smem:$0x3FB4] =	sst s0  }
0x18: {  	s0 =	sld [smem:$0x3F97];
	_ =	swait.ge [sflag:s4], $0x0  }
0x19: {  	s7 =	sld [smem:$0x3F98]  }
0x1a: {  	s8 =	sadd.s32 $0xFFFFE003, lr  }
0x1b: {  	s9 =	sadd.s32 $0xFFFFFEF7, lr;
	s5 =	simm.s32 $0xFFFFFFFF;
	p2 =	slt.u32 s8, $0xFFFFF086  }
0x1c: {  	p1 =	slt.u32 s9, $0xF7A;
	s5 =	simm.s32 @!p2 $0x0  }
0x1d: {  	s5 =	simm.s32 @p1 $0x1;
	p0 =	seq.s32 s7, s2  }
0x1e: {  	s7 =	smul.u32 @!p0 $0xF7A, s2;
	p2 =	seq.s32 @!p0 s5, $0x0  }
0x1f: {  	s9 =	smul.u32 $0xF7A, s1;
	s8 =	simm.s32 @!p0 $0x1BF5;
	p2 =	por !p2, p0  }
0x20: {  	[sflag:s8] =	ssyncset.s32 @!p0 $0xFFFFF086;
	s6 =	sadd.s32 @!p0 s3, s7;
	s7 =	simm.s32 @!p0 $0x108  }
0x21: {  	s3 =	sadd.s32 s3, s9;
	s6 =	sadd.s32 @!p0 $0x88, s6;
	s7 =	simm.s32 @p2 $0x1082  }
0x22: {  	[simem:s7], [sflag:s8] =	dma.local @!p0 [hbm:s6], $0xF7A  }
0x23: {  	s9 =	sor.u32 $0xD0000000, s2;
	s6 =	simm.s32 $0x108;
	_ =	swait.ge @!p0 [sflag:s8], $0x0  }
0x24: {  	s3 =	sadd.s32 $0x88, s3;
	s6 =	simm.s32 @!p1 $0x1082;
	[sflag:s4] =	ssyncset.s32 $0xFFFFF086  }
0x25: {  	[simem:s6], [sflag:s4] =	dma.local [hbm:s3], $0xF7A  }
0x26: {  	[smem:$0x3F98] =	sst s1;
	(tag) =	ssettag s2;
	_ =	strace s9  }
0x27: {  	s1 =	sld [smem:$0x3FA8]  }
0x28: {  	s2 =	sld [smem:$0x3FA9]  }
0x29: {  	s4 =	sld [smem:$0x3FAB]  }
0x2a: {  	p0 =	seq.s32 s5, $0x0;
	s5 =	sld [smem:$0x3FAC]  }
0x2b: {  	s6 =	sld [smem:$0x3FAD]  }
0x2c: {  	s7 =	sld [smem:$0x3FAE]  }
0x2d: {  	s3 =	simm.s32 $0x108;
	s8 =	sld [smem:$0x3FAF]  }
0x2e: {  	s3 =	simm.s32 @!p0 $0x1082;
	s9 =	sld [smem:$0x3FB0]  }
0x2f: {  	lr =	sadd.s32 s0, s3;
	s0 =	sld [smem:$0x3FA7]  }
0x30: {  	s3 =	sld [smem:$0x3FAA]  }
0x31: {  	[smem:$0x3FB3] =	sst s10  }
0x32: {  	s10 =	sld [smem:$0x3FB1];
	_ =	sdelay $0x3  }
0x33: {  	p0 =	seq.s32 s10, $0x1;
	s10 =	sld [smem:$0x3FB3];
	_ =	sdelay $0x3  }
0x34: {  	[smem:$0x3FB3] =	sst s10  }
0x35: {  	s10 =	sld [smem:$0x3FB2];
	_ =	sdelay $0x3  }
0x36: {  	p1 =	seq.s32 s10, $0x1;
	s10 =	sld [smem:$0x3FB3];
	_ =	sdelay $0x3  }
0x37: {  	[smem:$0x3FB3] =	sst s10  }
0x38: {  	s10 =	sld [smem:$0x3FB4]  }
0x39: {  	_ = 	snop;
	(pc) =	sbr.ind lr, $3  }
0x3a: {  	_ = 	snop  }
0x3b: {  	_ = 	snop  }
0x3c: {  	p2 =	seq.s32 s10, $0x1;
	s10 =	sld [smem:$0x3FB3]  }
0x3d: {  	_ =	shalt  }
0x3e: {  	_ =	shalt  }
0x3f: {  	_ =	shalt  }
0x40: {  	_ =	shalt  }
0x41: {  	_ =	shalt  }
0x42: {  	_ =	shalt  }
0x43: {  	_ =	shalt  }
0x44: {  	_ =	shalt  }
0x45: {  	_ =	shalt  }
0x46: {  	_ =	shalt  }
0x47: {  	_ =	shalt  }
0x48: {  	_ =	shalt  }
0x49: {  	_ =	shalt  }
0x4a: {  	_ =	shalt  }
0x4b: {  	_ =	shalt  }
0x4c: {  	_ =	shalt  }
0x4d: {  	_ =	shalt  }
0x4e: {  	_ =	shalt  }
0x4f: {  	_ =	shalt  }
0x50: {  	_ =	shalt  }
0x51: {  	_ =	shalt  }
0x52: {  	_ =	shalt  }
0x53: {  	_ =	shalt  }
0x54: {  	_ =	shalt  }
0x55: {  	_ =	shalt  }
0x56: {  	_ =	shalt  }
0x57: {  	_ =	shalt  }
0x58: {  	_ =	shalt  }
0x59: {  	_ =	shalt  }
0x5a: {  	_ =	shalt  }
0x5b: {  	_ =	shalt  }
0x5c: {  	_ =	shalt  }
0x5d: {  	_ =	shalt  }
0x5e: {  	_ =	shalt  }
0x5f: {  	_ =	shalt  }
0x60: {  	_ =	shalt  }
0x61: {  	_ =	shalt  }
0x62: {  	_ =	shalt  }
0x63: {  	_ =	shalt  }
0x64: {  	_ =	shalt  }
0x65: {  	_ =	shalt  }
0x66: {  	_ =	shalt  }
0x67: {  	_ =	shalt  }
0x68: {  	_ =	shalt  }
0x69: {  	_ =	shalt  }
0x6a: {  	_ =	shalt  }
0x6b: {  	_ =	shalt  }
0x6c: {  	_ =	shalt  }
0x6d: {  	_ =	shalt  }
0x6e: {  	_ =	shalt  }
0x6f: {  	_ =	shalt  }
0x70: {  	_ =	shalt  }
0x71: {  	_ =	shalt  }
0x72: {  	_ =	shalt  }
0x73: {  	_ =	shalt  }
0x74: {  	_ =	shalt  }
0x75: {  	_ =	shalt  }
0x76: {  	_ =	shalt  }
0x77: {  	_ =	shalt  }
0x78: {  	_ =	shalt  }
0x79: {  	_ =	shalt  }
0x7a: {  	_ =	shalt  }
0x7b: {  	_ =	shalt  }
0x7c: {  	_ =	shalt  }
0x7d: {  	_ =	shalt  }
0x7e: {  	_ =	shalt  }
0x7f: {  	_ =	shalt  }
0x80: {  	_ =	shalt  }
0x81: {  	_ =	shalt  }
0x82: {  	_ =	shalt  }
0x83: {  	_ =	shalt  }
0x84: {  	_ =	shalt  }
0x85: {  	_ =	shalt  }
0x86: {  	_ =	shalt  }
0x87: {  	_ =	shalt  }
.Lfunc_end0:
.L_simem_size_0:
called_computation_lowered:
.L_overlay_start_0:
0x88: {  	s2 =	sld [smem:$0x3FD9]  }
0x89: {  	s3 =	sld [smem:$0x3FFE];
	_ =	sdelay $0x1  }
0x8a: {  	s1 =	srdreg.scid  }
0x8b: {  	s0 =	sand.u32 $0x1, s1  }
0x8c: {  	s17 =	sshll.u32 s0, $0xA;
	s2 =	sadd.s32 s3, s2  }
0x8d: {  	s2 =	sadd.s32 s2, s17  }
0x8e: {  	[smem:$0x3FBF] =	sst s2  }
0x8f: {  	_ = 	snop  }
0x90: {  	s2 =	sld [smem:$0x3FD0];
	(tm) =	ssettm $0x1  }
0x91: {  	s18 =	sld [smem:$0x3FFB];
	_ =	sdelay $0x3  }
0x92: {  	_ =	strace s18  }
0x93: {  	s3 =	sld [smem:$0x3FFC];
	_ =	sdelay $0x3  }
0x94: {  	_ =	strace s3  }
0x95: {  	s3 =	sld [smem:$0x3FFD];
	_ =	sdelay $0x3  }
0x96: {  	_ =	strace s3  }
0x97: {  	_ =	strace $0x8FFFFFFF  }
0x98: {  	s19 =	sld [smem:$0x3FDB];
	_ =	sdelay $0x1  }
0x99: {  	s4 =	simm.s32 $_scs_section_size  }
0x9a: {  	s5 =	simm.s32 $_size__tile_overlayer_lowered;
	s6 =	simm.s32 $_tile_overlayer_lowered  }
0x9b: {  	s22 =	simm.s32 $0x1BFF;
	s21 =	sshll.u32 s6, $0x1;
	s3 =	sadd.s32 s4, s19  }
0x9c: {  	s7 =	simm.s32 $0x0;
	s20 =	sshll.u32 s5, $0x1;
	s5 =	sadd.s32 s21, s3  }
0x9d: {  	[timem:s7], [sflag:s22] =	dma.local [hbm:s5], s20  }
0x9e: {  	_ =	swait.ge [sflag:s22], s20  }
0x9f: {  	s4 =	ssub.s32 $0x0, s20;
	[sflag:s22] =	ssyncset.done $0x0  }
0xa0: {  	[sflag:s22] =	ssyncadd.s32 s4;
	_ =	sdelay $0x1  }
0xa1: {  	s23 =	simm.s32 $0x1B8B  }
0xa2: {  	_ =	swait.ge [sflag:s23], $0x1  }
0xa3: {  	[sflag:s23] =	ssyncset.done $0x0  }
0xa4: {  	s25 =	simm.s32 $0x1B8E;
	s24 =	sld [smem:$0x3FFE];
	[sflag:s23] =	ssyncadd.s32 $0xFFFFFFFF  }
0xa5: {  	s26 =	simm.s32 $execute0_lowered;
	[smem:$0x3FD2] =	sst s25  }
0xa6: {  	s5 =	sshll.u32 s26, $0x1;
	_ =	strace $0x80000046;
	[dreg:$0x1] =	wrdreg $0xFFFFFFFF  }
0xa7: {  	s28 =	simm.s32 $_size_execute0_lowered;
	s3 =	sadd.s32 s3, s5;
	[dreg:$0x0] =	wrdreg $0x0  }
0xa8: {  	s5 =	sshll.u32 s28, $0x1;
	[dreg:$0x2] =	wrdreg s3  }
0xa9: {  	[dreg:$0x3] =	wrdreg s5  }
0xaa: {  	[dreg:$0x4] =	wrdreg $0xC0  }
0xab: {  	_ =	task [dreg:s7], $0x5FFFF  }
0xac: {  	[dreg:$0x1] =	wrdreg $0xFFFFFFFF  }
0xad: {  	[dreg:$0x0] =	wrdreg $0x60  }
0xae: {  	[dreg:$0x2] =	wrdreg s24  }
0xaf: {  	[dreg:$0x3] =	wrdreg s2  }
0xb0: {  	[dreg:$0x4] =	wrdreg $0x42000  }
0xb1: {  	[dreg:$0x5] =	wrdreg $0x9  }
0xb2: {  	_ =	task.clear_ibuf [dreg:s7], $0x6FFFF;
	_ =	strace $0x90000046  }
0xb3: {  	s29 =	simm.s32 $0x9;
	_ =	strace $0x80000048  }
0xb4: {  	_ =	swait.ge [sflag:s29], $0x1  }
0xb5: {  	[sflag:s29] =	ssyncadd.s32 $0xFFFFFFFF  }
0xb6: {  	_ =	strace $0x90000048  }
0xb7: {  	_ =	sfence  }
0xb8: {  	s30 =	sld [smem:$0x0];
	_ =	sdelay $0x2  }
0xb9: {  	s31 =	sshll.u32 s1, $0xD;
	s1 =	sshrl.u32 s1, $0x2  }
0xba: {  	s3 =	sand.u32 $0x4000, s31;
	s1 =	sadd.s32 s1, s30  }
0xbb: {  	s0 =	sor.u32 s3, s0;
	s1 =	sshll.u32 s1, $0x11  }
0xbc: {  	s0 =	sor.u32 s1, s0  }
0xbd: {  	s0 =	sadd.s32 $0x8F2B, s0  }
0xbe: {  	[sflag:s0] =	ssyncadd.remote.s32 $0x1  }
0xbf: {  	_ =	sfence.sel $0xFFFF  }
0xc0: {  	[dreg:$0x0] =	wrdreg $0xFFFFFFFF;
	(pc) =	sbr.abs _section_cstart, $3  }
0xc1: {  	[dreg:$0x1] =	wrdreg $0xFFFFFFFF  }
0xc2: {  	_ =	task.clear_ibuf [dreg:s7], $0x2FFFF;
	_ =	strace $0x9FFFFFFF  }
0xc3: {  	(tm) =	ssettm $0x7FFFFFFF  }
tec
execute0_lowered:
.L_overlay_start_1:
0x0: {  	(tag) =	ssettag $0x1  }
0x1: {  	s6 =	rddreg [dreg:$0x0]  }
0x2: {  	s1 =	srdreg.scid;
	s2 =	rddreg [dreg:$0x1]  }
0x3: {  	s0 =	stileid.u32;
	s3 =	rddreg [dreg:$0x2];
	s4 =	simm.s32 $0x0  }
0x4: {  	s12 =	simm.s32 $0x1900;
	s13 =	simm.s32 $0x5200;
	s14 =	simm.s32 $0x80  }
0x5: {  	s15 =	simm.s32 $0x3200;
	s16 =	simm.s32 $0x1;
	s17 =	simm.s32 $0x2  }
0x6: {  	s18 =	simm.s32 $0x0;
	s5 =	sand.u32 $0x1, s1;
	s1 =	rddreg [dreg:$0x3]  }
0x7: {  	s29 =	sshll.u32 s0, $0x1;
	[smem:$0x7FF] =	sst s4;
	s9 =	smul.u32 $0x320, s0  }
0x8: {  	s31 =	sshll.u32 s0, $0xC;
	s7 =	sor.u32 s5, s29;
	_ =	strace $0x80000047  }
0x9: {  	s10 =	ssub.s32 $0x2, s5;
	s5 =	sadd.s32 $0xF44400, s6;
	s8 =	smul.u32 $0x320, s7  }
0xa: {  	s9 =	sadd.s32 s9, s6;
	s7 =	sshll.u32 s7, $0x9;
	s30 =	sshrl.u32 s10, $0x1  }
0xb: {  	s11 =	sadd.s32 s7, s6;
	s10 =	ssub.s32 s10, s30;
	s7 =	sadd.s32 $0x8400, s9  }
0xc: {  	s8 =	sadd.s32 s8, s6;
	s9 =	sadd.s32 $0xB600, s11;
	s10 =	smax.u32 s10, $0x1  }
0xd: {  	s11 =	simm.s32 $0x3;
	s6 =	sadd.s32 $0x2000, s8;
	s8 =	sadd.s32 s31, s3  }
.LBB2_1:
0xe: {  	[tilespmem:s4], [sflag:$0x3] =	stream.linear.gather [hbm4b:s6+s4], $0x1900, $0x38;
	[tilespmem:$0x6200] =	vst v63  }
0xf: {  	_ =	swait.ge [sflag:s11], $0x1900  }
0x10: {  	[sflag:s11] =	ssyncset.done $0x0  }
0x11: {  	[sflag:s11] =	ssyncadd.s32 $0xFFFFE700  }
0x12: {  	[tilespmem:s12], [sflag:$0x3] =	stream.linear.gather [hbm4b:s7+s4], $0x1900, $0x38;
	[tilespmem:$0x6200] =	vst v63  }
0x13: {  	_ =	swait.ge [sflag:s11], $0x1900  }
0x14: {  	[sflag:s11] =	ssyncset.done $0x0  }
0x15: {  	[sflag:s11] =	ssyncadd.s32 $0xFFFFE700  }
0x16: {  	[tilespmem:s13], [sflag:$0x3] =	stream.linear.gather [hbm4b:s2+s4], $0x1000, $0x38;
	[tilespmem:$0x6200] =	vst v63  }
0x17: {  	_ =	swait.ge [sflag:s11], $0x1000  }
0x18: {  	[sflag:s11] =	ssyncset.done $0x0  }
0x19: {  	[sflag:s11] =	ssyncadd.s32 $0xFFFFF000  }
0x1a: {  	[spmem:s8] =	stream.linear.scatter [tilespmem:s13], [sflag:$0x3], $0x1000, $0x38;
	[tilespmem:$0x6200] =	vst v63  }
0x1b: {  	_ =	swait.ge [sflag:s11], $0x1000  }
0x1c: {  	[sflag:s11] =	ssyncset.done $0x0  }
0x1d: {  	s19 =	simm.s32 $0x0;
	[sflag:s11] =	ssyncadd.s32 $0xFFFFF000  }
0x1e: {  	[tilespmem:s15], [sflag:$0x1] =	stream.indirect.gather [hbm4b:s5+s14], $0x20, s19, s14, $0xb8;
	[tilespmem:$0x6200] =	vst v63  }
0x1f: {  	_ =	swait.ge [sflag:s16], $0x1000  }
0x20: {  	[sflag:s16] =	ssyncset.done $0x0  }
0x21: {  	s31 =	simm.s32 $0x1900;
	[sflag:s16] =	ssyncadd.s32 $0xFFFFF000  }
0x22: {  	[spmem:s3] =	stream.indirect.scatter.add.f32 [tilespmem:s15], [sflag:$0x2], $0x20, s31, s14, $0xb8;
	[tilespmem:$0x6200] =	vst v63  }
0x23: {  	_ =	swait.ge [sflag:s17], $0x1000  }
0x24: {  	s20 =	simm.s32 $0x400;
	s19 =	simm.s32 $0x200;
	[sflag:s17] =	ssyncset.done $0x0  }
.LBB2_2:
0x25: {  	s21 =	sshra.s32 s19, $0x2  }
0x26: {  	[sflag:s17] =	ssyncadd.s32 $0xFFFFF000;
	s19 =	smov.u32 s20;
	s22 =	sadd.s32 $0x200, s20  }
0x27: {  	[tilespmem:s15], [sflag:$0x1] =	stream.indirect.gather [hbm4b:s5+s14], $0x20, s21, s14, $0xb8;
	[tilespmem:$0x6200] =	vst v63  }
0x28: {  	p0 =	sne.s32 s20, $0x6200;
	_ =	swait.ge [sflag:s16], $0x1000  }
.Ltmp0:
0x29: {  	[sflag:s16] =	ssyncset.done $0x0;
	(pc) =	sbr.rel @p0 .LBB2_2-.Ltmp0, $4  }
0x2a: {  	s20 =	sadd.s32 $0x1900, s21;
	[sflag:s16] =	ssyncadd.s32 $0xFFFFF000  }
0x2b: {  	[spmem:s3] =	stream.indirect.scatter.add.f32 [tilespmem:s15], [sflag:$0x2], $0x20, s20, s14, $0xb8;
	[tilespmem:$0x6200] =	vst v63  }
0x2c: {  	_ =	swait.ge [sflag:s17], $0x1000  }
0x2d: {  	s20 =	smov.u32 s22;
	[sflag:s17] =	ssyncset.done $0x0  }
0x2e: {  	s19 =	sshra.s32 s19, $0x2;
	[sflag:s17] =	ssyncadd.s32 $0xFFFFF000  }
0x2f: {  	[tilespmem:s15], [sflag:$0x1] =	stream.indirect.gather [hbm4b:s5+s14], $0x20, s19, s14, $0xb8;
	[tilespmem:$0x6200] =	vst v63  }
0x30: {  	_ =	swait.ge [sflag:s16], $0x1000  }
0x31: {  	[sflag:s16] =	ssyncset.done $0x0  }
0x32: {  	s19 =	sadd.s32 $0x1900, s19;
	[sflag:s16] =	ssyncadd.s32 $0xFFFFF000  }
0x33: {  	[spmem:s3] =	stream.indirect.scatter.add.f32 [tilespmem:s15], [sflag:$0x2], $0x20, s19, s14, $0xb8;
	[tilespmem:$0x6200] =	vst v63  }
0x34: {  	_ =	swait.ge [sflag:s17], $0x1000  }
0x35: {  	[sflag:s17] =	ssyncset.done $0x0  }
0x36: {  	[sflag:s17] =	ssyncadd.s32 $0xFFFFF000  }
0x37: {  	[tilespmem:s13], [sflag:$0x3] =	stream.linear.gather [spmem:s8], $0x1000, $0x38;
	[tilespmem:$0x6200] =	vst v63  }
0x38: {  	s18 =	sadd.s32 $0x1, s18;
	_ =	swait.ge [sflag:s11], $0x1000  }
0x39: {  	p0 =	sne.s32 s18, s10;
	[sflag:s11] =	ssyncset.done $0x0  }
.Ltmp1:
0x3a: {  	[sflag:s11] =	ssyncadd.s32 $0xFFFFF000;
	(pc) =	sbr.rel @p0 .LBB2_1-.Ltmp1, $4  }
0x3b: {  	[hbm4b:s9+s4] =	stream.linear.scatter [tilespmem:s13], [sflag:$0x3], $0x1000, $0x38;
	[tilespmem:$0x6200] =	vst v63  }
0x3c: {  	_ =	swait.ge [sflag:s11], $0x1000  }
0x3d: {  	[sflag:s11] =	ssyncset.done $0x0  }
0x3e: {  	[sflag:s11] =	ssyncadd.s32 $0xFFFFF000  }
0x3f: {  	_ =	sfence.sel $0x180000  }
0x40: {  	[bflag:$0x0] =	sbarrier.arrive $0xFFFF  }
0x41: {  	p0 =	sne.s32 s0, $0x0;
	_ =	strace $0x90000047  }
0x42: {  	s0 =	sadd.s32 @!p0 $0x100000, s1;
	[bflag:$0x2] =	sbarrier.arrive $0xFFFF  }
0x43: {  	[sflag:s0] =	ssyncadd.tile.s32 @!p0 $0x1;
	_ =	shalt  }
.Lfunc_end2:
_tile_overlayer_lowered:
.L_overlay_start_2:
0x44: {  	(tag) =	ssettag $0x2  }
0x45: {  	s0 =	rddreg [dreg:$0x0];
	s2 =	stileid.u32  }
0x46: {  	s1 =	rddreg [dreg:$0x1];
	p0 =	sne.s32 s2, $0x0  }
0x47: {  	s3 =	rddreg [dreg:$0x2];
	[bflag:$0x3] =	sbarrier.arrive $0xFFFF;
	s2 =	simm.s32 @!p0 $0x1C03  }
0x48: {  	[timem:s3], [sflag:s2] =	dma.local @!p0 [hbm:s0], s1  }
0x49: {  	s0 =	simm.s32 @!p0 $0x3  }
0x4a: {  	_ =	swait.ge @!p0 [sflag:s0], s1  }
0x4b: {  	s1 =	ssub.s32 @!p0 $0x0, s1;
	[sflag:s0] =	ssyncset.done @!p0 $0x0  }
0x4c: {  	[sflag:s0] =	ssyncadd.s32 @!p0 s1  }
0x4d: {  	[bflag:$0x3] =	sbarrier.arrive $0xFFFF  }
0x4e: {  	_ =	shalt  }

// kernel: kernel.8.cloned.1.call-start
scs
__scs_entry_jumppad:
0x0: {  	(pc) =	sbr.rel $0x88, $3  }
0x1: {  	(tag) =	ssettag $0x0;
	lr =	simm.s32 $0x1  }
0x2: {  	[smem:$0x3F98] =	sst lr;
	_ =	strace $0xD0000000  }
0x3: {  	_ = 	snop  }
0x4: {  	_ = 	snop  }
0x5: {  	_ = 	snop  }
0x6: {  	_ = 	snop  }
0x7: {  	_ = 	snop  }
__scs_overlays_trampoline_lowered:
0x8: {  	[smem:$0x3FA7] =	sst s0  }
0x9: {  	[smem:$0x3FA8] =	sst s1  }
0xa: {  	[smem:$0x3FA9] =	sst s2  }
0xb: {  	[smem:$0x3FAA] =	sst s3  }
0xc: {  	[smem:$0x3FAB] =	sst s4  }
0xd: {  	[smem:$0x3FAC] =	sst s5  }
0xe: {  	[smem:$0x3FAD] =	sst s6  }
0xf: {  	[smem:$0x3FAE] =	sst s7  }
0x10: {  	[smem:$0x3FAF] =	sst s8  }
0x11: {  	[smem:$0x3FB0] =	sst s9;
	s0 =	simm.s32 @!p0 $0x0  }
0x12: {  	s1 =	sld [smem:$0x3F96];
	s0 =	simm.s32 @p0 $0x1  }
0x13: {  	[smem:$0x3FB1] =	sst s0;
	s0 =	simm.s32 @!p1 $0x0  }
0x14: {  	s2 =	sld [smem:$0x3F95];
	s0 =	simm.s32 @p1 $0x1  }
0x15: {  	[smem:$0x3FB2] =	sst s0;
	s0 =	simm.s32 @!p2 $0x0  }
0x16: {  	s3 =	sld [smem:$0x3FDB];
	s0 =	simm.s32 @p2 $0x1  }
0x17: {  	s4 =	simm.s32 $0x1BF5;
	[smem:$0x3FB4] =	sst s0  }
0x18: {  	s0 =	sld [smem:$0x3F97];
	_ =	swait.ge [sflag:s4], $0x0  }
0x19: {  	s7 =	sld [smem:$0x3F98]  }
0x1a: {  	s8 =	sadd.s32 $0xFFFFE003, lr  }
0x1b: {  	s9 =	sadd.s32 $0xFFFFFEF7, lr;
	s5 =	simm.s32 $0xFFFFFFFF;
	p2 =	slt.u32 s8, $0xFFFFF086  }
0x1c: {  	p1 =	slt.u32 s9, $0xF7A;
	s5 =	simm.s32 @!p2 $0x0  }
0x1d: {  	s5 =	simm.s32 @p1 $0x1;
	p0 =	seq.s32 s7, s2  }
0x1e: {  	s7 =	smul.u32 @!p0 $0xF7A, s2;
	p2 =	seq.s32 @!p0 s5, $0x0  }
0x1f: {  	s9 =	smul.u32 $0xF7A, s1;
	s8 =	simm.s32 @!p0 $0x1BF5;
	p2 =	por !p2, p0  }
0x20: {  	[sflag:s8] =	ssyncset.s32 @!p0 $0xFFFFF086;
	s6 =	sadd.s32 @!p0 s3, s7;
	s7 =	simm.s32 @!p0 $0x108  }
0x21: {  	s3 =	sadd.s32 s3, s9;
	s6 =	sadd.s32 @!p0 $0x88, s6;
	s7 =	simm.s32 @p2 $0x1082  }
0x22: {  	[simem:s7], [sflag:s8] =	dma.local @!p0 [hbm:s6], $0xF7A  }
0x23: {  	s9 =	sor.u32 $0xD0000000, s2;
	s6 =	simm.s32 $0x108;
	_ =	swait.ge @!p0 [sflag:s8], $0x0  }
0x24: {  	s3 =	sadd.s32 $0x88, s3;
	s6 =	simm.s32 @!p1 $0x1082;
	[sflag:s4] =	ssyncset.s32 $0xFFFFF086  }
0x25: {  	[simem:s6], [sflag:s4] =	dma.local [hbm:s3], $0xF7A  }
0x26: {  	[smem:$0x3F98] =	sst s1;
	(tag) =	ssettag s2;
	_ =	strace s9  }
0x27: {  	s1 =	sld [smem:$0x3FA8]  }
0x28: {  	s2 =	sld [smem:$0x3FA9]  }
0x29: {  	s4 =	sld [smem:$0x3FAB]  }
0x2a: {  	p0 =	seq.s32 s5, $0x0;
	s5 =	sld [smem:$0x3FAC]  }
0x2b: {  	s6 =	sld [smem:$0x3FAD]  }
0x2c: {  	s7 =	sld [smem:$0x3FAE]  }
0x2d: {  	s3 =	simm.s32 $0x108;
	s8 =	sld [smem:$0x3FAF]  }
0x2e: {  	s3 =	simm.s32 @!p0 $0x1082;
	s9 =	sld [smem:$0x3FB0]  }
0x2f: {  	lr =	sadd.s32 s0, s3;
	s0 =	sld [smem:$0x3FA7]  }
0x30: {  	s3 =	sld [smem:$0x3FAA]  }
0x31: {  	[smem:$0x3FB3] =	sst s10  }
0x32: {  	s10 =	sld [smem:$0x3FB1];
	_ =	sdelay $0x3  }
0x33: {  	p0 =	seq.s32 s10, $0x1;
	s10 =	sld [smem:$0x3FB3];
	_ =	sdelay $0x3  }
0x34: {  	[smem:$0x3FB3] =	sst s10  }
0x35: {  	s10 =	sld [smem:$0x3FB2];
	_ =	sdelay $0x3  }
0x36: {  	p1 =	seq.s32 s10, $0x1;
	s10 =	sld [smem:$0x3FB3];
	_ =	sdelay $0x3  }
0x37: {  	[smem:$0x3FB3] =	sst s10  }
0x38: {  	s10 =	sld [smem:$0x3FB4]  }
0x39: {  	_ = 	snop;
	(pc) =	sbr.ind lr, $3  }
0x3a: {  	_ = 	snop  }
0x3b: {  	_ = 	snop  }
0x3c: {  	p2 =	seq.s32 s10, $0x1;
	s10 =	sld [smem:$0x3FB3]  }
0x3d: {  	_ =	shalt  }
0x3e: {  	_ =	shalt  }
0x3f: {  	_ =	shalt  }
0x40: {  	_ =	shalt  }
0x41: {  	_ =	shalt  }
0x42: {  	_ =	shalt  }
0x43: {  	_ =	shalt  }
0x44: {  	_ =	shalt  }
0x45: {  	_ =	shalt  }
0x46: {  	_ =	shalt  }
0x47: {  	_ =	shalt  }
0x48: {  	_ =	shalt  }
0x49: {  	_ =	shalt  }
0x4a: {  	_ =	shalt  }
0x4b: {  	_ =	shalt  }
0x4c: {  	_ =	shalt  }
0x4d: {  	_ =	shalt  }
0x4e: {  	_ =	shalt  }
0x4f: {  	_ =	shalt  }
0x50: {  	_ =	shalt  }
0x51: {  	_ =	shalt  }
0x52: {  	_ =	shalt  }
0x53: {  	_ =	shalt  }
0x54: {  	_ =	shalt  }
0x55: {  	_ =	shalt  }
0x56: {  	_ =	shalt  }
0x57: {  	_ =	shalt  }
0x58: {  	_ =	shalt  }
0x59: {  	_ =	shalt  }
0x5a: {  	_ =	shalt  }
0x5b: {  	_ =	shalt  }
0x5c: {  	_ =	shalt  }
0x5d: {  	_ =	shalt  }
0x5e: {  	_ =	shalt  }
0x5f: {  	_ =	shalt  }
0x60: {  	_ =	shalt  }
0x61: {  	_ =	shalt  }
0x62: {  	_ =	shalt  }
0x63: {  	_ =	shalt  }
0x64: {  	_ =	shalt  }
0x65: {  	_ =	shalt  }
0x66: {  	_ =	shalt  }
0x67: {  	_ =	shalt  }
0x68: {  	_ =	shalt  }
0x69: {  	_ =	shalt  }
0x6a: {  	_ =	shalt  }
0x6b: {  	_ =	shalt  }
0x6c: {  	_ =	shalt  }
0x6d: {  	_ =	shalt  }
0x6e: {  	_ =	shalt  }
0x6f: {  	_ =	shalt  }
0x70: {  	_ =	shalt  }
0x71: {  	_ =	shalt  }
0x72: {  	_ =	shalt  }
0x73: {  	_ =	shalt  }
0x74: {  	_ =	shalt  }
0x75: {  	_ =	shalt  }
0x76: {  	_ =	shalt  }
0x77: {  	_ =	shalt  }
0x78: {  	_ =	shalt  }
0x79: {  	_ =	shalt  }
0x7a: {  	_ =	shalt  }
0x7b: {  	_ =	shalt  }
0x7c: {  	_ =	shalt  }
0x7d: {  	_ =	shalt  }
0x7e: {  	_ =	shalt  }
0x7f: {  	_ =	shalt  }
0x80: {  	_ =	shalt  }
0x81: {  	_ =	shalt  }
0x82: {  	_ =	shalt  }
0x83: {  	_ =	shalt  }
0x84: {  	_ =	shalt  }
0x85: {  	_ =	shalt  }
0x86: {  	_ =	shalt  }
0x87: {  	_ =	shalt  }
.Lfunc_end0:
.L_simem_size_0:
called_computation.1_lowered:
.L_overlay_start_0:
0x88: {  	s2 =	sld [smem:$0x3FD9]  }
0x89: {  	s3 =	sld [smem:$0x3FFE];
	_ =	sdelay $0x1  }
0x8a: {  	s1 =	srdreg.scid  }
0x8b: {  	s0 =	sand.u32 $0x1, s1  }
0x8c: {  	s17 =	sshll.u32 s0, $0xA;
	s2 =	sadd.s32 s3, s2  }
0x8d: {  	s2 =	sadd.s32 s2, s17  }
0x8e: {  	[smem:$0x3FBF] =	sst s2  }
0x8f: {  	_ = 	snop  }
0x90: {  	(tm) =	ssettm $0x1  }
0x91: {  	s18 =	sld [smem:$0x3FFB];
	_ =	sdelay $0x3  }
0x92: {  	_ =	strace s18  }
0x93: {  	s2 =	sld [smem:$0x3FFC];
	_ =	sdelay $0x3  }
0x94: {  	_ =	strace s2  }
0x95: {  	s2 =	sld [smem:$0x3FFD];
	_ =	sdelay $0x3  }
0x96: {  	_ =	strace s2  }
0x97: {  	_ =	strace $0x8FFFFFFF  }
0x98: {  	s19 =	sld [smem:$0x3FDB];
	_ =	sdelay $0x1  }
0x99: {  	s20 =	simm.s32 $_scs_section_size  }
0x9a: {  	s4 =	simm.s32 $_size__tile_overlayer_lowered;
	s5 =	simm.s32 $_tile_overlayer_lowered  }
0x9b: {  	s6 =	simm.s32 $0x1BFF;
	s21 =	sshll.u32 s5, $0x1;
	s3 =	sadd.s32 s20, s19  }
0x9c: {  	s22 =	simm.s32 $0x0;
	s4 =	sshll.u32 s4, $0x1;
	s5 =	sadd.s32 s21, s3  }
0x9d: {  	[timem:s22], [sflag:s6] =	dma.local [hbm:s5], s4  }
0x9e: {  	_ =	swait.ge [sflag:s6], s4  }
0x9f: {  	s4 =	ssub.s32 $0x0, s4;
	[sflag:s6] =	ssyncset.done $0x0  }
0xa0: {  	[sflag:s6] =	ssyncadd.s32 s4;
	_ =	sdelay $0x1  }
0xa1: {  	s23 =	simm.s32 $0x1B8B  }
0xa2: {  	_ =	swait.ge [sflag:s23], $0x1  }
0xa3: {  	[sflag:s23] =	ssyncset.done $0x0  }
0xa4: {  	[sflag:s23] =	ssyncadd.s32 $0xFFFFFFFF  }
0xa5: {  	s4 =	sld [smem:$0x0]  }
0xa6: {  	s5 =	sand.u32 $0xFFFFFFFE, s1  }
0xa7: {  	p0 =	sne.s32 s1, s5  }
0xa8: {  	s5 =	sshll.u32 @p0 s5, $0xE  }
0xa9: {  	s5 =	sadd.s32 @p0 $0x11B8D, s5;
	s6 =	sshll.u32 @p0 s4, $0x11  }
0xaa: {  	s5 =	sor.u32 @p0 s6, s5  }
0xab: {  	[sflag:s5] =	ssyncadd.remote.s32 @p0 $0x1;
	_ =	sdelay $0x1  }
0xac: {  	s5 =	simm.s32 @p0 $0x1B8D  }
0xad: {  	_ =	swait.eq @p0 [sflag:s5], $0x1  }
0xae: {  	[sflag:s5] =	ssyncadd.s32 @p0 $0xFFFFFFFF  }
0xaf: {  	s6 =	sshll.u32 @!p0 s1, $0xE  }
0xb0: {  	s6 =	sor.u32 @!p0 $0x4000, s6;
	s5 =	simm.s32 @!p0 $0x1B8D  }
0xb1: {  	s4 =	sshll.u32 @!p0 s4, $0x11;
	s6 =	sadd.s32 @!p0 $0x11B8D, s6;
	_ =	swait.eq @!p0 [sflag:s5], $0x1  }
0xb2: {  	s4 =	sor.u32 @!p0 s4, s6;
	[sflag:s5] =	ssyncadd.s32 @!p0 $0xFFFFFFFF  }
0xb3: {  	s25 =	simm.s32 $0x1B8E;
	s24 =	sld [smem:$0x3FFE];
	[sflag:s4] =	ssyncadd.remote.s32 @!p0 $0x1  }
0xb4: {  	s26 =	simm.s32 $execute0_lowered;
	[smem:$0x3FD2] =	sst s25  }
0xb5: {  	s5 =	sshll.u32 s26, $0x1;
	_ =	strace $0x80000049;
	[dreg:$0x1] =	wrdreg $0xFFFFFFFF  }
0xb6: {  	s28 =	simm.s32 $_size_execute0_lowered;
	s3 =	sadd.s32 s3, s5;
	[dreg:$0x0] =	wrdreg $0x0  }
0xb7: {  	s5 =	sshll.u32 s28, $0x1;
	[dreg:$0x2] =	wrdreg s3  }
0xb8: {  	[dreg:$0x3] =	wrdreg s5  }
0xb9: {  	[dreg:$0x4] =	wrdreg $0xC0  }
0xba: {  	_ =	task [dreg:s22], $0x5FFFF  }
0xbb: {  	[dreg:$0x1] =	wrdreg $0xFFFFFFFF  }
0xbc: {  	[dreg:$0x0] =	wrdreg $0x60  }
0xbd: {  	[dreg:$0x2] =	wrdreg s24  }
0xbe: {  	[dreg:$0x3] =	wrdreg $0xA  }
0xbf: {  	_ =	task.clear_ibuf [dreg:s22], $0x4FFFF;
	_ =	strace $0x90000049  }
0xc0: {  	s29 =	simm.s32 $0xA;
	_ =	strace $0x8000004B  }
0xc1: {  	_ =	swait.ge [sflag:s29], $0x1  }
0xc2: {  	[sflag:s29] =	ssyncadd.s32 $0xFFFFFFFF  }
0xc3: {  	_ =	strace $0x9000004B  }
0xc4: {  	_ =	sfence  }
0xc5: {  	s30 =	sld [smem:$0x0];
	_ =	sdelay $0x2  }
0xc6: {  	s31 =	sshll.u32 s1, $0xD;
	s1 =	sshrl.u32 s1, $0x2  }
0xc7: {  	s4 =	sand.u32 $0x4000, s31;
	s1 =	sadd.s32 s1, s30  }
0xc8: {  	s0 =	sor.u32 s4, s0;
	s1 =	sshll.u32 s1, $0x11  }
0xc9: {  	s0 =	sor.u32 s1, s0  }
0xca: {  	s0 =	sadd.s32 $0x8F2B, s0  }
0xcb: {  	[sflag:s0] =	ssyncadd.remote.s32 $0x1  }
0xcc: {  	_ =	sfence.sel $0xFFFF  }
0xcd: {  	[dreg:$0x0] =	wrdreg $0xFFFFFFFF;
	(pc) =	sbr.abs _section_cstart, $3  }
0xce: {  	[dreg:$0x1] =	wrdreg $0xFFFFFFFF  }
0xcf: {  	_ =	task.clear_ibuf [dreg:s22], $0x2FFFF;
	_ =	strace $0x9FFFFFFF  }
0xd0: {  	(tm) =	ssettm $0x7FFFFFFF  }
0xd1: {  	_ =	shalt  }
tec
execute0_lowered:
.L_overlay_start_1:
0x0: {  	(tag) =	ssettag $0x1  }
0x1: {  	s3 =	rddreg [dreg:$0x0];
	s2 =	srdreg.scid  }
0x2: {  	s0 =	rddreg [dreg:$0x1];
	s4 =	sand.u32 $0x1, s2;
	s2 =	simm.s32 $0x0  }
0x3: {  	s26 =	simm.s32 $0xD80;
	[smem:$0x7FF] =	sst s2  }
0x4: {  	s28 =	simm.s32 $0xE00;
	_ =	strace $0x8000004A;
	[dreg:$0x3] =	wrdreg s26  }
0x5: {  	s29 =	simm.s32 $0xE80;
	[dreg:$0x4] =	wrdreg s28  }
0x6: {  	s30 =	simm.s32 $0xF00;
	[dreg:$0x5] =	wrdreg s29  }
0x7: {  	s31 =	simm.s32 $0xF80;
	[dreg:$0x6] =	wrdreg s30  }
0x8: {  	s7 =	simm.s32 $0x1080;
	[dreg:$0x7] =	wrdreg s31  }
0x9: {  	s8 =	simm.s32 $0x1100;
	[dreg:$0x9] =	wrdreg s7  }
0xa: {  	s9 =	simm.s32 $0x1180;
	[dreg:$0xa] =	wrdreg s8  }
0xb: {  	s10 =	simm.s32 $0x1200;
	[dreg:$0xb] =	wrdreg s9  }
0xc: {  	s11 =	simm.s32 $0x1280;
	[dreg:$0xc] =	wrdreg s10  }
0xd: {  	s12 =	simm.s32 $0x1300;
	[dreg:$0xd] =	wrdreg s11  }
0xe: {  	s13 =	simm.s32 $0x1380;
	[dreg:$0xe] =	wrdreg s12  }
0xf: {  	s14 =	simm.s32 $0x1400;
	[dreg:$0xf] =	wrdreg s13  }
0x10: {  	s15 =	simm.s32 $0x1480;
	[dreg:$0x10] =	wrdreg s14  }
0x11: {  	s16 =	simm.s32 $0x1500;
	[dreg:$0x11] =	wrdreg s15  }
0x12: {  	s17 =	simm.s32 $0x1580;
	[dreg:$0x12] =	wrdreg s16  }
0x13: {  	s18 =	simm.s32 $0x1600;
	[dreg:$0x13] =	wrdreg s17  }
0x14: {  	s20 =	simm.s32 $0x1680;
	[dreg:$0x14] =	wrdreg s18  }
0x15: {  	s21 =	simm.s32 $0x1700;
	[dreg:$0x15] =	wrdreg s20  }
0x16: {  	s1 =	stileid.u32;
	s22 =	simm.s32 $0x1780;
	[dreg:$0x16] =	wrdreg s21  }
0x17: {  	s23 =	simm.s32 $0x1800;
	s24 =	simm.s32 $0x1880;
	[dreg:$0x17] =	wrdreg s22  }
0x18: {  	s25 =	simm.s32 $0x1900;
	s5 =	sshll.u32 s1, $0x5;
	[dreg:$0x18] =	wrdreg s23  }
0x19: {  	s5 =	sadd.s32 s5, s3;
	s6 =	sshll.u32 s4, $0x4;
	[dreg:$0x19] =	wrdreg s24  }
0x1a: {  	s5 =	sadd.s32 s6, s5;
	s6 =	simm.s32 $0x1000;
	[dreg:$0x1a] =	wrdreg s25  }
0x1b: {  	s26 =	simm.s32 $0x1980;
	[dreg:$0x8] =	wrdreg s6  }
0x1c: {  	s28 =	simm.s32 $0x1A00;
	[dreg:$0x1b] =	wrdreg s26  }
0x1d: {  	s19 =	sshll.u32 s1, $0x1;
	s29 =	simm.s32 $0x1A80;
	[dreg:$0x1c] =	wrdreg s28  }
0x1e: {  	s30 =	simm.s32 $0x1B00;
	s31 =	simm.s32 $0x1B80;
	[dreg:$0x1d] =	wrdreg s29  }
0x1f: {  	s8 =	simm.s32 $0x1C00;
	s9 =	simm.s32 $0x1C80;
	[dreg:$0x1e] =	wrdreg s30  }
0x20: {  	s10 =	simm.s32 $0x1A000;
	s5 =	sadd.s32 $0x9FDC00, s5;
	[dreg:$0x1f] =	wrdreg s31  }
0x21: {  	s6 =	sor.u32 s4, s19;
	s4 =	ssub.s32 $0x2, s4;
	[smem:$0x7FB] =	sst s8  }
0x22: {  	s8 =	simm.s32 $0xD00;
	[smem:$0x7FC] =	sst s9;
	s9 =	simm.s32 $0x1  }
0x23: {  	[smem:$0x7FD] =	sst s10;
	s6 =	smul.u32 $0x1A0, s6;
	s7 =	sshrl.u32 s4, $0x1  }
0x24: {  	s10 =	simm.s32 $0x0;
	[dreg:$0x2] =	wrdreg s5;
	s7 =	ssub.s32 s4, s7  }
0x25: {  	s6 =	sadd.s32 s6, s3;
	s3 =	sadd.s32 $0xF600, s3;
	s5 =	smax.u32 s7, $0x1  }
0x26: {  	s7 =	simm.s32 $0x80;
	s4 =	sadd.s32 $0x9FA800, s6;
	s6 =	simm.s32 $0x2  }
.LBB2_1:
0x27: {  	[tilespmem:s2], [sflag:$0x2] =	stream.linear.gather [hbm4b:s4+s2], $0xD00, $0x38;
	[tilespmem:$0x1D00] =	vst v63  }
0x28: {  	_ =	swait.ge [sflag:s6], $0xD00  }
0x29: {  	[sflag:s6] =	ssyncset.done $0x0  }
0x2a: {  	s11 =	simm.s32 $0x0;
	s12 =	rddreg [dreg:$0x3];
	[sflag:s6] =	ssyncadd.s32 $0xFFFFF300  }
0x2b: {  	[tilespmem:s8], [sflag:$0x1] =	stream.indirect.gather [hbm4b:s3+s7], $0x1, s11, s7, $0xb8;
	[tilespmem:$0x1D00] =	vst v63  }
0x2c: {  	s13 =	sadd.s32 $0x30D4, s3;
	s14 =	rddreg [dreg:$0x4]  }
0x2d: {  	[tilespmem:s12], [sflag:$0x1] =	stream.indirect.gather [hbm4b:s13+s7], $0x1, s11, s7, $0xb8;
	[tilespmem:$0x1D00] =	vst v63  }
0x2e: {  	s19 =	sadd.s32 $0x61A8, s3;
	s20 =	rddreg [dreg:$0x5]  }
0x2f: {  	[tilespmem:s14], [sflag:$0x1] =	stream.indirect.gather [hbm4b:s19+s7], $0x1, s11, s7, $0xb8;
	[tilespmem:$0x1D00] =	vst v63  }
0x30: {  	s21 =	sadd.s32 $0x927C, s3;
	s22 =	rddreg [dreg:$0x6]  }
0x31: {  	[tilespmem:s20], [sflag:$0x1] =	stream.indirect.gather [hbm4b:s21+s7], $0x1, s11, s7, $0xb8;
	[tilespmem:$0x1D00] =	vst v63  }
0x32: {  	s23 =	sadd.s32 $0xC350, s3;
	s24 =	rddreg [dreg:$0x7]  }
0x33: {  	[tilespmem:s22], [sflag:$0x1] =	stream.indirect.gather [hbm4b:s23+s7], $0x1, s11, s7, $0xb8;
	[tilespmem:$0x1D00] =	vst v63  }
0x34: {  	s25 =	sadd.s32 $0xF424, s3;
	s26 =	rddreg [dreg:$0x8]  }
0x35: {  	[tilespmem:s24], [sflag:$0x1] =	stream.indirect.gather [hbm4b:s25+s7], $0x1, s11, s7, $0xb8;
	[tilespmem:$0x1D00] =	vst v63  }
0x36: {  	s28 =	sadd.s32 $0x124F8, s3;
	s29 =	rddreg [dreg:$0x9]  }
0x37: {  	[tilespmem:s26], [sflag:$0x1] =	stream.indirect.gather [hbm4b:s28+s7], $0x1, s11, s7, $0xb8;
	[tilespmem:$0x1D00] =	vst v63  }
0x38: {  	s30 =	sadd.s32 $0x155CC, s3;
	s31 =	rddreg [dreg:$0xa]  }
0x39: {  	[tilespmem:s29], [sflag:$0x1] =	stream.indirect.gather [hbm4b:s30+s7], $0x1, s11, s7, $0xb8;
	[tilespmem:$0x1D00] =	vst v63  }
0x3a: {  	s15 =	sadd.s32 $0x186A0, s3;
	s16 =	rddreg [dreg:$0xb]  }
0x3b: {  	[tilespmem:s31], [sflag:$0x1] =	stream.indirect.gather [hbm4b:s15+s7], $0x1, s11, s7, $0xb8;
	[tilespmem:$0x1D00] =	vst v63  }
0x3c: {  	s17 =	sadd.s32 $0x1B774, s3;
	s18 =	rddreg [dreg:$0xc]  }
0x3d: {  	[tilespmem:s16], [sflag:$0x1] =	stream.indirect.gather [hbm4b:s17+s7], $0x1, s11, s7, $0xb8;
	[tilespmem:$0x1D00] =	vst v63  }
0x3e: {  	s19 =	sadd.s32 $0x1E848, s3;
	s20 =	rddreg [dreg:$0xd]  }
0x3f: {  	[tilespmem:s18], [sflag:$0x1] =	stream.indirect.gather [hbm4b:s19+s7], $0x1, s11, s7, $0xb8;
	[tilespmem:$0x1D00] =	vst v63  }
0x40: {  	s21 =	sadd.s32 $0x2191C, s3;
	s22 =	rddreg [dreg:$0xe]  }
0x41: {  	[tilespmem:s20], [sflag:$0x1] =	stream.indirect.gather [hbm4b:s21+s7], $0x1, s11, s7, $0xb8;
	[tilespmem:$0x1D00] =	vst v63  }
0x42: {  	s23 =	sadd.s32 $0x249F0, s3;
	s24 =	rddreg [dreg:$0xf]  }
0x43: {  	[tilespmem:s22], [sflag:$0x1] =	stream.indirect.gather [hbm4b:s23+s7], $0x1, s11, s7, $0xb8;
	[tilespmem:$0x1D00] =	vst v63  }
0x44: {  	s25 =	sadd.s32 $0x27AC4, s3;
	s26 =	rddreg [dreg:$0x10]  }
0x45: {  	[tilespmem:s24], [sflag:$0x1] =	stream.indirect.gather [hbm4b:s25+s7], $0x1, s11, s7, $0xb8;
	[tilespmem:$0x1D00] =	vst v63  }
0x46: {  	s28 =	sadd.s32 $0x2AB98, s3;
	s29 =	rddreg [dreg:$0x11]  }
0x47: {  	[tilespmem:s26], [sflag:$0x1] =	stream.indirect.gather [hbm4b:s28+s7], $0x1, s11, s7, $0xb8;
	[tilespmem:$0x1D00] =	vst v63  }
0x48: {  	s30 =	sadd.s32 $0x2DC6C, s3;
	s31 =	rddreg [dreg:$0x12]  }
0x49: {  	[tilespmem:s29], [sflag:$0x1] =	stream.indirect.gather [hbm4b:s30+s7], $0x1, s11, s7, $0xb8;
	[tilespmem:$0x1D00] =	vst v63  }
0x4a: {  	s15 =	sadd.s32 $0x30D40, s3;
	s16 =	rddreg [dreg:$0x13]  }
0x4b: {  	[tilespmem:s31], [sflag:$0x1] =	stream.indirect.gather [hbm4b:s15+s7], $0x1, s11, s7, $0xb8;
	[tilespmem:$0x1D00] =	vst v63  }
0x4c: {  	s17 =	sadd.s32 $0x33E14, s3;
	s18 =	rddreg [dreg:$0x14]  }
0x4d: {  	[tilespmem:s16], [sflag:$0x1] =	stream.indirect.gather [hbm4b:s17+s7], $0x1, s11, s7, $0xb8;
	[tilespmem:$0x1D00] =	vst v63  }
0x4e: {  	s19 =	sadd.s32 $0x36EE8, s3;
	s20 =	rddreg [dreg:$0x15]  }
0x4f: {  	[tilespmem:s18], [sflag:$0x1] =	stream.indirect.gather [hbm4b:s19+s7], $0x1, s11, s7, $0xb8;
	[tilespmem:$0x1D00] =	vst v63  }
0x50: {  	s21 =	sadd.s32 $0x39FBC, s3;
	s22 =	rddreg [dreg:$0x16]  }
0x51: {  	[tilespmem:s20], [sflag:$0x1] =	stream.indirect.gather [hbm4b:s21+s7], $0x1, s11, s7, $0xb8;
	[tilespmem:$0x1D00] =	vst v63  }
0x52: {  	s23 =	sadd.s32 $0x3D090, s3;
	s24 =	rddreg [dreg:$0x17]  }
0x53: {  	[tilespmem:s22], [sflag:$0x1] =	stream.indirect.gather [hbm4b:s23+s7], $0x1, s11, s7, $0xb8;
	[tilespmem:$0x1D00] =	vst v63  }
0x54: {  	s25 =	sadd.s32 $0x40164, s3;
	s26 =	rddreg [dreg:$0x18]  }
0x55: {  	[tilespmem:s24], [sflag:$0x1] =	stream.indirect.gather [hbm4b:s25+s7], $0x1, s11, s7, $0xb8;
	[tilespmem:$0x1D00] =	vst v63  }
0x56: {  	s28 =	sadd.s32 $0x43238, s3;
	s29 =	rddreg [dreg:$0x19]  }
0x57: {  	[tilespmem:s26], [sflag:$0x1] =	stream.indirect.gather [hbm4b:s28+s7], $0x1, s11, s7, $0xb8;
	[tilespmem:$0x1D00] =	vst v63  }
0x58: {  	s30 =	sadd.s32 $0x4630C, s3;
	s31 =	rddreg [dreg:$0x1a]  }
0x59: {  	[tilespmem:s29], [sflag:$0x1] =	stream.indirect.gather [hbm4b:s30+s7], $0x1, s11, s7, $0xb8;
	[tilespmem:$0x1D00] =	vst v63  }
0x5a: {  	s13 =	sadd.s32 $0x493E0, s3;
	s15 =	rddreg [dreg:$0x1b]  }
0x5b: {  	[tilespmem:s31], [sflag:$0x1] =	stream.indirect.gather [hbm4b:s13+s7], $0x1, s11, s7, $0xb8;
	[tilespmem:$0x1D00] =	vst v63  }
0x5c: {  	s16 =	sadd.s32 $0x4C4B4, s3;
	s17 =	rddreg [dreg:$0x1c]  }
0x5d: {  	[tilespmem:s15], [sflag:$0x1] =	stream.indirect.gather [hbm4b:s16+s7], $0x1, s11, s7, $0xb8;
	[tilespmem:$0x1D00] =	vst v63  }
0x5e: {  	s18 =	sadd.s32 $0x4F588, s3;
	s19 =	rddreg [dreg:$0x1d]  }
0x5f: {  	[tilespmem:s17], [sflag:$0x1] =	stream.indirect.gather [hbm4b:s18+s7], $0x1, s11, s7, $0xb8;
	[tilespmem:$0x1D00] =	vst v63  }
0x60: {  	s20 =	sadd.s32 $0x5265C, s3;
	s21 =	rddreg [dreg:$0x1e]  }
0x61: {  	[tilespmem:s19], [sflag:$0x1] =	stream.indirect.gather [hbm4b:s20+s7], $0x1, s11, s7, $0xb8;
	[tilespmem:$0x1D00] =	vst v63  }
0x62: {  	s22 =	sadd.s32 $0x55730, s3;
	s23 =	rddreg [dreg:$0x1f]  }
0x63: {  	[tilespmem:s21], [sflag:$0x1] =	stream.indirect.gather [hbm4b:s22+s7], $0x1, s11, s7, $0xb8;
	[tilespmem:$0x1D00] =	vst v63  }
0x64: {  	s24 =	sadd.s32 $0x58804, s3;
	s25 =	sld [smem:$0x7FB]  }
0x65: {  	[tilespmem:s23], [sflag:$0x1] =	stream.indirect.gather [hbm4b:s24+s7], $0x1, s11, s7, $0xb8;
	[tilespmem:$0x1D00] =	vst v63  }
0x66: {  	s26 =	sadd.s32 $0x5B8D8, s3;
	s28 =	sld [smem:$0x7FC]  }
0x67: {  	[tilespmem:s25], [sflag:$0x1] =	stream.indirect.gather [hbm4b:s26+s7], $0x1, s11, s7, $0xb8;
	[tilespmem:$0x1D00] =	vst v63  }
0x68: {  	s29 =	sadd.s32 $0x5E9AC, s3  }
0x69: {  	[tilespmem:s28], [sflag:$0x1] =	stream.indirect.gather [hbm4b:s29+s7], $0x1, s11, s7, $0xb8;
	[tilespmem:$0x1D00] =	vst v63  }
0x6a: {  	_ =	swait.ge [sflag:s9], $0x80  }
0x6b: {  	[sflag:s9] =	ssyncset.done $0x0  }
0x6c: {  	[sflag:s9] =	ssyncadd.s32 $0xFFFFFF80  }
0x6d: {  	_ =	swait.ge [sflag:s9], $0x80  }
0x6e: {  	[sflag:s9] =	ssyncset.done $0x0  }
0x6f: {  	[sflag:s9] =	ssyncadd.s32 $0xFFFFFF80  }
0x70: {  	_ =	swait.ge [sflag:s9], $0x80  }
0x71: {  	[sflag:s9] =	ssyncset.done $0x0  }
0x72: {  	[sflag:s9] =	ssyncadd.s32 $0xFFFFFF80  }
0x73: {  	_ =	swait.ge [sflag:s9], $0x80  }
0x74: {  	[sflag:s9] =	ssyncset.done $0x0  }
0x75: {  	[sflag:s9] =	ssyncadd.s32 $0xFFFFFF80  }
0x76: {  	_ =	swait.ge [sflag:s9], $0x80  }
0x77: {  	[sflag:s9] =	ssyncset.done $0x0  }
0x78: {  	[sflag:s9] =	ssyncadd.s32 $0xFFFFFF80  }
0x79: {  	_ =	swait.ge [sflag:s9], $0x80  }
0x7a: {  	[sflag:s9] =	ssyncset.done $0x0  }
0x7b: {  	[sflag:s9] =	ssyncadd.s32 $0xFFFFFF80  }
0x7c: {  	_ =	swait.ge [sflag:s9], $0x80  }
0x7d: {  	[sflag:s9] =	ssyncset.done $0x0  }
0x7e: {  	[sflag:s9] =	ssyncadd.s32 $0xFFFFFF80  }
0x7f: {  	_ =	swait.ge [sflag:s9], $0x80  }
0x80: {  	[sflag:s9] =	ssyncset.done $0x0  }
0x81: {  	[sflag:s9] =	ssyncadd.s32 $0xFFFFFF80  }
0x82: {  	_ =	swait.ge [sflag:s9], $0x80  }
0x83: {  	[sflag:s9] =	ssyncset.done $0x0  }
0x84: {  	[sflag:s9] =	ssyncadd.s32 $0xFFFFFF80  }
0x85: {  	_ =	swait.ge [sflag:s9], $0x80  }
0x86: {  	[sflag:s9] =	ssyncset.done $0x0  }
0x87: {  	[sflag:s9] =	ssyncadd.s32 $0xFFFFFF80  }
0x88: {  	_ =	swait.ge [sflag:s9], $0x80  }
0x89: {  	[sflag:s9] =	ssyncset.done $0x0  }
0x8a: {  	[sflag:s9] =	ssyncadd.s32 $0xFFFFFF80  }
0x8b: {  	_ =	swait.ge [sflag:s9], $0x80  }
0x8c: {  	[sflag:s9] =	ssyncset.done $0x0  }
0x8d: {  	[sflag:s9] =	ssyncadd.s32 $0xFFFFFF80  }
0x8e: {  	_ =	swait.ge [sflag:s9], $0x80  }
0x8f: {  	[sflag:s9] =	ssyncset.done $0x0  }
0x90: {  	[sflag:s9] =	ssyncadd.s32 $0xFFFFFF80  }
0x91: {  	_ =	swait.ge [sflag:s9], $0x80  }
0x92: {  	[sflag:s9] =	ssyncset.done $0x0  }
0x93: {  	[sflag:s9] =	ssyncadd.s32 $0xFFFFFF80  }
0x94: {  	_ =	swait.ge [sflag:s9], $0x80  }
0x95: {  	[sflag:s9] =	ssyncset.done $0x0  }
0x96: {  	[sflag:s9] =	ssyncadd.s32 $0xFFFFFF80  }
0x97: {  	_ =	swait.ge [sflag:s9], $0x80  }
0x98: {  	[sflag:s9] =	ssyncset.done $0x0  }
0x99: {  	[sflag:s9] =	ssyncadd.s32 $0xFFFFFF80  }
0x9a: {  	_ =	swait.ge [sflag:s9], $0x80  }
0x9b: {  	[sflag:s9] =	ssyncset.done $0x0  }
0x9c: {  	[sflag:s9] =	ssyncadd.s32 $0xFFFFFF80  }
0x9d: {  	_ =	swait.ge [sflag:s9], $0x80  }
0x9e: {  	[sflag:s9] =	ssyncset.done $0x0  }
0x9f: {  	[sflag:s9] =	ssyncadd.s32 $0xFFFFFF80  }
0xa0: {  	_ =	swait.ge [sflag:s9], $0x80  }
0xa1: {  	[sflag:s9] =	ssyncset.done $0x0  }
0xa2: {  	[sflag:s9] =	ssyncadd.s32 $0xFFFFFF80  }
0xa3: {  	_ =	swait.ge [sflag:s9], $0x80  }
0xa4: {  	[sflag:s9] =	ssyncset.done $0x0  }
0xa5: {  	[sflag:s9] =	ssyncadd.s32 $0xFFFFFF80  }
0xa6: {  	_ =	swait.ge [sflag:s9], $0x80  }
0xa7: {  	[sflag:s9] =	ssyncset.done $0x0  }
0xa8: {  	[sflag:s9] =	ssyncadd.s32 $0xFFFFFF80  }
0xa9: {  	_ =	swait.ge [sflag:s9], $0x80  }
0xaa: {  	[sflag:s9] =	ssyncset.done $0x0  }
0xab: {  	[sflag:s9] =	ssyncadd.s32 $0xFFFFFF80  }
0xac: {  	_ =	swait.ge [sflag:s9], $0x80  }
0xad: {  	[sflag:s9] =	ssyncset.done $0x0  }
0xae: {  	[sflag:s9] =	ssyncadd.s32 $0xFFFFFF80  }
0xaf: {  	_ =	swait.ge [sflag:s9], $0x80  }
0xb0: {  	[sflag:s9] =	ssyncset.done $0x0  }
0xb1: {  	[sflag:s9] =	ssyncadd.s32 $0xFFFFFF80  }
0xb2: {  	_ =	swait.ge [sflag:s9], $0x80  }
0xb3: {  	[sflag:s9] =	ssyncset.done $0x0  }
0xb4: {  	[sflag:s9] =	ssyncadd.s32 $0xFFFFFF80  }
0xb5: {  	_ =	swait.ge [sflag:s9], $0x80  }
0xb6: {  	[sflag:s9] =	ssyncset.done $0x0  }
0xb7: {  	[sflag:s9] =	ssyncadd.s32 $0xFFFFFF80  }
0xb8: {  	_ =	swait.ge [sflag:s9], $0x80  }
0xb9: {  	[sflag:s9] =	ssyncset.done $0x0  }
0xba: {  	[sflag:s9] =	ssyncadd.s32 $0xFFFFFF80  }
0xbb: {  	_ =	swait.ge [sflag:s9], $0x80  }
0xbc: {  	[sflag:s9] =	ssyncset.done $0x0  }
0xbd: {  	[sflag:s9] =	ssyncadd.s32 $0xFFFFFF80  }
0xbe: {  	_ =	swait.ge [sflag:s9], $0x80  }
0xbf: {  	[sflag:s9] =	ssyncset.done $0x0  }
0xc0: {  	[sflag:s9] =	ssyncadd.s32 $0xFFFFFF80  }
0xc1: {  	_ =	swait.ge [sflag:s9], $0x80  }
0xc2: {  	[sflag:s9] =	ssyncset.done $0x0  }
0xc3: {  	[sflag:s9] =	ssyncadd.s32 $0xFFFFFF80  }
0xc4: {  	_ =	swait.ge [sflag:s9], $0x80  }
0xc5: {  	[sflag:s9] =	ssyncset.done $0x0  }
0xc6: {  	[sflag:s9] =	ssyncadd.s32 $0xFFFFFF80  }
0xc7: {  	_ =	swait.ge [sflag:s9], $0x80  }
0xc8: {  	s31 =	sld [smem:$0x7FD]  }
0xc9: {  	s30 =	rddreg [dreg:$0x2];
	[sflag:s9] =	ssyncset.done $0x0  }
0xca: {  	[sflag:s9] =	ssyncadd.s32 $0xFFFFFF80;
	s11 =	sadd.s32 $0x0, s30  }
0xcb: {  	[hbm4b:s11+s7] =	stream.strided.scatter [tilespmem:s8], [sflag:$0x2], $0x1000, s31, s7, $0x38;
	[tilespmem:$0x1D00] =	vst v63  }
0xcc: {  	s12 =	simm.s32 $0x80;
	s13 =	sadd.s32 $0x61A80, s3;
	_ =	swait.ge [sflag:s6], $0x1000  }
0xcd: {  	s17 =	simm.s32 $0x400;
	s11 =	simm.s32 $0x200;
	[sflag:s6] =	ssyncset.done $0x0  }
.LBB2_2:
0xce: {  	s18 =	rddreg [dreg:$0x3];
	[sflag:s6] =	ssyncadd.s32 $0xFFFFF000  }
0xcf: {  	[tilespmem:s8], [sflag:$0x1] =	stream.indirect.gather [hbm4b:s13+s7], $0x1, s12, s7, $0xb8;
	[tilespmem:$0x1D00] =	vst v63  }
0xd0: {  	s19 =	sadd.s32 $0x30D4, s13;
	s20 =	rddreg [dreg:$0x4]  }
0xd1: {  	[tilespmem:s18], [sflag:$0x1] =	stream.indirect.gather [hbm4b:s19+s7], $0x1, s12, s7, $0xb8;
	[tilespmem:$0x1D00] =	vst v63  }
0xd2: {  	s30 =	sadd.s32 $0x61A8, s13;
	s31 =	rddreg [dreg:$0x5]  }
0xd3: {  	[tilespmem:s20], [sflag:$0x1] =	stream.indirect.gather [hbm4b:s30+s7], $0x1, s12, s7, $0xb8;
	[tilespmem:$0x1D00] =	vst v63  }
0xd4: {  	s22 =	rddreg [dreg:$0x7];
	s19 =	sadd.s32 $0x927C, s13  }
0xd5: {  	[tilespmem:s31], [sflag:$0x1] =	stream.indirect.gather [hbm4b:s19+s7], $0x1, s12, s7, $0xb8;
	[tilespmem:$0x1D00] =	vst v63  }
0xd6: {  	s21 =	sadd.s32 $0xC350, s13;
	s20 =	rddreg [dreg:$0x6]  }
0xd7: {  	[tilespmem:s20], [sflag:$0x1] =	stream.indirect.gather [hbm4b:s21+s7], $0x1, s12, s7, $0xb8;
	[tilespmem:$0x1D00] =	vst v63  }
0xd8: {  	s23 =	sadd.s32 $0xF424, s13;
	s24 =	rddreg [dreg:$0x8]  }
0xd9: {  	[tilespmem:s22], [sflag:$0x1] =	stream.indirect.gather [hbm4b:s23+s7], $0x1, s12, s7, $0xb8;
	[tilespmem:$0x1D00] =	vst v63  }
0xda: {  	s25 =	sadd.s32 $0x124F8, s13;
	s26 =	rddreg [dreg:$0x9]  }
0xdb: {  	[tilespmem:s24], [sflag:$0x1] =	stream.indirect.gather [hbm4b:s25+s7], $0x1, s12, s7, $0xb8;
	[tilespmem:$0x1D00] =	vst v63  }
0xdc: {  	s28 =	sadd.s32 $0x155CC, s13;
	s29 =	rddreg [dreg:$0xa]  }
0xdd: {  	[tilespmem:s26], [sflag:$0x1] =	stream.indirect.gather [hbm4b:s28+s7], $0x1, s12, s7, $0xb8;
	[tilespmem:$0x1D00] =	vst v63  }
0xde: {  	s30 =	sadd.s32 $0x186A0, s13;
	s31 =	rddreg [dreg:$0xb]  }
0xdf: {  	[tilespmem:s29], [sflag:$0x1] =	stream.indirect.gather [hbm4b:s30+s7], $0x1, s12, s7, $0xb8;
	[tilespmem:$0x1D00] =	vst v63  }
0xe0: {  	s19 =	sadd.s32 $0x1B774, s13;
	s20 =	rddreg [dreg:$0xc]  }
0xe1: {  	[tilespmem:s31], [sflag:$0x1] =	stream.indirect.gather [hbm4b:s19+s7], $0x1, s12, s7, $0xb8;
	[tilespmem:$0x1D00] =	vst v63  }
0xe2: {  	s21 =	sadd.s32 $0x1E848, s13;
	s22 =	rddreg [dreg:$0xd]  }
0xe3: {  	[tilespmem:s20], [sflag:$0x1] =	stream.indirect.gather [hbm4b:s21+s7], $0x1, s12, s7, $0xb8;
	[tilespmem:$0x1D00] =	vst v63  }
0xe4: {  	s23 =	sadd.s32 $0x2191C, s13;
	s24 =	rddreg [dreg:$0xe]  }
0xe5: {  	[tilespmem:s22], [sflag:$0x1] =	stream.indirect.gather [hbm4b:s23+s7], $0x1, s12, s7, $0xb8;
	[tilespmem:$0x1D00] =	vst v63  }
0xe6: {  	s25 =	sadd.s32 $0x249F0, s13;
	s26 =	rddreg [dreg:$0xf]  }
0xe7: {  	[tilespmem:s24], [sflag:$0x1] =	stream.indirect.gather [hbm4b:s25+s7], $0x1, s12, s7, $0xb8;
	[tilespmem:$0x1D00] =	vst v63  }
0xe8: {  	s28 =	sadd.s32 $0x27AC4, s13;
	s29 =	rddreg [dreg:$0x10]  }
0xe9: {  	[tilespmem:s26], [sflag:$0x1] =	stream.indirect.gather [hbm4b:s28+s7], $0x1, s12, s7, $0xb8;
	[tilespmem:$0x1D00] =	vst v63  }
0xea: {  	s30 =	sadd.s32 $0x2AB98, s13;
	s31 =	rddreg [dreg:$0x11]  }
0xeb: {  	[tilespmem:s29], [sflag:$0x1] =	stream.indirect.gather [hbm4b:s30+s7], $0x1, s12, s7, $0xb8;
	[tilespmem:$0x1D00] =	vst v63  }
0xec: {  	s19 =	sadd.s32 $0x2DC6C, s13;
	s20 =	rddreg [dreg:$0x12]  }
0xed: {  	[tilespmem:s31], [sflag:$0x1] =	stream.indirect.gather [hbm4b:s19+s7], $0x1, s12, s7, $0xb8;
	[tilespmem:$0x1D00] =	vst v63  }
0xee: {  	s21 =	sadd.s32 $0x30D40, s13;
	s22 =	rddreg [dreg:$0x13]  }
0xef: {  	[tilespmem:s20], [sflag:$0x1] =	stream.indirect.gather [hbm4b:s21+s7], $0x1, s12, s7, $0xb8;
	[tilespmem:$0x1D00] =	vst v63  }
0xf0: {  	s23 =	sadd.s32 $0x33E14, s13;
	s24 =	rddreg [dreg:$0x14]  }
0xf1: {  	[tilespmem:s22], [sflag:$0x1] =	stream.indirect.gather [hbm4b:s23+s7], $0x1, s12, s7, $0xb8;
	[tilespmem:$0x1D00] =	vst v63  }
0xf2: {  	s25 =	sadd.s32 $0x36EE8, s13;
	s26 =	rddreg [dreg:$0x15]  }
0xf3: {  	[tilespmem:s24], [sflag:$0x1] =	stream.indirect.gather [hbm4b:s25+s7], $0x1, s12, s7, $0xb8;
	[tilespmem:$0x1D00] =	vst v63  }
0xf4: {  	s28 =	sadd.s32 $0x39FBC, s13;
	s29 =	rddreg [dreg:$0x16]  }
0xf5: {  	[tilespmem:s26], [sflag:$0x1] =	stream.indirect.gather [hbm4b:s28+s7], $0x1, s12, s7, $0xb8;
	[tilespmem:$0x1D00] =	vst v63  }
0xf6: {  	s30 =	sadd.s32 $0x3D090, s13;
	s31 =	rddreg [dreg:$0x17]  }
0xf7: {  	[tilespmem:s29], [sflag:$0x1] =	stream.indirect.gather [hbm4b:s30+s7], $0x1, s12, s7, $0xb8;
	[tilespmem:$0x1D00] =	vst v63  }
0xf8: {  	s19 =	sadd.s32 $0x40164, s13;
	s20 =	rddreg [dreg:$0x18]  }
0xf9: {  	[tilespmem:s31], [sflag:$0x1] =	stream.indirect.gather [hbm4b:s19+s7], $0x1, s12, s7, $0xb8;
	[tilespmem:$0x1D00] =	vst v63  }
0xfa: {  	s21 =	sadd.s32 $0x43238, s13;
	s22 =	rddreg [dreg:$0x19]  }
0xfb: {  	[tilespmem:s20], [sflag:$0x1] =	stream.indirect.gather [hbm4b:s21+s7], $0x1, s12, s7, $0xb8;
	[tilespmem:$0x1D00] =	vst v63  }
0xfc: {  	s23 =	sadd.s32 $0x4630C, s13;
	s24 =	rddreg [dreg:$0x1a]  }
0xfd: {  	[tilespmem:s22], [sflag:$0x1] =	stream.indirect.gather [hbm4b:s23+s7], $0x1, s12, s7, $0xb8;
	[tilespmem:$0x1D00] =	vst v63  }
0xfe: {  	s25 =	sadd.s32 $0x493E0, s13;
	s26 =	rddreg [dreg:$0x1b]  }
0xff: {  	[tilespmem:s24], [sflag:$0x1] =	stream.indirect.gather [hbm4b:s25+s7], $0x1, s12, s7, $0xb8;
	[tilespmem:$0x1D00] =	vst v63  }
0x100: {  	s28 =	sadd.s32 $0x4C4B4, s13;
	s29 =	rddreg [dreg:$0x1c]  }
0x101: {  	[tilespmem:s26], [sflag:$0x1] =	stream.indirect.gather [hbm4b:s28+s7], $0x1, s12, s7, $0xb8;
	[tilespmem:$0x1D00] =	vst v63  }
0x102: {  	s30 =	sadd.s32 $0x4F588, s13;
	s31 =	rddreg [dreg:$0x1d]  }
0x103: {  	[tilespmem:s29], [sflag:$0x1] =	stream.indirect.gather [hbm4b:s30+s7], $0x1, s12, s7, $0xb8;
	[tilespmem:$0x1D00] =	vst v63  }
0x104: {  	s20 =	sadd.s32 $0x5265C, s13;
	s21 =	rddreg [dreg:$0x1e]  }
0x105: {  	[tilespmem:s31], [sflag:$0x1] =	stream.indirect.gather [hbm4b:s20+s7], $0x1, s12, s7, $0xb8;
	[tilespmem:$0x1D00] =	vst v63  }
0x106: {  	s22 =	sadd.s32 $0x55730, s13;
	s23 =	rddreg [dreg:$0x1f]  }
0x107: {  	[tilespmem:s21], [sflag:$0x1] =	stream.indirect.gather [hbm4b:s22+s7], $0x1, s12, s7, $0xb8;
	[tilespmem:$0x1D00] =	vst v63  }
0x108: {  	s24 =	sadd.s32 $0x58804, s13;
	s25 =	sld [smem:$0x7FB]  }
0x109: {  	[tilespmem:s23], [sflag:$0x1] =	stream.indirect.gather [hbm4b:s24+s7], $0x1, s12, s7, $0xb8;
	[tilespmem:$0x1D00] =	vst v63  }
0x10a: {  	s26 =	sadd.s32 $0x5B8D8, s13;
	s28 =	sld [smem:$0x7FC]  }
0x10b: {  	[tilespmem:s25], [sflag:$0x1] =	stream.indirect.gather [hbm4b:s26+s7], $0x1, s12, s7, $0xb8;
	[tilespmem:$0x1D00] =	vst v63  }
0x10c: {  	s29 =	sadd.s32 $0x5E9AC, s13  }
0x10d: {  	[tilespmem:s28], [sflag:$0x1] =	stream.indirect.gather [hbm4b:s29+s7], $0x1, s12, s7, $0xb8;
	[tilespmem:$0x1D00] =	vst v63  }
0x10e: {  	_ =	swait.ge [sflag:s9], $0x80  }
0x10f: {  	[sflag:s9] =	ssyncset.done $0x0  }
0x110: {  	[sflag:s9] =	ssyncadd.s32 $0xFFFFFF80  }
0x111: {  	_ =	swait.ge [sflag:s9], $0x80  }
0x112: {  	[sflag:s9] =	ssyncset.done $0x0  }
0x113: {  	[sflag:s9] =	ssyncadd.s32 $0xFFFFFF80  }
0x114: {  	_ =	swait.ge [sflag:s9], $0x80  }
0x115: {  	[sflag:s9] =	ssyncset.done $0x0  }
0x116: {  	[sflag:s9] =	ssyncadd.s32 $0xFFFFFF80  }
0x117: {  	_ =	swait.ge [sflag:s9], $0x80  }
0x118: {  	[sflag:s9] =	ssyncset.done $0x0  }
0x119: {  	[sflag:s9] =	ssyncadd.s32 $0xFFFFFF80  }
0x11a: {  	_ =	swait.ge [sflag:s9], $0x80  }
0x11b: {  	[sflag:s9] =	ssyncset.done $0x0  }
0x11c: {  	[sflag:s9] =	ssyncadd.s32 $0xFFFFFF80  }
0x11d: {  	_ =	swait.ge [sflag:s9], $0x80  }
0x11e: {  	[sflag:s9] =	ssyncset.done $0x0  }
0x11f: {  	[sflag:s9] =	ssyncadd.s32 $0xFFFFFF80  }
0x120: {  	_ =	swait.ge [sflag:s9], $0x80  }
0x121: {  	[sflag:s9] =	ssyncset.done $0x0  }
0x122: {  	[sflag:s9] =	ssyncadd.s32 $0xFFFFFF80  }
0x123: {  	_ =	swait.ge [sflag:s9], $0x80  }
0x124: {  	[sflag:s9] =	ssyncset.done $0x0  }
0x125: {  	[sflag:s9] =	ssyncadd.s32 $0xFFFFFF80  }
0x126: {  	_ =	swait.ge [sflag:s9], $0x80  }
0x127: {  	[sflag:s9] =	ssyncset.done $0x0  }
0x128: {  	[sflag:s9] =	ssyncadd.s32 $0xFFFFFF80  }
0x129: {  	_ =	swait.ge [sflag:s9], $0x80  }
0x12a: {  	[sflag:s9] =	ssyncset.done $0x0  }
0x12b: {  	[sflag:s9] =	ssyncadd.s32 $0xFFFFFF80  }
0x12c: {  	_ =	swait.ge [sflag:s9], $0x80  }
0x12d: {  	[sflag:s9] =	ssyncset.done $0x0  }
0x12e: {  	[sflag:s9] =	ssyncadd.s32 $0xFFFFFF80  }
0x12f: {  	_ =	swait.ge [sflag:s9], $0x80  }
0x130: {  	[sflag:s9] =	ssyncset.done $0x0  }
0x131: {  	[sflag:s9] =	ssyncadd.s32 $0xFFFFFF80  }
0x132: {  	_ =	swait.ge [sflag:s9], $0x80  }
0x133: {  	[sflag:s9] =	ssyncset.done $0x0  }
0x134: {  	[sflag:s9] =	ssyncadd.s32 $0xFFFFFF80  }
0x135: {  	_ =	swait.ge [sflag:s9], $0x80  }
0x136: {  	[sflag:s9] =	ssyncset.done $0x0  }
0x137: {  	[sflag:s9] =	ssyncadd.s32 $0xFFFFFF80  }
0x138: {  	_ =	swait.ge [sflag:s9], $0x80  }
0x139: {  	[sflag:s9] =	ssyncset.done $0x0  }
0x13a: {  	[sflag:s9] =	ssyncadd.s32 $0xFFFFFF80  }
0x13b: {  	_ =	swait.ge [sflag:s9], $0x80  }
0x13c: {  	[sflag:s9] =	ssyncset.done $0x0  }
0x13d: {  	[sflag:s9] =	ssyncadd.s32 $0xFFFFFF80  }
0x13e: {  	_ =	swait.ge [sflag:s9], $0x80  }
0x13f: {  	[sflag:s9] =	ssyncset.done $0x0  }
0x140: {  	[sflag:s9] =	ssyncadd.s32 $0xFFFFFF80  }
0x141: {  	_ =	swait.ge [sflag:s9], $0x80  }
0x142: {  	[sflag:s9] =	ssyncset.done $0x0  }
0x143: {  	[sflag:s9] =	ssyncadd.s32 $0xFFFFFF80  }
0x144: {  	_ =	swait.ge [sflag:s9], $0x80  }
0x145: {  	[sflag:s9] =	ssyncset.done $0x0  }
0x146: {  	[sflag:s9] =	ssyncadd.s32 $0xFFFFFF80  }
0x147: {  	_ =	swait.ge [sflag:s9], $0x80  }
0x148: {  	[sflag:s9] =	ssyncset.done $0x0  }
0x149: {  	[sflag:s9] =	ssyncadd.s32 $0xFFFFFF80  }
0x14a: {  	_ =	swait.ge [sflag:s9], $0x80  }
0x14b: {  	[sflag:s9] =	ssyncset.done $0x0  }
0x14c: {  	[sflag:s9] =	ssyncadd.s32 $0xFFFFFF80  }
0x14d: {  	_ =	swait.ge [sflag:s9], $0x80  }
0x14e: {  	[sflag:s9] =	ssyncset.done $0x0  }
0x14f: {  	[sflag:s9] =	ssyncadd.s32 $0xFFFFFF80  }
0x150: {  	_ =	swait.ge [sflag:s9], $0x80  }
0x151: {  	[sflag:s9] =	ssyncset.done $0x0  }
0x152: {  	[sflag:s9] =	ssyncadd.s32 $0xFFFFFF80  }
0x153: {  	_ =	swait.ge [sflag:s9], $0x80  }
0x154: {  	[sflag:s9] =	ssyncset.done $0x0  }
0x155: {  	[sflag:s9] =	ssyncadd.s32 $0xFFFFFF80  }
0x156: {  	_ =	swait.ge [sflag:s9], $0x80  }
0x157: {  	[sflag:s9] =	ssyncset.done $0x0  }
0x158: {  	[sflag:s9] =	ssyncadd.s32 $0xFFFFFF80  }
0x159: {  	_ =	swait.ge [sflag:s9], $0x80  }
0x15a: {  	[sflag:s9] =	ssyncset.done $0x0  }
0x15b: {  	[sflag:s9] =	ssyncadd.s32 $0xFFFFFF80  }
0x15c: {  	_ =	swait.ge [sflag:s9], $0x80  }
0x15d: {  	[sflag:s9] =	ssyncset.done $0x0  }
0x15e: {  	[sflag:s9] =	ssyncadd.s32 $0xFFFFFF80  }
0x15f: {  	_ =	swait.ge [sflag:s9], $0x80  }
0x160: {  	[sflag:s9] =	ssyncset.done $0x0  }
0x161: {  	[sflag:s9] =	ssyncadd.s32 $0xFFFFFF80  }
0x162: {  	_ =	swait.ge [sflag:s9], $0x80  }
0x163: {  	[sflag:s9] =	ssyncset.done $0x0  }
0x164: {  	[sflag:s9] =	ssyncadd.s32 $0xFFFFFF80  }
0x165: {  	_ =	swait.ge [sflag:s9], $0x80  }
0x166: {  	[sflag:s9] =	ssyncset.done $0x0  }
0x167: {  	[sflag:s9] =	ssyncadd.s32 $0xFFFFFF80  }
0x168: {  	_ =	swait.ge [sflag:s9], $0x80  }
0x169: {  	[sflag:s9] =	ssyncset.done $0x0  }
0x16a: {  	[sflag:s9] =	ssyncadd.s32 $0xFFFFFF80  }
0x16b: {  	s16 =	sshra.s32 s17, $0x2;
	_ =	swait.ge [sflag:s9], $0x80  }
0x16c: {  	s14 =	sadd.s32 $0x200, s17;
	p0 =	sne.s32 s17, $0x3200;
	s31 =	sld [smem:$0x7FD]  }
.Ltmp0:
0x16d: {  	s30 =	rddreg [dreg:$0x2];
	[sflag:s9] =	ssyncset.done $0x0;
	(pc) =	sbr.rel @p0 .LBB2_2-.Ltmp0, $4  }
0x16e: {  	s12 =	smov.u32 s16;
	[sflag:s9] =	ssyncadd.s32 $0xFFFFFF80;
	s16 =	sadd.s32 s11, s30  }
0x16f: {  	[hbm4b:s16+s7] =	stream.strided.scatter [tilespmem:s8], [sflag:$0x2], $0x1000, s31, s7, $0x38;
	[tilespmem:$0x1D00] =	vst v63  }
0x170: {  	s15 =	smov.u32 s17;
	s17 =	smov.u32 s14;
	_ =	swait.ge [sflag:s6], $0x1000  }
0x171: {  	s13 =	sadd.s32 $0x61A80, s13;
	s11 =	smov.u32 s15;
	[sflag:s6] =	ssyncset.done $0x0  }
0x172: {  	s14 =	rddreg [dreg:$0x3];
	[sflag:s6] =	ssyncadd.s32 $0xFFFFF000  }
0x173: {  	[tilespmem:s8], [sflag:$0x1] =	stream.indirect.gather [hbm4b:s13+s7], $0x1, s12, s7, $0xb8;
	[tilespmem:$0x1D00] =	vst v63  }
0x174: {  	s15 =	sadd.s32 $0x30D4, s13;
	s16 =	rddreg [dreg:$0x4]  }
0x175: {  	[tilespmem:s14], [sflag:$0x1] =	stream.indirect.gather [hbm4b:s15+s7], $0x1, s12, s7, $0xb8;
	[tilespmem:$0x1D00] =	vst v63  }
0x176: {  	s28 =	sadd.s32 $0x61A8, s13;
	s29 =	rddreg [dreg:$0x5]  }
0x177: {  	[tilespmem:s16], [sflag:$0x1] =	stream.indirect.gather [hbm4b:s28+s7], $0x1, s12, s7, $0xb8;
	[tilespmem:$0x1D00] =	vst v63  }
0x178: {  	s30 =	sadd.s32 $0x927C, s13;
	s31 =	rddreg [dreg:$0x6]  }
0x179: {  	[tilespmem:s29], [sflag:$0x1] =	stream.indirect.gather [hbm4b:s30+s7], $0x1, s12, s7, $0xb8;
	[tilespmem:$0x1D00] =	vst v63  }
0x17a: {  	s17 =	sadd.s32 $0xC350, s13;
	s18 =	rddreg [dreg:$0x7]  }
0x17b: {  	[tilespmem:s31], [sflag:$0x1] =	stream.indirect.gather [hbm4b:s17+s7], $0x1, s12, s7, $0xb8;
	[tilespmem:$0x1D00] =	vst v63  }
0x17c: {  	s19 =	sadd.s32 $0xF424, s13;
	s20 =	rddreg [dreg:$0x8]  }
0x17d: {  	[tilespmem:s18], [sflag:$0x1] =	stream.indirect.gather [hbm4b:s19+s7], $0x1, s12, s7, $0xb8;
	[tilespmem:$0x1D00] =	vst v63  }
0x17e: {  	s21 =	sadd.s32 $0x124F8, s13;
	s22 =	rddreg [dreg:$0x9]  }
0x17f: {  	[tilespmem:s20], [sflag:$0x1] =	stream.indirect.gather [hbm4b:s21+s7], $0x1, s12, s7, $0xb8;
	[tilespmem:$0x1D00] =	vst v63  }
0x180: {  	s23 =	sadd.s32 $0x155CC, s13;
	s24 =	rddreg [dreg:$0xa]  }
0x181: {  	[tilespmem:s22], [sflag:$0x1] =	stream.indirect.gather [hbm4b:s23+s7], $0x1, s12, s7, $0xb8;
	[tilespmem:$0x1D00] =	vst v63  }
0x182: {  	s25 =	sadd.s32 $0x186A0, s13;
	s26 =	rddreg [dreg:$0xb]  }
0x183: {  	[tilespmem:s24], [sflag:$0x1] =	stream.indirect.gather [hbm4b:s25+s7], $0x1, s12, s7, $0xb8;
	[tilespmem:$0x1D00] =	vst v63  }
0x184: {  	s28 =	sadd.s32 $0x1B774, s13;
	s29 =	rddreg [dreg:$0xc]  }
0x185: {  	[tilespmem:s26], [sflag:$0x1] =	stream.indirect.gather [hbm4b:s28+s7], $0x1, s12, s7, $0xb8;
	[tilespmem:$0x1D00] =	vst v63  }
0x186: {  	s30 =	sadd.s32 $0x1E848, s13;
	s31 =	rddreg [dreg:$0xd]  }
0x187: {  	[tilespmem:s29], [sflag:$0x1] =	stream.indirect.gather [hbm4b:s30+s7], $0x1, s12, s7, $0xb8;
	[tilespmem:$0x1D00] =	vst v63  }
0x188: {  	s17 =	sadd.s32 $0x2191C, s13;
	s18 =	rddreg [dreg:$0xe]  }
0x189: {  	[tilespmem:s31], [sflag:$0x1] =	stream.indirect.gather [hbm4b:s17+s7], $0x1, s12, s7, $0xb8;
	[tilespmem:$0x1D00] =	vst v63  }
0x18a: {  	s19 =	sadd.s32 $0x249F0, s13;
	s20 =	rddreg [dreg:$0xf]  }
0x18b: {  	[tilespmem:s18], [sflag:$0x1] =	stream.indirect.gather [hbm4b:s19+s7], $0x1, s12, s7, $0xb8;
	[tilespmem:$0x1D00] =	vst v63  }
0x18c: {  	s21 =	sadd.s32 $0x27AC4, s13;
	s22 =	rddreg [dreg:$0x10]  }
0x18d: {  	[tilespmem:s20], [sflag:$0x1] =	stream.indirect.gather [hbm4b:s21+s7], $0x1, s12, s7, $0xb8;
	[tilespmem:$0x1D00] =	vst v63  }
0x18e: {  	s23 =	sadd.s32 $0x2AB98, s13;
	s24 =	rddreg [dreg:$0x11]  }
0x18f: {  	[tilespmem:s22], [sflag:$0x1] =	stream.indirect.gather [hbm4b:s23+s7], $0x1, s12, s7, $0xb8;
	[tilespmem:$0x1D00] =	vst v63  }
0x190: {  	s25 =	sadd.s32 $0x2DC6C, s13;
	s26 =	rddreg [dreg:$0x12]  }
0x191: {  	[tilespmem:s24], [sflag:$0x1] =	stream.indirect.gather [hbm4b:s25+s7], $0x1, s12, s7, $0xb8;
	[tilespmem:$0x1D00] =	vst v63  }
0x192: {  	s28 =	sadd.s32 $0x30D40, s13;
	s29 =	rddreg [dreg:$0x13]  }
0x193: {  	[tilespmem:s26], [sflag:$0x1] =	stream.indirect.gather [hbm4b:s28+s7], $0x1, s12, s7, $0xb8;
	[tilespmem:$0x1D00] =	vst v63  }
0x194: {  	s30 =	sadd.s32 $0x33E14, s13;
	s31 =	rddreg [dreg:$0x14]  }
0x195: {  	[tilespmem:s29], [sflag:$0x1] =	stream.indirect.gather [hbm4b:s30+s7], $0x1, s12, s7, $0xb8;
	[tilespmem:$0x1D00] =	vst v63  }
0x196: {  	s17 =	sadd.s32 $0x36EE8, s13;
	s18 =	rddreg [dreg:$0x15]  }
0x197: {  	[tilespmem:s31], [sflag:$0x1] =	stream.indirect.gather [hbm4b:s17+s7], $0x1, s12, s7, $0xb8;
	[tilespmem:$0x1D00] =	vst v63  }
0x198: {  	s19 =	sadd.s32 $0x39FBC, s13;
	s20 =	rddreg [dreg:$0x16]  }
0x199: {  	[tilespmem:s18], [sflag:$0x1] =	stream.indirect.gather [hbm4b:s19+s7], $0x1, s12, s7, $0xb8;
	[tilespmem:$0x1D00] =	vst v63  }
0x19a: {  	s21 =	sadd.s32 $0x3D090, s13;
	s22 =	rddreg [dreg:$0x17]  }
0x19b: {  	[tilespmem:s20], [sflag:$0x1] =	stream.indirect.gather [hbm4b:s21+s7], $0x1, s12, s7, $0xb8;
	[tilespmem:$0x1D00] =	vst v63  }
0x19c: {  	s23 =	sadd.s32 $0x40164, s13;
	s24 =	rddreg [dreg:$0x18]  }
0x19d: {  	[tilespmem:s22], [sflag:$0x1] =	stream.indirect.gather [hbm4b:s23+s7], $0x1, s12, s7, $0xb8;
	[tilespmem:$0x1D00] =	vst v63  }
0x19e: {  	s25 =	sadd.s32 $0x43238, s13;
	s26 =	rddreg [dreg:$0x19]  }
0x19f: {  	[tilespmem:s24], [sflag:$0x1] =	stream.indirect.gather [hbm4b:s25+s7], $0x1, s12, s7, $0xb8;
	[tilespmem:$0x1D00] =	vst v63  }
0x1a0: {  	s28 =	sadd.s32 $0x4630C, s13;
	s29 =	rddreg [dreg:$0x1a]  }
0x1a1: {  	[tilespmem:s26], [sflag:$0x1] =	stream.indirect.gather [hbm4b:s28+s7], $0x1, s12, s7, $0xb8;
	[tilespmem:$0x1D00] =	vst v63  }
0x1a2: {  	s30 =	sadd.s32 $0x493E0, s13;
	s31 =	rddreg [dreg:$0x1b]  }
0x1a3: {  	[tilespmem:s29], [sflag:$0x1] =	stream.indirect.gather [hbm4b:s30+s7], $0x1, s12, s7, $0xb8;
	[tilespmem:$0x1D00] =	vst v63  }
0x1a4: {  	s16 =	sadd.s32 $0x4C4B4, s13;
	s17 =	rddreg [dreg:$0x1c]  }
0x1a5: {  	[tilespmem:s31], [sflag:$0x1] =	stream.indirect.gather [hbm4b:s16+s7], $0x1, s12, s7, $0xb8;
	[tilespmem:$0x1D00] =	vst v63  }
0x1a6: {  	s18 =	sadd.s32 $0x4F588, s13;
	s19 =	rddreg [dreg:$0x1d]  }
0x1a7: {  	[tilespmem:s17], [sflag:$0x1] =	stream.indirect.gather [hbm4b:s18+s7], $0x1, s12, s7, $0xb8;
	[tilespmem:$0x1D00] =	vst v63  }
0x1a8: {  	s20 =	sadd.s32 $0x5265C, s13;
	s21 =	rddreg [dreg:$0x1e]  }
0x1a9: {  	[tilespmem:s19], [sflag:$0x1] =	stream.indirect.gather [hbm4b:s20+s7], $0x1, s12, s7, $0xb8;
	[tilespmem:$0x1D00] =	vst v63  }
0x1aa: {  	s22 =	sadd.s32 $0x55730, s13;
	s23 =	rddreg [dreg:$0x1f]  }
0x1ab: {  	[tilespmem:s21], [sflag:$0x1] =	stream.indirect.gather [hbm4b:s22+s7], $0x1, s12, s7, $0xb8;
	[tilespmem:$0x1D00] =	vst v63  }
0x1ac: {  	s24 =	sadd.s32 $0x58804, s13;
	s25 =	sld [smem:$0x7FB]  }
0x1ad: {  	[tilespmem:s23], [sflag:$0x1] =	stream.indirect.gather [hbm4b:s24+s7], $0x1, s12, s7, $0xb8;
	[tilespmem:$0x1D00] =	vst v63  }
0x1ae: {  	s26 =	sadd.s32 $0x5B8D8, s13;
	s28 =	sld [smem:$0x7FC]  }
0x1af: {  	[tilespmem:s25], [sflag:$0x1] =	stream.indirect.gather [hbm4b:s26+s7], $0x1, s12, s7, $0xb8;
	[tilespmem:$0x1D00] =	vst v63  }
0x1b0: {  	s29 =	sadd.s32 $0x5E9AC, s13  }
0x1b1: {  	[tilespmem:s28], [sflag:$0x1] =	stream.indirect.gather [hbm4b:s29+s7], $0x1, s12, s7, $0xb8;
	[tilespmem:$0x1D00] =	vst v63  }
0x1b2: {  	_ =	swait.ge [sflag:s9], $0x80  }
0x1b3: {  	[sflag:s9] =	ssyncset.done $0x0  }
0x1b4: {  	[sflag:s9] =	ssyncadd.s32 $0xFFFFFF80  }
0x1b5: {  	_ =	swait.ge [sflag:s9], $0x80  }
0x1b6: {  	[sflag:s9] =	ssyncset.done $0x0  }
0x1b7: {  	[sflag:s9] =	ssyncadd.s32 $0xFFFFFF80  }
0x1b8: {  	_ =	swait.ge [sflag:s9], $0x80  }
0x1b9: {  	[sflag:s9] =	ssyncset.done $0x0  }
0x1ba: {  	[sflag:s9] =	ssyncadd.s32 $0xFFFFFF80  }
0x1bb: {  	_ =	swait.ge [sflag:s9], $0x80  }
0x1bc: {  	[sflag:s9] =	ssyncset.done $0x0  }
0x1bd: {  	[sflag:s9] =	ssyncadd.s32 $0xFFFFFF80  }
0x1be: {  	_ =	swait.ge [sflag:s9], $0x80  }
0x1bf: {  	[sflag:s9] =	ssyncset.done $0x0  }
0x1c0: {  	[sflag:s9] =	ssyncadd.s32 $0xFFFFFF80  }
0x1c1: {  	_ =	swait.ge [sflag:s9], $0x80  }
0x1c2: {  	[sflag:s9] =	ssyncset.done $0x0  }
0x1c3: {  	[sflag:s9] =	ssyncadd.s32 $0xFFFFFF80  }
0x1c4: {  	_ =	swait.ge [sflag:s9], $0x80  }
0x1c5: {  	[sflag:s9] =	ssyncset.done $0x0  }
0x1c6: {  	[sflag:s9] =	ssyncadd.s32 $0xFFFFFF80  }
0x1c7: {  	_ =	swait.ge [sflag:s9], $0x80  }
0x1c8: {  	[sflag:s9] =	ssyncset.done $0x0  }
0x1c9: {  	[sflag:s9] =	ssyncadd.s32 $0xFFFFFF80  }
0x1ca: {  	_ =	swait.ge [sflag:s9], $0x80  }
0x1cb: {  	[sflag:s9] =	ssyncset.done $0x0  }
0x1cc: {  	[sflag:s9] =	ssyncadd.s32 $0xFFFFFF80  }
0x1cd: {  	_ =	swait.ge [sflag:s9], $0x80  }
0x1ce: {  	[sflag:s9] =	ssyncset.done $0x0  }
0x1cf: {  	[sflag:s9] =	ssyncadd.s32 $0xFFFFFF80  }
0x1d0: {  	_ =	swait.ge [sflag:s9], $0x80  }
0x1d1: {  	[sflag:s9] =	ssyncset.done $0x0  }
0x1d2: {  	[sflag:s9] =	ssyncadd.s32 $0xFFFFFF80  }
0x1d3: {  	_ =	swait.ge [sflag:s9], $0x80  }
0x1d4: {  	[sflag:s9] =	ssyncset.done $0x0  }
0x1d5: {  	[sflag:s9] =	ssyncadd.s32 $0xFFFFFF80  }
0x1d6: {  	_ =	swait.ge [sflag:s9], $0x80  }
0x1d7: {  	[sflag:s9] =	ssyncset.done $0x0  }
0x1d8: {  	[sflag:s9] =	ssyncadd.s32 $0xFFFFFF80  }
0x1d9: {  	_ =	swait.ge [sflag:s9], $0x80  }
0x1da: {  	[sflag:s9] =	ssyncset.done $0x0  }
0x1db: {  	[sflag:s9] =	ssyncadd.s32 $0xFFFFFF80  }
0x1dc: {  	_ =	swait.ge [sflag:s9], $0x80  }
0x1dd: {  	[sflag:s9] =	ssyncset.done $0x0  }
0x1de: {  	[sflag:s9] =	ssyncadd.s32 $0xFFFFFF80  }
0x1df: {  	_ =	swait.ge [sflag:s9], $0x80  }
0x1e0: {  	[sflag:s9] =	ssyncset.done $0x0  }
0x1e1: {  	[sflag:s9] =	ssyncadd.s32 $0xFFFFFF80  }
0x1e2: {  	_ =	swait.ge [sflag:s9], $0x80  }
0x1e3: {  	[sflag:s9] =	ssyncset.done $0x0  }
0x1e4: {  	[sflag:s9] =	ssyncadd.s32 $0xFFFFFF80  }
0x1e5: {  	_ =	swait.ge [sflag:s9], $0x80  }
0x1e6: {  	[sflag:s9] =	ssyncset.done $0x0  }
0x1e7: {  	[sflag:s9] =	ssyncadd.s32 $0xFFFFFF80  }
0x1e8: {  	_ =	swait.ge [sflag:s9], $0x80  }
0x1e9: {  	[sflag:s9] =	ssyncset.done $0x0  }
0x1ea: {  	[sflag:s9] =	ssyncadd.s32 $0xFFFFFF80  }
0x1eb: {  	_ =	swait.ge [sflag:s9], $0x80  }
0x1ec: {  	[sflag:s9] =	ssyncset.done $0x0  }
0x1ed: {  	[sflag:s9] =	ssyncadd.s32 $0xFFFFFF80  }
0x1ee: {  	_ =	swait.ge [sflag:s9], $0x80  }
0x1ef: {  	[sflag:s9] =	ssyncset.done $0x0  }
0x1f0: {  	[sflag:s9] =	ssyncadd.s32 $0xFFFFFF80  }
0x1f1: {  	_ =	swait.ge [sflag:s9], $0x80  }
0x1f2: {  	[sflag:s9] =	ssyncset.done $0x0  }
0x1f3: {  	[sflag:s9] =	ssyncadd.s32 $0xFFFFFF80  }
0x1f4: {  	_ =	swait.ge [sflag:s9], $0x80  }
0x1f5: {  	[sflag:s9] =	ssyncset.done $0x0  }
0x1f6: {  	[sflag:s9] =	ssyncadd.s32 $0xFFFFFF80  }
0x1f7: {  	_ =	swait.ge [sflag:s9], $0x80  }
0x1f8: {  	[sflag:s9] =	ssyncset.done $0x0  }
0x1f9: {  	[sflag:s9] =	ssyncadd.s32 $0xFFFFFF80  }
0x1fa: {  	_ =	swait.ge [sflag:s9], $0x80  }
0x1fb: {  	[sflag:s9] =	ssyncset.done $0x0  }
0x1fc: {  	[sflag:s9] =	ssyncadd.s32 $0xFFFFFF80  }
0x1fd: {  	_ =	swait.ge [sflag:s9], $0x80  }
0x1fe: {  	[sflag:s9] =	ssyncset.done $0x0  }
0x1ff: {  	[sflag:s9] =	ssyncadd.s32 $0xFFFFFF80  }
0x200: {  	_ =	swait.ge [sflag:s9], $0x80  }
0x201: {  	[sflag:s9] =	ssyncset.done $0x0  }
0x202: {  	[sflag:s9] =	ssyncadd.s32 $0xFFFFFF80  }
0x203: {  	_ =	swait.ge [sflag:s9], $0x80  }
0x204: {  	[sflag:s9] =	ssyncset.done $0x0  }
0x205: {  	[sflag:s9] =	ssyncadd.s32 $0xFFFFFF80  }
0x206: {  	_ =	swait.ge [sflag:s9], $0x80  }
0x207: {  	[sflag:s9] =	ssyncset.done $0x0  }
0x208: {  	[sflag:s9] =	ssyncadd.s32 $0xFFFFFF80  }
0x209: {  	_ =	swait.ge [sflag:s9], $0x80  }
0x20a: {  	[sflag:s9] =	ssyncset.done $0x0  }
0x20b: {  	[sflag:s9] =	ssyncadd.s32 $0xFFFFFF80  }
0x20c: {  	_ =	swait.ge [sflag:s9], $0x80  }
0x20d: {  	[sflag:s9] =	ssyncset.done $0x0  }
0x20e: {  	[sflag:s9] =	ssyncadd.s32 $0xFFFFFF80  }
0x20f: {  	_ =	swait.ge [sflag:s9], $0x80  }
0x210: {  	s10 =	sadd.s32 $0x1, s10;
	s31 =	sld [smem:$0x7FD]  }
0x211: {  	p0 =	sne.s32 s10, s5;
	s30 =	rddreg [dreg:$0x2];
	[sflag:s9] =	ssyncset.done $0x0  }
.Ltmp1:
0x212: {  	[sflag:s9] =	ssyncadd.s32 $0xFFFFFF80;
	s11 =	sadd.s32 s11, s30;
	(pc) =	sbr.rel @p0 .LBB2_1-.Ltmp1, $4  }
0x213: {  	[hbm4b:s11+s7] =	stream.strided.scatter [tilespmem:s8], [sflag:$0x2], $0x1000, s31, s7, $0x38;
	[tilespmem:$0x1D00] =	vst v63  }
0x214: {  	_ =	swait.ge [sflag:s6], $0x1000  }
0x215: {  	[sflag:s6] =	ssyncset.done $0x0  }
0x216: {  	[sflag:s6] =	ssyncadd.s32 $0xFFFFF000  }
0x217: {  	_ =	sfence.sel $0x180000  }
0x218: {  	[bflag:$0x0] =	sbarrier.arrive $0xFFFF  }
0x219: {  	p0 =	sne.s32 s1, $0x0;
	_ =	strace $0x9000004A  }
0x21a: {  	s0 =	sadd.s32 @!p0 $0x100000, s0;
	[bflag:$0x2] =	sbarrier.arrive $0xFFFF  }
0x21b: {  	[sflag:s0] =	ssyncadd.tile.s32 @!p0 $0x1;
	_ =	shalt  }
.Lfunc_end2:
_tile_overlayer_lowered:
.L_overlay_start_2:
0x21c: {  	(tag) =	ssettag $0x2  }
0x21d: {  	s0 =	rddreg [dreg:$0x0];
	s2 =	stileid.u32  }
0x21e: {  	s1 =	rddreg [dreg:$0x1];
	p0 =	sne.s32 s2, $0x0  }
0x21f: {  	s3 =	rddreg [dreg:$0x2];
	[bflag:$0x3] =	sbarrier.arrive $0xFFFF;
	s2 =	simm.s32 @!p0 $0x1C02  }
0x220: {  	[timem:s3], [sflag:s2] =	dma.local @!p0 [hbm:s0], s1  }
0x221: {  	s0 =	simm.s32 @!p0 $0x2  }
0x222: {  	_ =	swait.ge @!p0 [sflag:s0], s1  }
0x223: {  	s1 =	ssub.s32 @!p0 $0x0, s1;
	[sflag:s0] =	ssyncset.done @!p0 $0x0  }
0x224: {  	[sflag:s0] =	ssyncadd.s32 @!p0 s1  }
0x225: {  	[bflag:$0x3] =	sbarrier.arrive $0xFFFF  }
0x226: {  	_ =	shalt  }

</sc_bundles>
